<compile_context>
chip_gen: v7x
topology: tpu7x:2x2x1
jax: 0.10.2.dev20260603
libtpu: 0.0.44.dev20260713+nightly
codegen_flags: <defaults>
</compile_context>

<pallas_src>
import functools

import jax
import jax.numpy as jnp
from jax import lax
from jax.experimental import pallas as pl
from jax.experimental.pallas import tpu as pltpu
from jax.experimental.pallas import tpu_sc as plsc

_N = 16384
_B = 64
_R = 64
_SIDE = 8
_NC = 2
_NS = 16
_NW = _NC * _NS
_CHUNK = _N // _NS
_ROWS_PER_W = _B // _NW


def _body(x_hbm, y_hbm, e_hbm, ids_hbm, w_hbm,
          xv, yv, idv, effv, cacc, cpart, idsv, e0, e1, acc0, acc1,
          cbuf, wv0, wv1, sem_e, sem_xy, sem_p2, eff_sh, c_sh):
    c = lax.axis_index("c")
    s = lax.axis_index("s")
    w = c * _NS + s
    lane = lax.iota(jnp.int32, 16)
    zeros16 = jnp.zeros((16,), jnp.float32)
    ones16 = jnp.full((16,), 1.0, jnp.float32)

    b0 = w * _ROWS_PER_W
    b1 = b0 + 1
    h_e0 = pltpu.async_copy(e_hbm.at[b0], e0, sem_e)
    h_e1 = pltpu.async_copy(e_hbm.at[b1], e1, sem_e)

    base = s * _CHUNK
    h_x = pltpu.async_copy(x_hbm.at[pl.ds(base, _CHUNK)], xv, sem_xy)
    h_y = pltpu.async_copy(y_hbm.at[pl.ds(base, _CHUNK)], yv, sem_xy)

    @plsc.parallel_loop(0, _R, unroll=8)
    def init1(i):
        cacc[pl.ds(i * 16, 16)] = zeros16

    h_x.wait()
    h_y.wait()

    @plsc.parallel_loop(0, _CHUNK // 16, unroll=8)
    def p1(i):
        o = i * 16
        x = xv[pl.ds(o, 16)]
        y = yv[pl.ds(o, 16)]
        cx = jnp.clip((x * float(_SIDE)).astype(jnp.int32), 0, _SIDE - 1)
        cy = jnp.clip((y * float(_SIDE)).astype(jnp.int32), 0, _SIDE - 1)
        rid = jnp.minimum(cy * _SIDE + cx, _R - 1)
        idv[pl.ds(o, 16)] = rid
        eff = rid * 16 + lane
        effv[pl.ds(o, 16)] = eff
        plsc.addupdate_scatter(cacc, [eff], ones16)

    for g in range(_R // 16):
        bidx = (g * 16 + lane) * 16
        acc = zeros16
        for l in range(16):
            acc = acc + plsc.load_gather(cacc, [bidx + l])
        cpart[pl.ds(g * 16, 16)] = acc

    @pl.when(c == 0)
    def _():
        pltpu.sync_copy(idv, ids_hbm.at[pl.ds(base, _CHUNK)])

    pltpu.sync_copy(effv, eff_sh.at[pl.ds(base, _CHUNK)])
    pltpu.sync_copy(cpart, c_sh.at[pl.ds(s * _R, _R)])
    plsc.subcore_barrier()

    h_ids = pltpu.async_copy(eff_sh, idsv, sem_p2)
    h_cb = pltpu.async_copy(c_sh, cbuf, sem_p2)

    @plsc.parallel_loop(0, _R, unroll=8)
    def init2(i):
        acc0[pl.ds(i * 16, 16)] = zeros16
        acc1[pl.ds(i * 16, 16)] = zeros16

    h_ids.wait()
    h_cb.wait()
    h_e0.wait()
    h_e1.wait()

    @plsc.parallel_loop(0, _N // 16, unroll=8)
    def p2(i):
        o = i * 16
        eff = idsv[pl.ds(o, 16)]
        plsc.addupdate_scatter(acc0, [eff], e0[pl.ds(o, 16)])
        plsc.addupdate_scatter(acc1, [eff], e1[pl.ds(o, 16)])

    for g in range(_R // 16):
        o = g * 16
        cn = zeros16
        for t in range(_NS):
            cn = cn + cbuf[pl.ds(t * _R + o, 16)]
        s0 = zeros16
        s1 = zeros16
        bidx = (o + lane) * 16
        for l in range(16):
            s0 = s0 + plsc.load_gather(acc0, [bidx + l])
            s1 = s1 + plsc.load_gather(acc1, [bidx + l])
        safe = jnp.maximum(cn, 1.0)
        nz = cn > 0.0
        wv0[pl.ds(o, 16)] = jnp.where(nz, s0 / safe, 0.0)
        wv1[pl.ds(o, 16)] = jnp.where(nz, s1 / safe, 0.0)

    pltpu.sync_copy(wv0, w_hbm.at[b0])
    pltpu.sync_copy(wv1, w_hbm.at[b1])


_voronoi_sc = functools.partial(
    pl.kernel,
    out_type=[
        jax.ShapeDtypeStruct((_N,), jnp.int32),
        jax.ShapeDtypeStruct((_B, _R), jnp.float32),
    ],
    mesh=plsc.VectorSubcoreMesh(core_axis_name="c", subcore_axis_name="s"),
    compiler_params=pltpu.CompilerParams(needs_layout_passes=False),
    scratch_types=[
        pltpu.VMEM((_CHUNK,), jnp.float32),
        pltpu.VMEM((_CHUNK,), jnp.float32),
        pltpu.VMEM((_CHUNK,), jnp.int32),
        pltpu.VMEM((_CHUNK,), jnp.int32),
        pltpu.VMEM((_R * 16,), jnp.float32),
        pltpu.VMEM((_R,), jnp.float32),
        pltpu.VMEM((_N,), jnp.int32),
        pltpu.VMEM((_N,), jnp.float32),
        pltpu.VMEM((_N,), jnp.float32),
        pltpu.VMEM((_R * 16,), jnp.float32),
        pltpu.VMEM((_R * 16,), jnp.float32),
        pltpu.VMEM((_NS * _R,), jnp.float32),
        pltpu.VMEM((_R,), jnp.float32),
        pltpu.VMEM((_R,), jnp.float32),
        pltpu.SemaphoreType.DMA,
        pltpu.SemaphoreType.DMA,
        pltpu.SemaphoreType.DMA,
        pltpu.VMEM_SHARED((_N,), jnp.int32),
        pltpu.VMEM_SHARED((_NS * _R,), jnp.float32),
    ],
)(_body)


def kernel(coords, entropy_spatial):
    xs = coords[:, 0]
    ys = coords[:, 1]
    ids, weights = _voronoi_sc(xs, ys, entropy_spatial)
    return ids.astype(jnp.int64), weights

# --- scband reference (transcript-rebuilt; emitter-appended) ---
"""Pipeline reference for scband-voronoi-spatial-partitioner-80393197846795 (READ-ONLY COPY).

The authoritative reference and input builder live on the scoring server;
editing this copy changes nothing except your own understanding.
"""

import jax, jax.numpy as jnp
import numpy as np

NUM_REGIONS = 64


def setup_inputs(seed: int = 0) -> dict:
    key = jax.random.key(seed)
    k1, k2 = jax.random.split(key)
    coords = jax.random.uniform(k1, (16384, 2), dtype=jnp.float32)
    entropy_spatial = jax.random.uniform(k2, (64, 16384), dtype=jnp.float32)
    return {"coords": coords, "entropy_spatial": entropy_spatial}


def reference(coords, entropy_spatial):
    # side = max(1, int(sqrt(num_regions)))
    side = max(1, int(NUM_REGIONS ** 0.5))
    xs = jnp.clip((coords[:, 0] * side).astype(jnp.int32), 0, side - 1)
    ys = jnp.clip((coords[:, 1] * side).astype(jnp.int32), 0, side - 1)
    region_ids = ys * side + xs
    region_ids = jnp.minimum(region_ids, NUM_REGIONS - 1)
    # region mean of entropy per batch: segment_sum over patches, divide by counts
    # entropy_spatial: [B, N] -> transpose to [N, B] for leading-axis segment reduce
    sums = jax.ops.segment_sum(entropy_spatial.T, region_ids, num_segments=NUM_REGIONS)  # [R, B]
    counts = jax.ops.segment_sum(jnp.ones((coords.shape[0],), dtype=jnp.float32), region_ids, num_segments=NUM_REGIONS)  # [R]
    safe_counts = jnp.maximum(counts, 1.0)
    region_weights = jnp.where(counts[:, None] > 0, sums / safe_counts[:, None], 0.0).T  # [B, R]
    return region_ids.astype(jnp.int64), region_weights

if __name__ == "__main__":
    import jax
    _d = setup_inputs()
    print(jax.jit(kernel)(*tuple(_d.values())))

</pallas_src>

<mosaic_0001>
#map = affine_map<(d0, d1) -> (0)>
#map1 = affine_map<(d0, d1) -> (0, 0)>
module attributes {stable_mosaic.version = 14 : i64} {
  func.func @_body(%arg0: i32, %arg1: i32, %arg2: memref<16384xf32, #tpu.memory_space<hbm>>, %arg3: memref<16384xf32, #tpu.memory_space<hbm>>, %arg4: memref<64x16384xf32, #tpu.memory_space<hbm>>, %arg5: memref<16384xi32, #tpu.memory_space<hbm>>, %arg6: memref<64x64xf32, #tpu.memory_space<hbm>>, %arg7: memref<1024xf32, #tpu.memory_space<vmem>>, %arg8: memref<1024xf32, #tpu.memory_space<vmem>>, %arg9: memref<1024xi32, #tpu.memory_space<vmem>>, %arg10: memref<1024xi32, #tpu.memory_space<vmem>>, %arg11: memref<1024xf32, #tpu.memory_space<vmem>>, %arg12: memref<64xf32, #tpu.memory_space<vmem>>, %arg13: memref<16384xi32, #tpu.memory_space<vmem>>, %arg14: memref<16384xf32, #tpu.memory_space<vmem>>, %arg15: memref<16384xf32, #tpu.memory_space<vmem>>, %arg16: memref<1024xf32, #tpu.memory_space<vmem>>, %arg17: memref<1024xf32, #tpu.memory_space<vmem>>, %arg18: memref<1024xf32, #tpu.memory_space<vmem>>, %arg19: memref<64xf32, #tpu.memory_space<vmem>>, %arg20: memref<64xf32, #tpu.memory_space<vmem>>, %arg21: memref<!tpu.dma_semaphore, #tpu.memory_space<semaphore_mem>>, %arg22: memref<!tpu.dma_semaphore, #tpu.memory_space<semaphore_mem>>, %arg23: memref<!tpu.dma_semaphore, #tpu.memory_space<semaphore_mem>>, %arg24: memref<16384xi32, #tpu.memory_space<vmem_shared>>, %arg25: memref<1024xf32, #tpu.memory_space<vmem_shared>>) attributes {dimension_semantics = [#tpu.dimension_semantics<core_parallel>, #tpu.dimension_semantics<subcore_parallel>], iteration_bounds = array<i64: 2, 16>, scalar_prefetch = 0 : i64, scratch_operands = 19 : i64, tpu.core_type = #tpu.core_type<sc_vector_subcore>, window_params = [{transform_indices = #map}, {transform_indices = #map}, {transform_indices = #map1}, {transform_indices = #map}, {transform_indices = #map1}]} {
    %mul3A = arith.constant 16 : i32
    %mul3A_0 = arith.muli %arg0, %mul3A : i32
    %add3A = arith.addi %mul3A_0, %arg1 : i32
    %iota3A = tpu.iota {dimensions = array<i32: 0>} : vector<16xi32>
    %broadcast_in_dim3A = arith.constant 0.000000e+00 : f32
    %broadcast_in_dim3A_1 = vector.broadcast %broadcast_in_dim3A : f32 to vector<16xf32>
    %broadcast_in_dim3A_2 = arith.constant 1.000000e+00 : f32
    %broadcast_in_dim3A_3 = vector.broadcast %broadcast_in_dim3A_2 : f32 to vector<16xf32>
    %mul3A_4 = arith.constant 2 : i32
    %mul3A_5 = arith.muli %add3A, %mul3A_4 : i32
    %add3A_6 = arith.constant 1 : i32
    %add3A_7 = arith.addi %mul3A_5, %add3A_6 : i32
    %dma_start3A = arith.constant 0 : i32
    %dma_start3A_8 = tpu.memref_slice %arg4[%mul3A_5, %dma_start3A] : memref<64x16384xf32, #tpu.memory_space<hbm>> -> memref<1x16384xf32, #tpu.memory_space<hbm>>
    %dma_start3A_9 = tpu.memref_squeeze %dma_start3A_8 : memref<1x16384xf32, #tpu.memory_space<hbm>> -> memref<16384xf32, #tpu.memory_space<hbm>>
    %dma_start3A_10 = arith.constant 0 : i32
    %dma_start3A_11 = tpu.memref_slice %arg4[%mul3A_5, %dma_start3A_10] : memref<64x16384xf32, #tpu.memory_space<hbm>> -> memref<1x16384xf32, #tpu.memory_space<hbm>>
    %dma_start3A_12 = tpu.memref_squeeze %dma_start3A_11 : memref<1x16384xf32, #tpu.memory_space<hbm>> -> memref<16384xf32, #tpu.memory_space<hbm>>
    tpu.enqueue_dma source(%dma_start3A_12 : memref<16384xf32, #tpu.memory_space<hbm>>) target(%arg14 : memref<16384xf32, #tpu.memory_space<vmem>>) target_semaphore(%arg21 : memref<!tpu.dma_semaphore, #tpu.memory_space<semaphore_mem>>)
    %dma_start3A_13 = arith.constant 0 : i32
    %dma_start3A_14 = tpu.memref_slice %arg4[%add3A_7, %dma_start3A_13] : memref<64x16384xf32, #tpu.memory_space<hbm>> -> memref<1x16384xf32, #tpu.memory_space<hbm>>
    %dma_start3A_15 = tpu.memref_squeeze %dma_start3A_14 : memref<1x16384xf32, #tpu.memory_space<hbm>> -> memref<16384xf32, #tpu.memory_space<hbm>>
    %dma_start3A_16 = arith.constant 0 : i32
    %dma_start3A_17 = tpu.memref_slice %arg4[%add3A_7, %dma_start3A_16] : memref<64x16384xf32, #tpu.memory_space<hbm>> -> memref<1x16384xf32, #tpu.memory_space<hbm>>
    %dma_start3A_18 = tpu.memref_squeeze %dma_start3A_17 : memref<1x16384xf32, #tpu.memory_space<hbm>> -> memref<16384xf32, #tpu.memory_space<hbm>>
    tpu.enqueue_dma source(%dma_start3A_18 : memref<16384xf32, #tpu.memory_space<hbm>>) target(%arg15 : memref<16384xf32, #tpu.memory_space<vmem>>) target_semaphore(%arg21 : memref<!tpu.dma_semaphore, #tpu.memory_space<semaphore_mem>>)
    %mul3A_19 = arith.constant 1024 : i32
    %mul3A_20 = arith.muli %arg1, %mul3A_19 : i32
    %dma_start3A_21 = tpu.memref_slice %arg2[%mul3A_20] : memref<16384xf32, #tpu.memory_space<hbm>> -> memref<1024xf32, #tpu.memory_space<hbm>>
    %dma_start3A_22 = tpu.memref_slice %arg2[%mul3A_20] : memref<16384xf32, #tpu.memory_space<hbm>> -> memref<1024xf32, #tpu.memory_space<hbm>>
    tpu.enqueue_dma source(%dma_start3A_22 : memref<1024xf32, #tpu.memory_space<hbm>>) target(%arg7 : memref<1024xf32, #tpu.memory_space<vmem>>) target_semaphore(%arg22 : memref<!tpu.dma_semaphore, #tpu.memory_space<semaphore_mem>>)
    %dma_start3A_23 = tpu.memref_slice %arg3[%mul3A_20] : memref<16384xf32, #tpu.memory_space<hbm>> -> memref<1024xf32, #tpu.memory_space<hbm>>
    %dma_start3A_24 = tpu.memref_slice %arg3[%mul3A_20] : memref<16384xf32, #tpu.memory_space<hbm>> -> memref<1024xf32, #tpu.memory_space<hbm>>
    tpu.enqueue_dma source(%dma_start3A_24 : memref<1024xf32, #tpu.memory_space<hbm>>) target(%arg8 : memref<1024xf32, #tpu.memory_space<vmem>>) target_semaphore(%arg22 : memref<!tpu.dma_semaphore, #tpu.memory_space<semaphore_mem>>)
    %parallel_loop3A = arith.constant 0 : i32
    %parallel_loop3A_25 = arith.constant 64 : i32
    %parallel_loop3A_26 = arith.constant 1 : i32
    scf.for %parallel_loop3A_1327 = %parallel_loop3A to %parallel_loop3A_25 step %parallel_loop3A_26  : i32 {
      %parallel_loop3A_1328 = arith.constant 16 : i32
      %parallel_loop3A_1329 = arith.muli %parallel_loop3A_1327, %parallel_loop3A_1328 : i32
      %parallel_loop3A_1330 = arith.index_cast %parallel_loop3A_1329 : i32 to index
      %parallel_loop3A_1331 = tpu.vector_load %arg11[%parallel_loop3A_1330] {strides = array<i32>} : memref<1024xf32, #tpu.memory_space<vmem>>, vector<16xf32>,
      tpu.vector_store %arg11[%parallel_loop3A_1330], %broadcast_in_dim3A_1 {strides = array<i32>} : memref<1024xf32, #tpu.memory_space<vmem>>, vector<16xf32>,
    } {sc.loop_unroll_factor = 8 : i64, sc.parallel_access}
    %dma_wait3A = tpu.memref_slice %arg2[%mul3A_20] : memref<16384xf32, #tpu.memory_space<hbm>> -> memref<1024xf32, #tpu.memory_space<hbm>>
    %dma_wait3A_27 = tpu.memref_slice %arg2[%mul3A_20] : memref<16384xf32, #tpu.memory_space<hbm>> -> memref<1024xf32, #tpu.memory_space<hbm>>
    tpu.wait_dma2 semaphore(%arg22 : memref<!tpu.dma_semaphore, #tpu.memory_space<semaphore_mem>>) src(%dma_wait3A_27 : memref<1024xf32, #tpu.memory_space<hbm>>) dst(%arg7 : memref<1024xf32, #tpu.memory_space<vmem>>)
    %dma_wait3A_28 = tpu.memref_slice %arg3[%mul3A_20] : memref<16384xf32, #tpu.memory_space<hbm>> -> memref<1024xf32, #tpu.memory_space<hbm>>
    %dma_wait3A_29 = tpu.memref_slice %arg3[%mul3A_20] : memref<16384xf32, #tpu.memory_space<hbm>> -> memref<1024xf32, #tpu.memory_space<hbm>>
    tpu.wait_dma2 semaphore(%arg22 : memref<!tpu.dma_semaphore, #tpu.memory_space<semaphore_mem>>) src(%dma_wait3A_29 : memref<1024xf32, #tpu.memory_space<hbm>>) dst(%arg8 : memref<1024xf32, #tpu.memory_space<vmem>>)
    %parallel_loop3A_30 = arith.constant 0 : i32
    %parallel_loop3A_31 = arith.constant 64 : i32
    %parallel_loop3A_32 = arith.constant 1 : i32
    scf.for %parallel_loop3A_1327 = %parallel_loop3A_30 to %parallel_loop3A_31 step %parallel_loop3A_32  : i32 {
      %parallel_loop3A_1328 = arith.constant 16 : i32
      %parallel_loop3A_1329 = arith.muli %parallel_loop3A_1327, %parallel_loop3A_1328 : i32
      %parallel_loop3A_1330 = arith.index_cast %parallel_loop3A_1329 : i32 to index
      %parallel_loop3A_1331 = tpu.vector_load %arg7[%parallel_loop3A_1330] {strides = array<i32>} : memref<1024xf32, #tpu.memory_space<vmem>>, vector<16xf32>,
      %parallel_loop3A_1332 = arith.index_cast %parallel_loop3A_1329 : i32 to index
      %parallel_loop3A_1333 = tpu.vector_load %arg8[%parallel_loop3A_1332] {strides = array<i32>} : memref<1024xf32, #tpu.memory_space<vmem>>, vector<16xf32>,
      %parallel_loop3A_1334 = arith.constant 8.000000e+00 : f32
      %parallel_loop3A_1335 = vector.broadcast %parallel_loop3A_1334 : f32 to vector<16xf32>
      %parallel_loop3A_1336 = arith.mulf %parallel_loop3A_1331, %parallel_loop3A_1335 : vector<16xf32>
      %parallel_loop3A_1337 = arith.fptosi %parallel_loop3A_1336 : vector<16xf32> to vector<16xi32>
      %parallel_loop3A_1338 = arith.constant 0 : i32
      %parallel_loop3A_1339 = arith.constant 7 : i32
      %parallel_loop3A_1340 = vector.broadcast %parallel_loop3A_1338 : i32 to vector<16xi32>
      %parallel_loop3A_1341 = arith.maxsi %parallel_loop3A_1340, %parallel_loop3A_1337 : vector<16xi32>
      %parallel_loop3A_1342 = vector.broadcast %parallel_loop3A_1339 : i32 to vector<16xi32>
      %parallel_loop3A_1343 = arith.minsi %parallel_loop3A_1342, %parallel_loop3A_1341 : vector<16xi32>
      %parallel_loop3A_1344 = arith.constant 8.000000e+00 : f32
      %parallel_loop3A_1345 = vector.broadcast %parallel_loop3A_1344 : f32 to vector<16xf32>
      %parallel_loop3A_1346 = arith.mulf %parallel_loop3A_1333, %parallel_loop3A_1345 : vector<16xf32>
      %parallel_loop3A_1347 = arith.fptosi %parallel_loop3A_1346 : vector<16xf32> to vector<16xi32>
      %parallel_loop3A_1348 = arith.constant 0 : i32
      %parallel_loop3A_1349 = arith.constant 7 : i32
      %parallel_loop3A_1350 = vector.broadcast %parallel_loop3A_1348 : i32 to vector<16xi32>
      %parallel_loop3A_1351 = arith.maxsi %parallel_loop3A_1350, %parallel_loop3A_1347 : vector<16xi32>
      %parallel_loop3A_1352 = vector.broadcast %parallel_loop3A_1349 : i32 to vector<16xi32>
      %parallel_loop3A_1353 = arith.minsi %parallel_loop3A_1352, %parallel_loop3A_1351 : vector<16xi32>
      %parallel_loop3A_1354 = arith.constant 8 : i32
      %parallel_loop3A_1355 = vector.broadcast %parallel_loop3A_1354 : i32 to vector<16xi32>
      %parallel_loop3A_1356 = arith.muli %parallel_loop3A_1353, %parallel_loop3A_1355 : vector<16xi32>
      %parallel_loop3A_1357 = arith.addi %parallel_loop3A_1356, %parallel_loop3A_1343 : vector<16xi32>
      %parallel_loop3A_1358 = arith.constant 63 : i32
      %parallel_loop3A_1359 = vector.broadcast %parallel_loop3A_1358 : i32 to vector<16xi32>
      %parallel_loop3A_1360 = arith.minsi %parallel_loop3A_1357, %parallel_loop3A_1359 : vector<16xi32>
      %parallel_loop3A_1361 = arith.index_cast %parallel_loop3A_1329 : i32 to index
      %parallel_loop3A_1362 = tpu.vector_load %arg9[%parallel_loop3A_1361] {strides = array<i32>} : memref<1024xi32, #tpu.memory_space<vmem>>, vector<16xi32>,
      tpu.vector_store %arg9[%parallel_loop3A_1361], %parallel_loop3A_1360 {strides = array<i32>} : memref<1024xi32, #tpu.memory_space<vmem>>, vector<16xi32>,
      %parallel_loop3A_1363 = arith.constant 16 : i32
      %parallel_loop3A_1364 = vector.broadcast %parallel_loop3A_1363 : i32 to vector<16xi32>
      %parallel_loop3A_1365 = arith.muli %parallel_loop3A_1360, %parallel_loop3A_1364 : vector<16xi32>
      %parallel_loop3A_1366 = arith.addi %parallel_loop3A_1365, %iota3A : vector<16xi32>
      %parallel_loop3A_1367 = arith.index_cast %parallel_loop3A_1329 : i32 to index
      %parallel_loop3A_1368 = tpu.vector_load %arg10[%parallel_loop3A_1367] {strides = array<i32>} : memref<1024xi32, #tpu.memory_space<vmem>>, vector<16xi32>,
      tpu.vector_store %arg10[%parallel_loop3A_1367], %parallel_loop3A_1366 {strides = array<i32>} : memref<1024xi32, #tpu.memory_space<vmem>>, vector<16xi32>,
      tpu.vector_store_idx %arg11[%parallel_loop3A_1366], %broadcast_in_dim3A_3 {add = true} : memref<1024xf32, #tpu.memory_space<vmem>>[vector<16xi32>], vector<16xf32>,
    } {sc.loop_unroll_factor = 8 : i64, sc.parallel_access}
    %add3A_33 = arith.constant 0 : i32
    %add3A_34 = vector.broadcast %add3A_33 : i32 to vector<16xi32>
    %add3A_35 = arith.addi %add3A_34, %iota3A : vector<16xi32>
    %mul3A_36 = arith.constant 16 : i32
    %mul3A_37 = vector.broadcast %mul3A_36 : i32 to vector<16xi32>
    %mul3A_38 = arith.muli %add3A_35, %mul3A_37 : vector<16xi32>
    %add3A_39 = arith.constant 0 : i32
    %add3A_40 = vector.broadcast %add3A_39 : i32 to vector<16xi32>
    %add3A_41 = arith.addi %mul3A_38, %add3A_40 : vector<16xi32>
    %gather3A = tpu.vector_load_idx %arg11[%add3A_41] : memref<1024xf32, #tpu.memory_space<vmem>>[vector<16xi32>], vector<16xf32>,
    %add3A_42 = arith.addf %broadcast_in_dim3A_1, %gather3A : vector<16xf32>
    %add3A_43 = arith.constant 1 : i32
    %add3A_44 = vector.broadcast %add3A_43 : i32 to vector<16xi32>
    %add3A_45 = arith.addi %mul3A_38, %add3A_44 : vector<16xi32>
    %gather3A_46 = tpu.vector_load_idx %arg11[%add3A_45] : memref<1024xf32, #tpu.memory_space<vmem>>[vector<16xi32>], vector<16xf32>,
    %add3A_47 = arith.addf %add3A_42, %gather3A_46 : vector<16xf32>
    %add3A_48 = arith.constant 2 : i32
    %add3A_49 = vector.broadcast %add3A_48 : i32 to vector<16xi32>
    %add3A_50 = arith.addi %mul3A_38, %add3A_49 : vector<16xi32>
    %gather3A_51 = tpu.vector_load_idx %arg11[%add3A_50] : memref<1024xf32, #tpu.memory_space<vmem>>[vector<16xi32>], vector<16xf32>,
    %add3A_52 = arith.addf %add3A_47, %gather3A_51 : vector<16xf32>
    %add3A_53 = arith.constant 3 : i32
    %add3A_54 = vector.broadcast %add3A_53 : i32 to vector<16xi32>
    %add3A_55 = arith.addi %mul3A_38, %add3A_54 : vector<16xi32>
    %gather3A_56 = tpu.vector_load_idx %arg11[%add3A_55] : memref<1024xf32, #tpu.memory_space<vmem>>[vector<16xi32>], vector<16xf32>,
    %add3A_57 = arith.addf %add3A_52, %gather3A_56 : vector<16xf32>
    %add3A_58 = arith.constant 4 : i32
    %add3A_59 = vector.broadcast %add3A_58 : i32 to vector<16xi32>
    %add3A_60 = arith.addi %mul3A_38, %add3A_59 : vector<16xi32>
    %gather3A_61 = tpu.vector_load_idx %arg11[%add3A_60] : memref<1024xf32, #tpu.memory_space<vmem>>[vector<16xi32>], vector<16xf32>,
    %add3A_62 = arith.addf %add3A_57, %gather3A_61 : vector<16xf32>
    %add3A_63 = arith.constant 5 : i32
    %add3A_64 = vector.broadcast %add3A_63 : i32 to vector<16xi32>
    %add3A_65 = arith.addi %mul3A_38, %add3A_64 : vector<16xi32>
    %gather3A_66 = tpu.vector_load_idx %arg11[%add3A_65] : memref<1024xf32, #tpu.memory_space<vmem>>[vector<16xi32>], vector<16xf32>,
    %add3A_67 = arith.addf %add3A_62, %gather3A_66 : vector<16xf32>
    %add3A_68 = arith.constant 6 : i32
    %add3A_69 = vector.broadcast %add3A_68 : i32 to vector<16xi32>
    %add3A_70 = arith.addi %mul3A_38, %add3A_69 : vector<16xi32>
    %gather3A_71 = tpu.vector_load_idx %arg11[%add3A_70] : memref<1024xf32, #tpu.memory_space<vmem>>[vector<16xi32>], vector<16xf32>,
    %add3A_72 = arith.addf %add3A_67, %gather3A_71 : vector<16xf32>
    %add3A_73 = arith.constant 7 : i32
    %add3A_74 = vector.broadcast %add3A_73 : i32 to vector<16xi32>
    %add3A_75 = arith.addi %mul3A_38, %add3A_74 : vector<16xi32>
    %gather3A_76 = tpu.vector_load_idx %arg11[%add3A_75] : memref<1024xf32, #tpu.memory_space<vmem>>[vector<16xi32>], vector<16xf32>,
    %add3A_77 = arith.addf %add3A_72, %gather3A_76 : vector<16xf32>
    %add3A_78 = arith.constant 8 : i32
    %add3A_79 = vector.broadcast %add3A_78 : i32 to vector<16xi32>
    %add3A_80 = arith.addi %mul3A_38, %add3A_79 : vector<16xi32>
    %gather3A_81 = tpu.vector_load_idx %arg11[%add3A_80] : memref<1024xf32, #tpu.memory_space<vmem>>[vector<16xi32>], vector<16xf32>,
    %add3A_82 = arith.addf %add3A_77, %gather3A_81 : vector<16xf32>
    %add3A_83 = arith.constant 9 : i32
    %add3A_84 = vector.broadcast %add3A_83 : i32 to vector<16xi32>
    %add3A_85 = arith.addi %mul3A_38, %add3A_84 : vector<16xi32>
    %gather3A_86 = tpu.vector_load_idx %arg11[%add3A_85] : memref<1024xf32, #tpu.memory_space<vmem>>[vector<16xi32>], vector<16xf32>,
    %add3A_87 = arith.addf %add3A_82, %gather3A_86 : vector<16xf32>
    %add3A_88 = arith.constant 10 : i32
    %add3A_89 = vector.broadcast %add3A_88 : i32 to vector<16xi32>
    %add3A_90 = arith.addi %mul3A_38, %add3A_89 : vector<16xi32>
    %gather3A_91 = tpu.vector_load_idx %arg11[%add3A_90] : memref<1024xf32, #tpu.memory_space<vmem>>[vector<16xi32>], vector<16xf32>,
    %add3A_92 = arith.addf %add3A_87, %gather3A_91 : vector<16xf32>
    %add3A_93 = arith.constant 11 : i32
    %add3A_94 = vector.broadcast %add3A_93 : i32 to vector<16xi32>
    %add3A_95 = arith.addi %mul3A_38, %add3A_94 : vector<16xi32>
    %gather3A_96 = tpu.vector_load_idx %arg11[%add3A_95] : memref<1024xf32, #tpu.memory_space<vmem>>[vector<16xi32>], vector<16xf32>,
    %add3A_97 = arith.addf %add3A_92, %gather3A_96 : vector<16xf32>
    %add3A_98 = arith.constant 12 : i32
    %add3A_99 = vector.broadcast %add3A_98 : i32 to vector<16xi32>
    %add3A_100 = arith.addi %mul3A_38, %add3A_99 : vector<16xi32>
    %gather3A_101 = tpu.vector_load_idx %arg11[%add3A_100] : memref<1024xf32, #tpu.memory_space<vmem>>[vector<16xi32>], vector<16xf32>,
    %add3A_102 = arith.addf %add3A_97, %gather3A_101 : vector<16xf32>
    %add3A_103 = arith.constant 13 : i32
    %add3A_104 = vector.broadcast %add3A_103 : i32 to vector<16xi32>
    %add3A_105 = arith.addi %mul3A_38, %add3A_104 : vector<16xi32>
    %gather3A_106 = tpu.vector_load_idx %arg11[%add3A_105] : memref<1024xf32, #tpu.memory_space<vmem>>[vector<16xi32>], vector<16xf32>,
    %add3A_107 = arith.addf %add3A_102, %gather3A_106 : vector<16xf32>
    %add3A_108 = arith.constant 14 : i32
    %add3A_109 = vector.broadcast %add3A_108 : i32 to vector<16xi32>
    %add3A_110 = arith.addi %mul3A_38, %add3A_109 : vector<16xi32>
    %gather3A_111 = tpu.vector_load_idx %arg11[%add3A_110] : memref<1024xf32, #tpu.memory_space<vmem>>[vector<16xi32>], vector<16xf32>,
    %add3A_112 = arith.addf %add3A_107, %gather3A_111 : vector<16xf32>
    %add3A_113 = arith.constant 15 : i32
    %add3A_114 = vector.broadcast %add3A_113 : i32 to vector<16xi32>
    %add3A_115 = arith.addi %mul3A_38, %add3A_114 : vector<16xi32>
    %gather3A_116 = tpu.vector_load_idx %arg11[%add3A_115] : memref<1024xf32, #tpu.memory_space<vmem>>[vector<16xi32>], vector<16xf32>,
    %add3A_117 = arith.addf %add3A_112, %gather3A_116 : vector<16xf32>
    %swap3A = arith.constant 0 : index
    %swap3A_118 = tpu.vector_load %arg12[%swap3A] {strides = array<i32>} : memref<64xf32, #tpu.memory_space<vmem>>, vector<16xf32>,
    tpu.vector_store %arg12[%swap3A], %add3A_117 {strides = array<i32>} : memref<64xf32, #tpu.memory_space<vmem>>, vector<16xf32>,
    %add3A_119 = arith.constant 16 : i32
    %add3A_120 = vector.broadcast %add3A_119 : i32 to vector<16xi32>
    %add3A_121 = arith.addi %add3A_120, %iota3A : vector<16xi32>
    %mul3A_122 = arith.constant 16 : i32
    %mul3A_123 = vector.broadcast %mul3A_122 : i32 to vector<16xi32>
    %mul3A_124 = arith.muli %add3A_121, %mul3A_123 : vector<16xi32>
    %add3A_125 = arith.constant 0 : i32
    %add3A_126 = vector.broadcast %add3A_125 : i32 to vector<16xi32>
    %add3A_127 = arith.addi %mul3A_124, %add3A_126 : vector<16xi32>
    %gather3A_128 = tpu.vector_load_idx %arg11[%add3A_127] : memref<1024xf32, #tpu.memory_space<vmem>>[vector<16xi32>], vector<16xf32>,
    %add3A_129 = arith.addf %broadcast_in_dim3A_1, %gather3A_128 : vector<16xf32>
    %add3A_130 = arith.constant 1 : i32
    %add3A_131 = vector.broadcast %add3A_130 : i32 to vector<16xi32>
    %add3A_132 = arith.addi %mul3A_124, %add3A_131 : vector<16xi32>
    %gather3A_133 = tpu.vector_load_idx %arg11[%add3A_132] : memref<1024xf32, #tpu.memory_space<vmem>>[vector<16xi32>], vector<16xf32>,
    %add3A_134 = arith.addf %add3A_129, %gather3A_133 : vector<16xf32>
    %add3A_135 = arith.constant 2 : i32
    %add3A_136 = vector.broadcast %add3A_135 : i32 to vector<16xi32>
    %add3A_137 = arith.addi %mul3A_124, %add3A_136 : vector<16xi32>
    %gather3A_138 = tpu.vector_load_idx %arg11[%add3A_137] : memref<1024xf32, #tpu.memory_space<vmem>>[vector<16xi32>], vector<16xf32>,
    %add3A_139 = arith.addf %add3A_134, %gather3A_138 : vector<16xf32>
    %add3A_140 = arith.constant 3 : i32
    %add3A_141 = vector.broadcast %add3A_140 : i32 to vector<16xi32>
    %add3A_142 = arith.addi %mul3A_124, %add3A_141 : vector<16xi32>
    %gather3A_143 = tpu.vector_load_idx %arg11[%add3A_142] : memref<1024xf32, #tpu.memory_space<vmem>>[vector<16xi32>], vector<16xf32>,
    %add3A_144 = arith.addf %add3A_139, %gather3A_143 : vector<16xf32>
    %add3A_145 = arith.constant 4 : i32
    %add3A_146 = vector.broadcast %add3A_145 : i32 to vector<16xi32>
    %add3A_147 = arith.addi %mul3A_124, %add3A_146 : vector<16xi32>
    %gather3A_148 = tpu.vector_load_idx %arg11[%add3A_147] : memref<1024xf32, #tpu.memory_space<vmem>>[vector<16xi32>], vector<16xf32>,
    %add3A_149 = arith.addf %add3A_144, %gather3A_148 : vector<16xf32>
    %add3A_150 = arith.constant 5 : i32
    %add3A_151 = vector.broadcast %add3A_150 : i32 to vector<16xi32>
    %add3A_152 = arith.addi %mul3A_124, %add3A_151 : vector<16xi32>
    %gather3A_153 = tpu.vector_load_idx %arg11[%add3A_152] : memref<1024xf32, #tpu.memory_space<vmem>>[vector<16xi32>], vector<16xf32>,
    %add3A_154 = arith.addf %add3A_149, %gather3A_153 : vector<16xf32>
    %add3A_155 = arith.constant 6 : i32
    %add3A_156 = vector.broadcast %add3A_155 : i32 to vector<16xi32>
    %add3A_157 = arith.addi %mul3A_124, %add3A_156 : vector<16xi32>
    %gather3A_158 = tpu.vector_load_idx %arg11[%add3A_157] : memref<1024xf32, #tpu.memory_space<vmem>>[vector<16xi32>], vector<16xf32>,
    %add3A_159 = arith.addf %add3A_154, %gather3A_158 : vector<16xf32>
    %add3A_160 = arith.constant 7 : i32
    %add3A_161 = vector.broadcast %add3A_160 : i32 to vector<16xi32>
    %add3A_162 = arith.addi %mul3A_124, %add3A_161 : vector<16xi32>
    %gather3A_163 = tpu.vector_load_idx %arg11[%add3A_162] : memref<1024xf32, #tpu.memory_space<vmem>>[vector<16xi32>], vector<16xf32>,
    %add3A_164 = arith.addf %add3A_159, %gather3A_163 : vector<16xf32>
    %add3A_165 = arith.constant 8 : i32
    %add3A_166 = vector.broadcast %add3A_165 : i32 to vector<16xi32>
    %add3A_167 = arith.addi %mul3A_124, %add3A_166 : vector<16xi32>
    %gather3A_168 = tpu.vector_load_idx %arg11[%add3A_167] : memref<1024xf32, #tpu.memory_space<vmem>>[vector<16xi32>], vector<16xf32>,
    %add3A_169 = arith.addf %add3A_164, %gather3A_168 : vector<16xf32>
    %add3A_170 = arith.constant 9 : i32
    %add3A_171 = vector.broadcast %add3A_170 : i32 to vector<16xi32>
    %add3A_172 = arith.addi %mul3A_124, %add3A_171 : vector<16xi32>
    %gather3A_173 = tpu.vector_load_idx %arg11[%add3A_172] : memref<1024xf32, #tpu.memory_space<vmem>>[vector<16xi32>], vector<16xf32>,
    %add3A_174 = arith.addf %add3A_169, %gather3A_173 : vector<16xf32>
    %add3A_175 = arith.constant 10 : i32
    %add3A_176 = vector.broadcast %add3A_175 : i32 to vector<16xi32>
    %add3A_177 = arith.addi %mul3A_124, %add3A_176 : vector<16xi32>
    %gather3A_178 = tpu.vector_load_idx %arg11[%add3A_177] : memref<1024xf32, #tpu.memory_space<vmem>>[vector<16xi32>], vector<16xf32>,
    %add3A_179 = arith.addf %add3A_174, %gather3A_178 : vector<16xf32>
    %add3A_180 = arith.constant 11 : i32
    %add3A_181 = vector.broadcast %add3A_180 : i32 to vector<16xi32>
    %add3A_182 = arith.addi %mul3A_124, %add3A_181 : vector<16xi32>
    %gather3A_183 = tpu.vector_load_idx %arg11[%add3A_182] : memref<1024xf32, #tpu.memory_space<vmem>>[vector<16xi32>], vector<16xf32>,
    %add3A_184 = arith.addf %add3A_179, %gather3A_183 : vector<16xf32>
    %add3A_185 = arith.constant 12 : i32
    %add3A_186 = vector.broadcast %add3A_185 : i32 to vector<16xi32>
    %add3A_187 = arith.addi %mul3A_124, %add3A_186 : vector<16xi32>
    %gather3A_188 = tpu.vector_load_idx %arg11[%add3A_187] : memref<1024xf32, #tpu.memory_space<vmem>>[vector<16xi32>], vector<16xf32>,
    %add3A_189 = arith.addf %add3A_184, %gather3A_188 : vector<16xf32>
    %add3A_190 = arith.constant 13 : i32
    %add3A_191 = vector.broadcast %add3A_190 : i32 to vector<16xi32>
    %add3A_192 = arith.addi %mul3A_124, %add3A_191 : vector<16xi32>
    %gather3A_193 = tpu.vector_load_idx %arg11[%add3A_192] : memref<1024xf32, #tpu.memory_space<vmem>>[vector<16xi32>], vector<16xf32>,
    %add3A_194 = arith.addf %add3A_189, %gather3A_193 : vector<16xf32>
    %add3A_195 = arith.constant 14 : i32
    %add3A_196 = vector.broadcast %add3A_195 : i32 to vector<16xi32>
    %add3A_197 = arith.addi %mul3A_124, %add3A_196 : vector<16xi32>
    %gather3A_198 = tpu.vector_load_idx %arg11[%add3A_197] : memref<1024xf32, #tpu.memory_space<vmem>>[vector<16xi32>], vector<16xf32>,
    %add3A_199 = arith.addf %add3A_194, %gather3A_198 : vector<16xf32>
    %add3A_200 = arith.constant 15 : i32
    %add3A_201 = vector.broadcast %add3A_200 : i32 to vector<16xi32>
    %add3A_202 = arith.addi %mul3A_124, %add3A_201 : vector<16xi32>
    %gather3A_203 = tpu.vector_load_idx %arg11[%add3A_202] : memref<1024xf32, #tpu.memory_space<vmem>>[vector<16xi32>], vector<16xf32>,
    %add3A_204 = arith.addf %add3A_199, %gather3A_203 : vector<16xf32>
    %swap3A_205 = arith.constant 16 : index
    %swap3A_206 = tpu.vector_load %arg12[%swap3A_205] {strides = array<i32>} : memref<64xf32, #tpu.memory_space<vmem>>, vector<16xf32>,
    tpu.vector_store %arg12[%swap3A_205], %add3A_204 {strides = array<i32>} : memref<64xf32, #tpu.memory_space<vmem>>, vector<16xf32>,
    %add3A_207 = arith.constant 32 : i32
    %add3A_208 = vector.broadcast %add3A_207 : i32 to vector<16xi32>
    %add3A_209 = arith.addi %add3A_208, %iota3A : vector<16xi32>
    %mul3A_210 = arith.constant 16 : i32
    %mul3A_211 = vector.broadcast %mul3A_210 : i32 to vector<16xi32>
    %mul3A_212 = arith.muli %add3A_209, %mul3A_211 : vector<16xi32>
    %add3A_213 = arith.constant 0 : i32
    %add3A_214 = vector.broadcast %add3A_213 : i32 to vector<16xi32>
    %add3A_215 = arith.addi %mul3A_212, %add3A_214 : vector<16xi32>
    %gather3A_216 = tpu.vector_load_idx %arg11[%add3A_215] : memref<1024xf32, #tpu.memory_space<vmem>>[vector<16xi32>], vector<16xf32>,
    %add3A_217 = arith.addf %broadcast_in_dim3A_1, %gather3A_216 : vector<16xf32>
    %add3A_218 = arith.constant 1 : i32
    %add3A_219 = vector.broadcast %add3A_218 : i32 to vector<16xi32>
    %add3A_220 = arith.addi %mul3A_212, %add3A_219 : vector<16xi32>
    %gather3A_221 = tpu.vector_load_idx %arg11[%add3A_220] : memref<1024xf32, #tpu.memory_space<vmem>>[vector<16xi32>], vector<16xf32>,
    %add3A_222 = arith.addf %add3A_217, %gather3A_221 : vector<16xf32>
    %add3A_223 = arith.constant 2 : i32
    %add3A_224 = vector.broadcast %add3A_223 : i32 to vector<16xi32>
    %add3A_225 = arith.addi %mul3A_212, %add3A_224 : vector<16xi32>
    %gather3A_226 = tpu.vector_load_idx %arg11[%add3A_225] : memref<1024xf32, #tpu.memory_space<vmem>>[vector<16xi32>], vector<16xf32>,
    %add3A_227 = arith.addf %add3A_222, %gather3A_226 : vector<16xf32>
    %add3A_228 = arith.constant 3 : i32
    %add3A_229 = vector.broadcast %add3A_228 : i32 to vector<16xi32>
    %add3A_230 = arith.addi %mul3A_212, %add3A_229 : vector<16xi32>
    %gather3A_231 = tpu.vector_load_idx %arg11[%add3A_230] : memref<1024xf32, #tpu.memory_space<vmem>>[vector<16xi32>], vector<16xf32>,
    %add3A_232 = arith.addf %add3A_227, %gather3A_231 : vector<16xf32>
    %add3A_233 = arith.constant 4 : i32
    %add3A_234 = vector.broadcast %add3A_233 : i32 to vector<16xi32>
    %add3A_235 = arith.addi %mul3A_212, %add3A_234 : vector<16xi32>
    %gather3A_236 = tpu.vector_load_idx %arg11[%add3A_235] : memref<1024xf32, #tpu.memory_space<vmem>>[vector<16xi32>], vector<16xf32>,
    %add3A_237 = arith.addf %add3A_232, %gather3A_236 : vector<16xf32>
    %add3A_238 = arith.constant 5 : i32
    %add3A_239 = vector.broadcast %add3A_238 : i32 to vector<16xi32>
    %add3A_240 = arith.addi %mul3A_212, %add3A_239 : vector<16xi32>
    %gather3A_241 = tpu.vector_load_idx %arg11[%add3A_240] : memref<1024xf32, #tpu.memory_space<vmem>>[vector<16xi32>], vector<16xf32>,
    %add3A_242 = arith.addf %add3A_237, %gather3A_241 : vector<16xf32>
    %add3A_243 = arith.constant 6 : i32
    %add3A_244 = vector.broadcast %add3A_243 : i32 to vector<16xi32>
    %add3A_245 = arith.addi %mul3A_212, %add3A_244 : vector<16xi32>
    %gather3A_246 = tpu.vector_load_idx %arg11[%add3A_245] : memref<1024xf32, #tpu.memory_space<vmem>>[vector<16xi32>], vector<16xf32>,
    %add3A_247 = arith.addf %add3A_242, %gather3A_246 : vector<16xf32>
    %add3A_248 = arith.constant 7 : i32
    %add3A_249 = vector.broadcast %add3A_248 : i32 to vector<16xi32>
    %add3A_250 = arith.addi %mul3A_212, %add3A_249 : vector<16xi32>
    %gather3A_251 = tpu.vector_load_idx %arg11[%add3A_250] : memref<1024xf32, #tpu.memory_space<vmem>>[vector<16xi32>], vector<16xf32>,
    %add3A_252 = arith.addf %add3A_247, %gather3A_251 : vector<16xf32>
    %add3A_253 = arith.constant 8 : i32
    %add3A_254 = vector.broadcast %add3A_253 : i32 to vector<16xi32>
    %add3A_255 = arith.addi %mul3A_212, %add3A_254 : vector<16xi32>
    %gather3A_256 = tpu.vector_load_idx %arg11[%add3A_255] : memref<1024xf32, #tpu.memory_space<vmem>>[vector<16xi32>], vector<16xf32>,
    %add3A_257 = arith.addf %add3A_252, %gather3A_256 : vector<16xf32>
    %add3A_258 = arith.constant 9 : i32
    %add3A_259 = vector.broadcast %add3A_258 : i32 to vector<16xi32>
    %add3A_260 = arith.addi %mul3A_212, %add3A_259 : vector<16xi32>
    %gather3A_261 = tpu.vector_load_idx %arg11[%add3A_260] : memref<1024xf32, #tpu.memory_space<vmem>>[vector<16xi32>], vector<16xf32>,
    %add3A_262 = arith.addf %add3A_257, %gather3A_261 : vector<16xf32>
    %add3A_263 = arith.constant 10 : i32
    %add3A_264 = vector.broadcast %add3A_263 : i32 to vector<16xi32>
    %add3A_265 = arith.addi %mul3A_212, %add3A_264 : vector<16xi32>
    %gather3A_266 = tpu.vector_load_idx %arg11[%add3A_265] : memref<1024xf32, #tpu.memory_space<vmem>>[vector<16xi32>], vector<16xf32>,
    %add3A_267 = arith.addf %add3A_262, %gather3A_266 : vector<16xf32>
    %add3A_268 = arith.constant 11 : i32
    %add3A_269 = vector.broadcast %add3A_268 : i32 to vector<16xi32>
    %add3A_270 = arith.addi %mul3A_212, %add3A_269 : vector<16xi32>
    %gather3A_271 = tpu.vector_load_idx %arg11[%add3A_270] : memref<1024xf32, #tpu.memory_space<vmem>>[vector<16xi32>], vector<16xf32>,
    %add3A_272 = arith.addf %add3A_267, %gather3A_271 : vector<16xf32>
    %add3A_273 = arith.constant 12 : i32
    %add3A_274 = vector.broadcast %add3A_273 : i32 to vector<16xi32>
    %add3A_275 = arith.addi %mul3A_212, %add3A_274 : vector<16xi32>
    %gather3A_276 = tpu.vector_load_idx %arg11[%add3A_275] : memref<1024xf32, #tpu.memory_space<vmem>>[vector<16xi32>], vector<16xf32>,
    %add3A_277 = arith.addf %add3A_272, %gather3A_276 : vector<16xf32>
    %add3A_278 = arith.constant 13 : i32
    %add3A_279 = vector.broadcast %add3A_278 : i32 to vector<16xi32>
    %add3A_280 = arith.addi %mul3A_212, %add3A_279 : vector<16xi32>
    %gather3A_281 = tpu.vector_load_idx %arg11[%add3A_280] : memref<1024xf32, #tpu.memory_space<vmem>>[vector<16xi32>], vector<16xf32>,
    %add3A_282 = arith.addf %add3A_277, %gather3A_281 : vector<16xf32>
    %add3A_283 = arith.constant 14 : i32
    %add3A_284 = vector.broadcast %add3A_283 : i32 to vector<16xi32>
    %add3A_285 = arith.addi %mul3A_212, %add3A_284 : vector<16xi32>
    %gather3A_286 = tpu.vector_load_idx %arg11[%add3A_285] : memref<1024xf32, #tpu.memory_space<vmem>>[vector<16xi32>], vector<16xf32>,
    %add3A_287 = arith.addf %add3A_282, %gather3A_286 : vector<16xf32>
    %add3A_288 = arith.constant 15 : i32
    %add3A_289 = vector.broadcast %add3A_288 : i32 to vector<16xi32>
    %add3A_290 = arith.addi %mul3A_212, %add3A_289 : vector<16xi32>
    %gather3A_291 = tpu.vector_load_idx %arg11[%add3A_290] : memref<1024xf32, #tpu.memory_space<vmem>>[vector<16xi32>], vector<16xf32>,
    %add3A_292 = arith.addf %add3A_287, %gather3A_291 : vector<16xf32>
    %swap3A_293 = arith.constant 32 : index
    %swap3A_294 = tpu.vector_load %arg12[%swap3A_293] {strides = array<i32>} : memref<64xf32, #tpu.memory_space<vmem>>, vector<16xf32>,
    tpu.vector_store %arg12[%swap3A_293], %add3A_292 {strides = array<i32>} : memref<64xf32, #tpu.memory_space<vmem>>, vector<16xf32>,
    %add3A_295 = arith.constant 48 : i32
    %add3A_296 = vector.broadcast %add3A_295 : i32 to vector<16xi32>
    %add3A_297 = arith.addi %add3A_296, %iota3A : vector<16xi32>
    %mul3A_298 = arith.constant 16 : i32
    %mul3A_299 = vector.broadcast %mul3A_298 : i32 to vector<16xi32>
    %mul3A_300 = arith.muli %add3A_297, %mul3A_299 : vector<16xi32>
    %add3A_301 = arith.constant 0 : i32
    %add3A_302 = vector.broadcast %add3A_301 : i32 to vector<16xi32>
    %add3A_303 = arith.addi %mul3A_300, %add3A_302 : vector<16xi32>
    %gather3A_304 = tpu.vector_load_idx %arg11[%add3A_303] : memref<1024xf32, #tpu.memory_space<vmem>>[vector<16xi32>], vector<16xf32>,
    %add3A_305 = arith.addf %broadcast_in_dim3A_1, %gather3A_304 : vector<16xf32>
    %add3A_306 = arith.constant 1 : i32
    %add3A_307 = vector.broadcast %add3A_306 : i32 to vector<16xi32>
    %add3A_308 = arith.addi %mul3A_300, %add3A_307 : vector<16xi32>
    %gather3A_309 = tpu.vector_load_idx %arg11[%add3A_308] : memref<1024xf32, #tpu.memory_space<vmem>>[vector<16xi32>], vector<16xf32>,
    %add3A_310 = arith.addf %add3A_305, %gather3A_309 : vector<16xf32>
    %add3A_311 = arith.constant 2 : i32
    %add3A_312 = vector.broadcast %add3A_311 : i32 to vector<16xi32>
    %add3A_313 = arith.addi %mul3A_300, %add3A_312 : vector<16xi32>
    %gather3A_314 = tpu.vector_load_idx %arg11[%add3A_313] : memref<1024xf32, #tpu.memory_space<vmem>>[vector<16xi32>], vector<16xf32>,
    %add3A_315 = arith.addf %add3A_310, %gather3A_314 : vector<16xf32>
    %add3A_316 = arith.constant 3 : i32
    %add3A_317 = vector.broadcast %add3A_316 : i32 to vector<16xi32>
    %add3A_318 = arith.addi %mul3A_300, %add3A_317 : vector<16xi32>
    %gather3A_319 = tpu.vector_load_idx %arg11[%add3A_318] : memref<1024xf32, #tpu.memory_space<vmem>>[vector<16xi32>], vector<16xf32>,
    %add3A_320 = arith.addf %add3A_315, %gather3A_319 : vector<16xf32>
    %add3A_321 = arith.constant 4 : i32
    %add3A_322 = vector.broadcast %add3A_321 : i32 to vector<16xi32>
    %add3A_323 = arith.addi %mul3A_300, %add3A_322 : vector<16xi32>
    %gather3A_324 = tpu.vector_load_idx %arg11[%add3A_323] : memref<1024xf32, #tpu.memory_space<vmem>>[vector<16xi32>], vector<16xf32>,
    %add3A_325 = arith.addf %add3A_320, %gather3A_324 : vector<16xf32>
    %add3A_326 = arith.constant 5 : i32
    %add3A_327 = vector.broadcast %add3A_326 : i32 to vector<16xi32>
    %add3A_328 = arith.addi %mul3A_300, %add3A_327 : vector<16xi32>
    %gather3A_329 = tpu.vector_load_idx %arg11[%add3A_328] : memref<1024xf32, #tpu.memory_space<vmem>>[vector<16xi32>], vector<16xf32>,
    %add3A_330 = arith.addf %add3A_325, %gather3A_329 : vector<16xf32>
    %add3A_331 = arith.constant 6 : i32
    %add3A_332 = vector.broadcast %add3A_331 : i32 to vector<16xi32>
    %add3A_333 = arith.addi %mul3A_300, %add3A_332 : vector<16xi32>
    %gather3A_334 = tpu.vector_load_idx %arg11[%add3A_333] : memref<1024xf32, #tpu.memory_space<vmem>>[vector<16xi32>], vector<16xf32>,
    %add3A_335 = arith.addf %add3A_330, %gather3A_334 : vector<16xf32>
    %add3A_336 = arith.constant 7 : i32
    %add3A_337 = vector.broadcast %add3A_336 : i32 to vector<16xi32>
    %add3A_338 = arith.addi %mul3A_300, %add3A_337 : vector<16xi32>
    %gather3A_339 = tpu.vector_load_idx %arg11[%add3A_338] : memref<1024xf32, #tpu.memory_space<vmem>>[vector<16xi32>], vector<16xf32>,
    %add3A_340 = arith.addf %add3A_335, %gather3A_339 : vector<16xf32>
    %add3A_341 = arith.constant 8 : i32
    %add3A_342 = vector.broadcast %add3A_341 : i32 to vector<16xi32>
    %add3A_343 = arith.addi %mul3A_300, %add3A_342 : vector<16xi32>
    %gather3A_344 = tpu.vector_load_idx %arg11[%add3A_343] : memref<1024xf32, #tpu.memory_space<vmem>>[vector<16xi32>], vector<16xf32>,
    %add3A_345 = arith.addf %add3A_340, %gather3A_344 : vector<16xf32>
    %add3A_346 = arith.constant 9 : i32
    %add3A_347 = vector.broadcast %add3A_346 : i32 to vector<16xi32>
    %add3A_348 = arith.addi %mul3A_300, %add3A_347 : vector<16xi32>
    %gather3A_349 = tpu.vector_load_idx %arg11[%add3A_348] : memref<1024xf32, #tpu.memory_space<vmem>>[vector<16xi32>], vector<16xf32>,
    %add3A_350 = arith.addf %add3A_345, %gather3A_349 : vector<16xf32>
    %add3A_351 = arith.constant 10 : i32
    %add3A_352 = vector.broadcast %add3A_351 : i32 to vector<16xi32>
    %add3A_353 = arith.addi %mul3A_300, %add3A_352 : vector<16xi32>
    %gather3A_354 = tpu.vector_load_idx %arg11[%add3A_353] : memref<1024xf32, #tpu.memory_space<vmem>>[vector<16xi32>], vector<16xf32>,
    %add3A_355 = arith.addf %add3A_350, %gather3A_354 : vector<16xf32>
    %add3A_356 = arith.constant 11 : i32
    %add3A_357 = vector.broadcast %add3A_356 : i32 to vector<16xi32>
    %add3A_358 = arith.addi %mul3A_300, %add3A_357 : vector<16xi32>
    %gather3A_359 = tpu.vector_load_idx %arg11[%add3A_358] : memref<1024xf32, #tpu.memory_space<vmem>>[vector<16xi32>], vector<16xf32>,
    %add3A_360 = arith.addf %add3A_355, %gather3A_359 : vector<16xf32>
    %add3A_361 = arith.constant 12 : i32
    %add3A_362 = vector.broadcast %add3A_361 : i32 to vector<16xi32>
    %add3A_363 = arith.addi %mul3A_300, %add3A_362 : vector<16xi32>
    %gather3A_364 = tpu.vector_load_idx %arg11[%add3A_363] : memref<1024xf32, #tpu.memory_space<vmem>>[vector<16xi32>], vector<16xf32>,
    %add3A_365 = arith.addf %add3A_360, %gather3A_364 : vector<16xf32>
    %add3A_366 = arith.constant 13 : i32
    %add3A_367 = vector.broadcast %add3A_366 : i32 to vector<16xi32>
    %add3A_368 = arith.addi %mul3A_300, %add3A_367 : vector<16xi32>
    %gather3A_369 = tpu.vector_load_idx %arg11[%add3A_368] : memref<1024xf32, #tpu.memory_space<vmem>>[vector<16xi32>], vector<16xf32>,
    %add3A_370 = arith.addf %add3A_365, %gather3A_369 : vector<16xf32>
    %add3A_371 = arith.constant 14 : i32
    %add3A_372 = vector.broadcast %add3A_371 : i32 to vector<16xi32>
    %add3A_373 = arith.addi %mul3A_300, %add3A_372 : vector<16xi32>
    %gather3A_374 = tpu.vector_load_idx %arg11[%add3A_373] : memref<1024xf32, #tpu.memory_space<vmem>>[vector<16xi32>], vector<16xf32>,
    %add3A_375 = arith.addf %add3A_370, %gather3A_374 : vector<16xf32>
    %add3A_376 = arith.constant 15 : i32
    %add3A_377 = vector.broadcast %add3A_376 : i32 to vector<16xi32>
    %add3A_378 = arith.addi %mul3A_300, %add3A_377 : vector<16xi32>
    %gather3A_379 = tpu.vector_load_idx %arg11[%add3A_378] : memref<1024xf32, #tpu.memory_space<vmem>>[vector<16xi32>], vector<16xf32>,
    %add3A_380 = arith.addf %add3A_375, %gather3A_379 : vector<16xf32>
    %swap3A_381 = arith.constant 48 : index
    %swap3A_382 = tpu.vector_load %arg12[%swap3A_381] {strides = array<i32>} : memref<64xf32, #tpu.memory_space<vmem>>, vector<16xf32>,
    tpu.vector_store %arg12[%swap3A_381], %add3A_380 {strides = array<i32>} : memref<64xf32, #tpu.memory_space<vmem>>, vector<16xf32>,
    %eq3A = arith.constant 0 : i32
    %eq3A_383 = arith.cmpi eq, %arg0, %eq3A : i32
    %convert_element_type3A = arith.extui %eq3A_383 : i1 to i32
    %cond3A = arith.constant 0 : i32
    %cond3A_384 = arith.cmpi ne, %convert_element_type3A, %cond3A : i32
    scf.if %cond3A_384 {
      "tpu.region"() ({
        %run_scoped3A = tpu.sem_alloc : memref<!tpu.dma_semaphore, #tpu.memory_space<semaphore_mem>>
        %dma_start3A_1327 = tpu.memref_slice %arg5[%mul3A_20] : memref<16384xi32, #tpu.memory_space<hbm>> -> memref<1024xi32, #tpu.memory_space<hbm>>
        %dma_start3A_1328 = tpu.memref_slice %arg5[%mul3A_20] : memref<16384xi32, #tpu.memory_space<hbm>> -> memref<1024xi32, #tpu.memory_space<hbm>>
        tpu.enqueue_dma source(%arg9 : memref<1024xi32, #tpu.memory_space<vmem>>) target(%dma_start3A_1328 : memref<1024xi32, #tpu.memory_space<hbm>>) target_semaphore(%run_scoped3A : memref<!tpu.dma_semaphore, #tpu.memory_space<semaphore_mem>>)
        %dma_wait3A_1329 = tpu.memref_slice %arg5[%mul3A_20] : memref<16384xi32, #tpu.memory_space<hbm>> -> memref<1024xi32, #tpu.memory_space<hbm>>
        %dma_wait3A_1330 = tpu.memref_slice %arg5[%mul3A_20] : memref<16384xi32, #tpu.memory_space<hbm>> -> memref<1024xi32, #tpu.memory_space<hbm>>
        tpu.wait_dma2 semaphore(%run_scoped3A : memref<!tpu.dma_semaphore, #tpu.memory_space<semaphore_mem>>) src(%arg9 : memref<1024xi32, #tpu.memory_space<vmem>>) dst(%dma_wait3A_1330 : memref<1024xi32, #tpu.memory_space<hbm>>)
        tpu.yield
      }) : () -> ()
    } else {
    }
    "tpu.region"() ({
      %run_scoped3A = tpu.sem_alloc : memref<!tpu.dma_semaphore, #tpu.memory_space<semaphore_mem>>
      %dma_start3A_1327 = tpu.memref_slice %arg24[%mul3A_20] : memref<16384xi32, #tpu.memory_space<vmem_shared>> -> memref<1024xi32, #tpu.memory_space<vmem_shared>>
      %dma_start3A_1328 = tpu.memref_slice %arg24[%mul3A_20] : memref<16384xi32, #tpu.memory_space<vmem_shared>> -> memref<1024xi32, #tpu.memory_space<vmem_shared>>
      tpu.enqueue_dma source(%arg10 : memref<1024xi32, #tpu.memory_space<vmem>>) target(%dma_start3A_1328 : memref<1024xi32, #tpu.memory_space<vmem_shared>>) target_semaphore(%run_scoped3A : memref<!tpu.dma_semaphore, #tpu.memory_space<semaphore_mem>>)
      %dma_wait3A_1329 = tpu.memref_slice %arg24[%mul3A_20] : memref<16384xi32, #tpu.memory_space<vmem_shared>> -> memref<1024xi32, #tpu.memory_space<vmem_shared>>
      %dma_wait3A_1330 = tpu.memref_slice %arg24[%mul3A_20] : memref<16384xi32, #tpu.memory_space<vmem_shared>> -> memref<1024xi32, #tpu.memory_space<vmem_shared>>
      tpu.wait_dma2 semaphore(%run_scoped3A : memref<!tpu.dma_semaphore, #tpu.memory_space<semaphore_mem>>) src(%arg10 : memref<1024xi32, #tpu.memory_space<vmem>>) dst(%dma_wait3A_1330 : memref<1024xi32, #tpu.memory_space<vmem_shared>>)
      tpu.yield
    }) : () -> ()
    %mul3A_385 = arith.constant 64 : i32
    %mul3A_386 = arith.muli %arg1, %mul3A_385 : i32
    "tpu.region"() ({
      %run_scoped3A = tpu.sem_alloc : memref<!tpu.dma_semaphore, #tpu.memory_space<semaphore_mem>>
      %dma_start3A_1327 = tpu.memref_slice %arg25[%mul3A_386] : memref<1024xf32, #tpu.memory_space<vmem_shared>> -> memref<64xf32, #tpu.memory_space<vmem_shared>>
      %dma_start3A_1328 = tpu.memref_slice %arg25[%mul3A_386] : memref<1024xf32, #tpu.memory_space<vmem_shared>> -> memref<64xf32, #tpu.memory_space<vmem_shared>>
      tpu.enqueue_dma source(%arg12 : memref<64xf32, #tpu.memory_space<vmem>>) target(%dma_start3A_1328 : memref<64xf32, #tpu.memory_space<vmem_shared>>) target_semaphore(%run_scoped3A : memref<!tpu.dma_semaphore, #tpu.memory_space<semaphore_mem>>)
      %dma_wait3A_1329 = tpu.memref_slice %arg25[%mul3A_386] : memref<1024xf32, #tpu.memory_space<vmem_shared>> -> memref<64xf32, #tpu.memory_space<vmem_shared>>
      %dma_wait3A_1330 = tpu.memref_slice %arg25[%mul3A_386] : memref<1024xf32, #tpu.memory_space<vmem_shared>> -> memref<64xf32, #tpu.memory_space<vmem_shared>>
      tpu.wait_dma2 semaphore(%run_scoped3A : memref<!tpu.dma_semaphore, #tpu.memory_space<semaphore_mem>>) src(%arg12 : memref<64xf32, #tpu.memory_space<vmem>>) dst(%dma_wait3A_1330 : memref<64xf32, #tpu.memory_space<vmem_shared>>)
      tpu.yield
    }) : () -> ()
    %barrier3A = arith.constant 0 : index
    tpu.barrier barrier_id(%barrier3A)
    tpu.enqueue_dma source(%arg24 : memref<16384xi32, #tpu.memory_space<vmem_shared>>) target(%arg13 : memref<16384xi32, #tpu.memory_space<vmem>>) target_semaphore(%arg23 : memref<!tpu.dma_semaphore, #tpu.memory_space<semaphore_mem>>)
    tpu.enqueue_dma source(%arg25 : memref<1024xf32, #tpu.memory_space<vmem_shared>>) target(%arg18 : memref<1024xf32, #tpu.memory_space<vmem>>) target_semaphore(%arg23 : memref<!tpu.dma_semaphore, #tpu.memory_space<semaphore_mem>>)
    %parallel_loop3A_387 = arith.constant 0 : i32
    %parallel_loop3A_388 = arith.constant 64 : i32
    %parallel_loop3A_389 = arith.constant 1 : i32
    scf.for %parallel_loop3A_1327 = %parallel_loop3A_387 to %parallel_loop3A_388 step %parallel_loop3A_389  : i32 {
      %parallel_loop3A_1328 = arith.constant 16 : i32
      %parallel_loop3A_1329 = arith.muli %parallel_loop3A_1327, %parallel_loop3A_1328 : i32
      %parallel_loop3A_1330 = arith.index_cast %parallel_loop3A_1329 : i32 to index
      %parallel_loop3A_1331 = tpu.vector_load %arg16[%parallel_loop3A_1330] {strides = array<i32>} : memref<1024xf32, #tpu.memory_space<vmem>>, vector<16xf32>,
      tpu.vector_store %arg16[%parallel_loop3A_1330], %broadcast_in_dim3A_1 {strides = array<i32>} : memref<1024xf32, #tpu.memory_space<vmem>>, vector<16xf32>,
      %parallel_loop3A_1332 = arith.constant 16 : i32
      %parallel_loop3A_1333 = arith.muli %parallel_loop3A_1327, %parallel_loop3A_1332 : i32
      %parallel_loop3A_1334 = arith.index_cast %parallel_loop3A_1333 : i32 to index
      %parallel_loop3A_1335 = tpu.vector_load %arg17[%parallel_loop3A_1334] {strides = array<i32>} : memref<1024xf32, #tpu.memory_space<vmem>>, vector<16xf32>,
      tpu.vector_store %arg17[%parallel_loop3A_1334], %broadcast_in_dim3A_1 {strides = array<i32>} : memref<1024xf32, #tpu.memory_space<vmem>>, vector<16xf32>,
    } {sc.loop_unroll_factor = 8 : i64, sc.parallel_access}
    tpu.wait_dma2 semaphore(%arg23 : memref<!tpu.dma_semaphore, #tpu.memory_space<semaphore_mem>>) src(%arg24 : memref<16384xi32, #tpu.memory_space<vmem_shared>>) dst(%arg13 : memref<16384xi32, #tpu.memory_space<vmem>>)
    tpu.wait_dma2 semaphore(%arg23 : memref<!tpu.dma_semaphore, #tpu.memory_space<semaphore_mem>>) src(%arg25 : memref<1024xf32, #tpu.memory_space<vmem_shared>>) dst(%arg18 : memref<1024xf32, #tpu.memory_space<vmem>>)
    %dma_wait3A_390 = arith.constant 0 : i32
    %dma_wait3A_391 = tpu.memref_slice %arg4[%mul3A_5, %dma_wait3A_390] : memref<64x16384xf32, #tpu.memory_space<hbm>> -> memref<1x16384xf32, #tpu.memory_space<hbm>>
    %dma_wait3A_392 = tpu.memref_squeeze %dma_wait3A_391 : memref<1x16384xf32, #tpu.memory_space<hbm>> -> memref<16384xf32, #tpu.memory_space<hbm>>
    %dma_wait3A_393 = arith.constant 0 : i32
    %dma_wait3A_394 = tpu.memref_slice %arg4[%mul3A_5, %dma_wait3A_393] : memref<64x16384xf32, #tpu.memory_space<hbm>> -> memref<1x16384xf32, #tpu.memory_space<hbm>>
    %dma_wait3A_395 = tpu.memref_squeeze %dma_wait3A_394 : memref<1x16384xf32, #tpu.memory_space<hbm>> -> memref<16384xf32, #tpu.memory_space<hbm>>
    tpu.wait_dma2 semaphore(%arg21 : memref<!tpu.dma_semaphore, #tpu.memory_space<semaphore_mem>>) src(%dma_wait3A_395 : memref<16384xf32, #tpu.memory_space<hbm>>) dst(%arg14 : memref<16384xf32, #tpu.memory_space<vmem>>)
    %dma_wait3A_396 = arith.constant 0 : i32
    %dma_wait3A_397 = tpu.memref_slice %arg4[%add3A_7, %dma_wait3A_396] : memref<64x16384xf32, #tpu.memory_space<hbm>> -> memref<1x16384xf32, #tpu.memory_space<hbm>>
    %dma_wait3A_398 = tpu.memref_squeeze %dma_wait3A_397 : memref<1x16384xf32, #tpu.memory_space<hbm>> -> memref<16384xf32, #tpu.memory_space<hbm>>
    %dma_wait3A_399 = arith.constant 0 : i32
    %dma_wait3A_400 = tpu.memref_slice %arg4[%add3A_7, %dma_wait3A_399] : memref<64x16384xf32, #tpu.memory_space<hbm>> -> memref<1x16384xf32, #tpu.memory_space<hbm>>
    %dma_wait3A_401 = tpu.memref_squeeze %dma_wait3A_400 : memref<1x16384xf32, #tpu.memory_space<hbm>> -> memref<16384xf32, #tpu.memory_space<hbm>>
    tpu.wait_dma2 semaphore(%arg21 : memref<!tpu.dma_semaphore, #tpu.memory_space<semaphore_mem>>) src(%dma_wait3A_401 : memref<16384xf32, #tpu.memory_space<hbm>>) dst(%arg15 : memref<16384xf32, #tpu.memory_space<vmem>>)
    %parallel_loop3A_402 = arith.constant 0 : i32
    %parallel_loop3A_403 = arith.constant 1024 : i32
    %parallel_loop3A_404 = arith.constant 1 : i32
    scf.for %parallel_loop3A_1327 = %parallel_loop3A_402 to %parallel_loop3A_403 step %parallel_loop3A_404  : i32 {
      %parallel_loop3A_1328 = arith.constant 16 : i32
      %parallel_loop3A_1329 = arith.muli %parallel_loop3A_1327, %parallel_loop3A_1328 : i32
      %parallel_loop3A_1330 = arith.index_cast %parallel_loop3A_1329 : i32 to index
      %parallel_loop3A_1331 = tpu.vector_load %arg13[%parallel_loop3A_1330] {strides = array<i32>} : memref<16384xi32, #tpu.memory_space<vmem>>, vector<16xi32>,
      %parallel_loop3A_1332 = arith.index_cast %parallel_loop3A_1329 : i32 to index
      %parallel_loop3A_1333 = tpu.vector_load %arg14[%parallel_loop3A_1332] {strides = array<i32>} : memref<16384xf32, #tpu.memory_space<vmem>>, vector<16xf32>,
      tpu.vector_store_idx %arg16[%parallel_loop3A_1331], %parallel_loop3A_1333 {add = true} : memref<1024xf32, #tpu.memory_space<vmem>>[vector<16xi32>], vector<16xf32>,
      %parallel_loop3A_1334 = arith.index_cast %parallel_loop3A_1329 : i32 to index
      %parallel_loop3A_1335 = tpu.vector_load %arg15[%parallel_loop3A_1334] {strides = array<i32>} : memref<16384xf32, #tpu.memory_space<vmem>>, vector<16xf32>,
      tpu.vector_store_idx %arg17[%parallel_loop3A_1331], %parallel_loop3A_1335 {add = true} : memref<1024xf32, #tpu.memory_space<vmem>>[vector<16xi32>], vector<16xf32>,
    } {sc.loop_unroll_factor = 8 : i64, sc.parallel_access}
    %get3A = arith.constant 0 : index
    %get3A_405 = tpu.vector_load %arg18[%get3A] {strides = array<i32>} : memref<1024xf32, #tpu.memory_space<vmem>>, vector<16xf32>,
    %add3A_406 = arith.addf %broadcast_in_dim3A_1, %get3A_405 : vector<16xf32>
    %get3A_407 = arith.constant 64 : index
    %get3A_408 = tpu.vector_load %arg18[%get3A_407] {strides = array<i32>} : memref<1024xf32, #tpu.memory_space<vmem>>, vector<16xf32>,
    %add3A_409 = arith.addf %add3A_406, %get3A_408 : vector<16xf32>
    %get3A_410 = arith.constant 128 : index
    %get3A_411 = tpu.vector_load %arg18[%get3A_410] {strides = array<i32>} : memref<1024xf32, #tpu.memory_space<vmem>>, vector<16xf32>,
    %add3A_412 = arith.addf %add3A_409, %get3A_411 : vector<16xf32>
    %get3A_413 = arith.constant 192 : index
    %get3A_414 = tpu.vector_load %arg18[%get3A_413] {strides = array<i32>} : memref<1024xf32, #tpu.memory_space<vmem>>, vector<16xf32>,
    %add3A_415 = arith.addf %add3A_412, %get3A_414 : vector<16xf32>
    %get3A_416 = arith.constant 256 : index
    %get3A_417 = tpu.vector_load %arg18[%get3A_416] {strides = array<i32>} : memref<1024xf32, #tpu.memory_space<vmem>>, vector<16xf32>,
    %add3A_418 = arith.addf %add3A_415, %get3A_417 : vector<16xf32>
    %get3A_419 = arith.constant 320 : index
    %get3A_420 = tpu.vector_load %arg18[%get3A_419] {strides = array<i32>} : memref<1024xf32, #tpu.memory_space<vmem>>, vector<16xf32>,
    %add3A_421 = arith.addf %add3A_418, %get3A_420 : vector<16xf32>
    %get3A_422 = arith.constant 384 : index
    %get3A_423 = tpu.vector_load %arg18[%get3A_422] {strides = array<i32>} : memref<1024xf32, #tpu.memory_space<vmem>>, vector<16xf32>,
    %add3A_424 = arith.addf %add3A_421, %get3A_423 : vector<16xf32>
    %get3A_425 = arith.constant 448 : index
    %get3A_426 = tpu.vector_load %arg18[%get3A_425] {strides = array<i32>} : memref<1024xf32, #tpu.memory_space<vmem>>, vector<16xf32>,
    %add3A_427 = arith.addf %add3A_424, %get3A_426 : vector<16xf32>
    %get3A_428 = arith.constant 512 : index
    %get3A_429 = tpu.vector_load %arg18[%get3A_428] {strides = array<i32>} : memref<1024xf32, #tpu.memory_space<vmem>>, vector<16xf32>,
    %add3A_430 = arith.addf %add3A_427, %get3A_429 : vector<16xf32>
    %get3A_431 = arith.constant 576 : index
    %get3A_432 = tpu.vector_load %arg18[%get3A_431] {strides = array<i32>} : memref<1024xf32, #tpu.memory_space<vmem>>, vector<16xf32>,
    %add3A_433 = arith.addf %add3A_430, %get3A_432 : vector<16xf32>
    %get3A_434 = arith.constant 640 : index
    %get3A_435 = tpu.vector_load %arg18[%get3A_434] {strides = array<i32>} : memref<1024xf32, #tpu.memory_space<vmem>>, vector<16xf32>,
    %add3A_436 = arith.addf %add3A_433, %get3A_435 : vector<16xf32>
    %get3A_437 = arith.constant 704 : index
    %get3A_438 = tpu.vector_load %arg18[%get3A_437] {strides = array<i32>} : memref<1024xf32, #tpu.memory_space<vmem>>, vector<16xf32>,
    %add3A_439 = arith.addf %add3A_436, %get3A_438 : vector<16xf32>
    %get3A_440 = arith.constant 768 : index
    %get3A_441 = tpu.vector_load %arg18[%get3A_440] {strides = array<i32>} : memref<1024xf32, #tpu.memory_space<vmem>>, vector<16xf32>,
    %add3A_442 = arith.addf %add3A_439, %get3A_441 : vector<16xf32>
    %get3A_443 = arith.constant 832 : index
    %get3A_444 = tpu.vector_load %arg18[%get3A_443] {strides = array<i32>} : memref<1024xf32, #tpu.memory_space<vmem>>, vector<16xf32>,
    %add3A_445 = arith.addf %add3A_442, %get3A_444 : vector<16xf32>
    %get3A_446 = arith.constant 896 : index
    %get3A_447 = tpu.vector_load %arg18[%get3A_446] {strides = array<i32>} : memref<1024xf32, #tpu.memory_space<vmem>>, vector<16xf32>,
    %add3A_448 = arith.addf %add3A_445, %get3A_447 : vector<16xf32>
    %get3A_449 = arith.constant 960 : index
    %get3A_450 = tpu.vector_load %arg18[%get3A_449] {strides = array<i32>} : memref<1024xf32, #tpu.memory_space<vmem>>, vector<16xf32>,
    %add3A_451 = arith.addf %add3A_448, %get3A_450 : vector<16xf32>
    %add3A_452 = arith.constant 0 : i32
    %add3A_453 = vector.broadcast %add3A_452 : i32 to vector<16xi32>
    %add3A_454 = arith.addi %add3A_453, %iota3A : vector<16xi32>
    %mul3A_455 = arith.constant 16 : i32
    %mul3A_456 = vector.broadcast %mul3A_455 : i32 to vector<16xi32>
    %mul3A_457 = arith.muli %add3A_454, %mul3A_456 : vector<16xi32>
    %add3A_458 = arith.constant 0 : i32
    %add3A_459 = vector.broadcast %add3A_458 : i32 to vector<16xi32>
    %add3A_460 = arith.addi %mul3A_457, %add3A_459 : vector<16xi32>
    %gather3A_461 = tpu.vector_load_idx %arg16[%add3A_460] : memref<1024xf32, #tpu.memory_space<vmem>>[vector<16xi32>], vector<16xf32>,
    %add3A_462 = arith.addf %broadcast_in_dim3A_1, %gather3A_461 : vector<16xf32>
    %add3A_463 = arith.constant 0 : i32
    %add3A_464 = vector.broadcast %add3A_463 : i32 to vector<16xi32>
    %add3A_465 = arith.addi %mul3A_457, %add3A_464 : vector<16xi32>
    %gather3A_466 = tpu.vector_load_idx %arg17[%add3A_465] : memref<1024xf32, #tpu.memory_space<vmem>>[vector<16xi32>], vector<16xf32>,
    %add3A_467 = arith.addf %broadcast_in_dim3A_1, %gather3A_466 : vector<16xf32>
    %add3A_468 = arith.constant 1 : i32
    %add3A_469 = vector.broadcast %add3A_468 : i32 to vector<16xi32>
    %add3A_470 = arith.addi %mul3A_457, %add3A_469 : vector<16xi32>
    %gather3A_471 = tpu.vector_load_idx %arg16[%add3A_470] : memref<1024xf32, #tpu.memory_space<vmem>>[vector<16xi32>], vector<16xf32>,
    %add3A_472 = arith.addf %add3A_462, %gather3A_471 : vector<16xf32>
    %add3A_473 = arith.constant 1 : i32
    %add3A_474 = vector.broadcast %add3A_473 : i32 to vector<16xi32>
    %add3A_475 = arith.addi %mul3A_457, %add3A_474 : vector<16xi32>
    %gather3A_476 = tpu.vector_load_idx %arg17[%add3A_475] : memref<1024xf32, #tpu.memory_space<vmem>>[vector<16xi32>], vector<16xf32>,
    %add3A_477 = arith.addf %add3A_467, %gather3A_476 : vector<16xf32>
    %add3A_478 = arith.constant 2 : i32
    %add3A_479 = vector.broadcast %add3A_478 : i32 to vector<16xi32>
    %add3A_480 = arith.addi %mul3A_457, %add3A_479 : vector<16xi32>
    %gather3A_481 = tpu.vector_load_idx %arg16[%add3A_480] : memref<1024xf32, #tpu.memory_space<vmem>>[vector<16xi32>], vector<16xf32>,
    %add3A_482 = arith.addf %add3A_472, %gather3A_481 : vector<16xf32>
    %add3A_483 = arith.constant 2 : i32
    %add3A_484 = vector.broadcast %add3A_483 : i32 to vector<16xi32>
    %add3A_485 = arith.addi %mul3A_457, %add3A_484 : vector<16xi32>
    %gather3A_486 = tpu.vector_load_idx %arg17[%add3A_485] : memref<1024xf32, #tpu.memory_space<vmem>>[vector<16xi32>], vector<16xf32>,
    %add3A_487 = arith.addf %add3A_477, %gather3A_486 : vector<16xf32>
    %add3A_488 = arith.constant 3 : i32
    %add3A_489 = vector.broadcast %add3A_488 : i32 to vector<16xi32>
    %add3A_490 = arith.addi %mul3A_457, %add3A_489 : vector<16xi32>
    %gather3A_491 = tpu.vector_load_idx %arg16[%add3A_490] : memref<1024xf32, #tpu.memory_space<vmem>>[vector<16xi32>], vector<16xf32>,
    %add3A_492 = arith.addf %add3A_482, %gather3A_491 : vector<16xf32>
    %add3A_493 = arith.constant 3 : i32
    %add3A_494 = vector.broadcast %add3A_493 : i32 to vector<16xi32>
    %add3A_495 = arith.addi %mul3A_457, %add3A_494 : vector<16xi32>
    %gather3A_496 = tpu.vector_load_idx %arg17[%add3A_495] : memref<1024xf32, #tpu.memory_space<vmem>>[vector<16xi32>], vector<16xf32>,
    %add3A_497 = arith.addf %add3A_487, %gather3A_496 : vector<16xf32>
    %add3A_498 = arith.constant 4 : i32
    %add3A_499 = vector.broadcast %add3A_498 : i32 to vector<16xi32>
    %add3A_500 = arith.addi %mul3A_457, %add3A_499 : vector<16xi32>
    %gather3A_501 = tpu.vector_load_idx %arg16[%add3A_500] : memref<1024xf32, #tpu.memory_space<vmem>>[vector<16xi32>], vector<16xf32>,
    %add3A_502 = arith.addf %add3A_492, %gather3A_501 : vector<16xf32>
    %add3A_503 = arith.constant 4 : i32
    %add3A_504 = vector.broadcast %add3A_503 : i32 to vector<16xi32>
    %add3A_505 = arith.addi %mul3A_457, %add3A_504 : vector<16xi32>
    %gather3A_506 = tpu.vector_load_idx %arg17[%add3A_505] : memref<1024xf32, #tpu.memory_space<vmem>>[vector<16xi32>], vector<16xf32>,
    %add3A_507 = arith.addf %add3A_497, %gather3A_506 : vector<16xf32>
    %add3A_508 = arith.constant 5 : i32
    %add3A_509 = vector.broadcast %add3A_508 : i32 to vector<16xi32>
    %add3A_510 = arith.addi %mul3A_457, %add3A_509 : vector<16xi32>
    %gather3A_511 = tpu.vector_load_idx %arg16[%add3A_510] : memref<1024xf32, #tpu.memory_space<vmem>>[vector<16xi32>], vector<16xf32>,
    %add3A_512 = arith.addf %add3A_502, %gather3A_511 : vector<16xf32>
    %add3A_513 = arith.constant 5 : i32
    %add3A_514 = vector.broadcast %add3A_513 : i32 to vector<16xi32>
    %add3A_515 = arith.addi %mul3A_457, %add3A_514 : vector<16xi32>
    %gather3A_516 = tpu.vector_load_idx %arg17[%add3A_515] : memref<1024xf32, #tpu.memory_space<vmem>>[vector<16xi32>], vector<16xf32>,
    %add3A_517 = arith.addf %add3A_507, %gather3A_516 : vector<16xf32>
    %add3A_518 = arith.constant 6 : i32
    %add3A_519 = vector.broadcast %add3A_518 : i32 to vector<16xi32>
    %add3A_520 = arith.addi %mul3A_457, %add3A_519 : vector<16xi32>
    %gather3A_521 = tpu.vector_load_idx %arg16[%add3A_520] : memref<1024xf32, #tpu.memory_space<vmem>>[vector<16xi32>], vector<16xf32>,
    %add3A_522 = arith.addf %add3A_512, %gather3A_521 : vector<16xf32>
    %add3A_523 = arith.constant 6 : i32
    %add3A_524 = vector.broadcast %add3A_523 : i32 to vector<16xi32>
    %add3A_525 = arith.addi %mul3A_457, %add3A_524 : vector<16xi32>
    %gather3A_526 = tpu.vector_load_idx %arg17[%add3A_525] : memref<1024xf32, #tpu.memory_space<vmem>>[vector<16xi32>], vector<16xf32>,
    %add3A_527 = arith.addf %add3A_517, %gather3A_526 : vector<16xf32>
    %add3A_528 = arith.constant 7 : i32
    %add3A_529 = vector.broadcast %add3A_528 : i32 to vector<16xi32>
    %add3A_530 = arith.addi %mul3A_457, %add3A_529 : vector<16xi32>
    %gather3A_531 = tpu.vector_load_idx %arg16[%add3A_530] : memref<1024xf32, #tpu.memory_space<vmem>>[vector<16xi32>], vector<16xf32>,
    %add3A_532 = arith.addf %add3A_522, %gather3A_531 : vector<16xf32>
    %add3A_533 = arith.constant 7 : i32
    %add3A_534 = vector.broadcast %add3A_533 : i32 to vector<16xi32>
    %add3A_535 = arith.addi %mul3A_457, %add3A_534 : vector<16xi32>
    %gather3A_536 = tpu.vector_load_idx %arg17[%add3A_535] : memref<1024xf32, #tpu.memory_space<vmem>>[vector<16xi32>], vector<16xf32>,
    %add3A_537 = arith.addf %add3A_527, %gather3A_536 : vector<16xf32>
    %add3A_538 = arith.constant 8 : i32
    %add3A_539 = vector.broadcast %add3A_538 : i32 to vector<16xi32>
    %add3A_540 = arith.addi %mul3A_457, %add3A_539 : vector<16xi32>
    %gather3A_541 = tpu.vector_load_idx %arg16[%add3A_540] : memref<1024xf32, #tpu.memory_space<vmem>>[vector<16xi32>], vector<16xf32>,
    %add3A_542 = arith.addf %add3A_532, %gather3A_541 : vector<16xf32>
    %add3A_543 = arith.constant 8 : i32
    %add3A_544 = vector.broadcast %add3A_543 : i32 to vector<16xi32>
    %add3A_545 = arith.addi %mul3A_457, %add3A_544 : vector<16xi32>
    %gather3A_546 = tpu.vector_load_idx %arg17[%add3A_545] : memref<1024xf32, #tpu.memory_space<vmem>>[vector<16xi32>], vector<16xf32>,
    %add3A_547 = arith.addf %add3A_537, %gather3A_546 : vector<16xf32>
    %add3A_548 = arith.constant 9 : i32
    %add3A_549 = vector.broadcast %add3A_548 : i32 to vector<16xi32>
    %add3A_550 = arith.addi %mul3A_457, %add3A_549 : vector<16xi32>
    %gather3A_551 = tpu.vector_load_idx %arg16[%add3A_550] : memref<1024xf32, #tpu.memory_space<vmem>>[vector<16xi32>], vector<16xf32>,
    %add3A_552 = arith.addf %add3A_542, %gather3A_551 : vector<16xf32>
    %add3A_553 = arith.constant 9 : i32
    %add3A_554 = vector.broadcast %add3A_553 : i32 to vector<16xi32>
    %add3A_555 = arith.addi %mul3A_457, %add3A_554 : vector<16xi32>
    %gather3A_556 = tpu.vector_load_idx %arg17[%add3A_555] : memref<1024xf32, #tpu.memory_space<vmem>>[vector<16xi32>], vector<16xf32>,
    %add3A_557 = arith.addf %add3A_547, %gather3A_556 : vector<16xf32>
    %add3A_558 = arith.constant 10 : i32
    %add3A_559 = vector.broadcast %add3A_558 : i32 to vector<16xi32>
    %add3A_560 = arith.addi %mul3A_457, %add3A_559 : vector<16xi32>
    %gather3A_561 = tpu.vector_load_idx %arg16[%add3A_560] : memref<1024xf32, #tpu.memory_space<vmem>>[vector<16xi32>], vector<16xf32>,
    %add3A_562 = arith.addf %add3A_552, %gather3A_561 : vector<16xf32>
    %add3A_563 = arith.constant 10 : i32
    %add3A_564 = vector.broadcast %add3A_563 : i32 to vector<16xi32>
    %add3A_565 = arith.addi %mul3A_457, %add3A_564 : vector<16xi32>
    %gather3A_566 = tpu.vector_load_idx %arg17[%add3A_565] : memref<1024xf32, #tpu.memory_space<vmem>>[vector<16xi32>], vector<16xf32>,
    %add3A_567 = arith.addf %add3A_557, %gather3A_566 : vector<16xf32>
    %add3A_568 = arith.constant 11 : i32
    %add3A_569 = vector.broadcast %add3A_568 : i32 to vector<16xi32>
    %add3A_570 = arith.addi %mul3A_457, %add3A_569 : vector<16xi32>
    %gather3A_571 = tpu.vector_load_idx %arg16[%add3A_570] : memref<1024xf32, #tpu.memory_space<vmem>>[vector<16xi32>], vector<16xf32>,
    %add3A_572 = arith.addf %add3A_562, %gather3A_571 : vector<16xf32>
    %add3A_573 = arith.constant 11 : i32
    %add3A_574 = vector.broadcast %add3A_573 : i32 to vector<16xi32>
    %add3A_575 = arith.addi %mul3A_457, %add3A_574 : vector<16xi32>
    %gather3A_576 = tpu.vector_load_idx %arg17[%add3A_575] : memref<1024xf32, #tpu.memory_space<vmem>>[vector<16xi32>], vector<16xf32>,
    %add3A_577 = arith.addf %add3A_567, %gather3A_576 : vector<16xf32>
    %add3A_578 = arith.constant 12 : i32
    %add3A_579 = vector.broadcast %add3A_578 : i32 to vector<16xi32>
    %add3A_580 = arith.addi %mul3A_457, %add3A_579 : vector<16xi32>
    %gather3A_581 = tpu.vector_load_idx %arg16[%add3A_580] : memref<1024xf32, #tpu.memory_space<vmem>>[vector<16xi32>], vector<16xf32>,
    %add3A_582 = arith.addf %add3A_572, %gather3A_581 : vector<16xf32>
    %add3A_583 = arith.constant 12 : i32
    %add3A_584 = vector.broadcast %add3A_583 : i32 to vector<16xi32>
    %add3A_585 = arith.addi %mul3A_457, %add3A_584 : vector<16xi32>
    %gather3A_586 = tpu.vector_load_idx %arg17[%add3A_585] : memref<1024xf32, #tpu.memory_space<vmem>>[vector<16xi32>], vector<16xf32>,
    %add3A_587 = arith.addf %add3A_577, %gather3A_586 : vector<16xf32>
    %add3A_588 = arith.constant 13 : i32
    %add3A_589 = vector.broadcast %add3A_588 : i32 to vector<16xi32>
    %add3A_590 = arith.addi %mul3A_457, %add3A_589 : vector<16xi32>
    %gather3A_591 = tpu.vector_load_idx %arg16[%add3A_590] : memref<1024xf32, #tpu.memory_space<vmem>>[vector<16xi32>], vector<16xf32>,
    %add3A_592 = arith.addf %add3A_582, %gather3A_591 : vector<16xf32>
    %add3A_593 = arith.constant 13 : i32
    %add3A_594 = vector.broadcast %add3A_593 : i32 to vector<16xi32>
    %add3A_595 = arith.addi %mul3A_457, %add3A_594 : vector<16xi32>
    %gather3A_596 = tpu.vector_load_idx %arg17[%add3A_595] : memref<1024xf32, #tpu.memory_space<vmem>>[vector<16xi32>], vector<16xf32>,
    %add3A_597 = arith.addf %add3A_587, %gather3A_596 : vector<16xf32>
    %add3A_598 = arith.constant 14 : i32
    %add3A_599 = vector.broadcast %add3A_598 : i32 to vector<16xi32>
    %add3A_600 = arith.addi %mul3A_457, %add3A_599 : vector<16xi32>
    %gather3A_601 = tpu.vector_load_idx %arg16[%add3A_600] : memref<1024xf32, #tpu.memory_space<vmem>>[vector<16xi32>], vector<16xf32>,
    %add3A_602 = arith.addf %add3A_592, %gather3A_601 : vector<16xf32>
    %add3A_603 = arith.constant 14 : i32
    %add3A_604 = vector.broadcast %add3A_603 : i32 to vector<16xi32>
    %add3A_605 = arith.addi %mul3A_457, %add3A_604 : vector<16xi32>
    %gather3A_606 = tpu.vector_load_idx %arg17[%add3A_605] : memref<1024xf32, #tpu.memory_space<vmem>>[vector<16xi32>], vector<16xf32>,
    %add3A_607 = arith.addf %add3A_597, %gather3A_606 : vector<16xf32>
    %add3A_608 = arith.constant 15 : i32
    %add3A_609 = vector.broadcast %add3A_608 : i32 to vector<16xi32>
    %add3A_610 = arith.addi %mul3A_457, %add3A_609 : vector<16xi32>
    %gather3A_611 = tpu.vector_load_idx %arg16[%add3A_610] : memref<1024xf32, #tpu.memory_space<vmem>>[vector<16xi32>], vector<16xf32>,
    %add3A_612 = arith.addf %add3A_602, %gather3A_611 : vector<16xf32>
    %add3A_613 = arith.constant 15 : i32
    %add3A_614 = vector.broadcast %add3A_613 : i32 to vector<16xi32>
    %add3A_615 = arith.addi %mul3A_457, %add3A_614 : vector<16xi32>
    %gather3A_616 = tpu.vector_load_idx %arg17[%add3A_615] : memref<1024xf32, #tpu.memory_space<vmem>>[vector<16xi32>], vector<16xf32>,
    %add3A_617 = arith.addf %add3A_607, %gather3A_616 : vector<16xf32>
    %max3A = arith.constant 1.000000e+00 : f32
    %max3A_618 = vector.broadcast %max3A : f32 to vector<16xf32>
    %max3A_619 = arith.maximumf %add3A_451, %max3A_618 : vector<16xf32>
    %gt3A = arith.constant 0.000000e+00 : f32
    %gt3A_620 = vector.broadcast %gt3A : f32 to vector<16xf32>
    %gt3A_621 = arith.cmpf ogt, %add3A_451, %gt3A_620 : vector<16xf32>
    %div3A = arith.divf %add3A_612, %max3A_619 : vector<16xf32>
    %jit3A = arith.constant 0.000000e+00 : f32
    %broadcast_in_dim3A_622 = vector.broadcast %jit3A : f32 to vector<16xf32>
    %select_n3A = arith.select %gt3A_621, %div3A, %broadcast_in_dim3A_622 : vector<16xi1>, vector<16xf32>
    %swap3A_623 = arith.constant 0 : index
    %swap3A_624 = tpu.vector_load %arg19[%swap3A_623] {strides = array<i32>} : memref<64xf32, #tpu.memory_space<vmem>>, vector<16xf32>,
    tpu.vector_store %arg19[%swap3A_623], %select_n3A {strides = array<i32>} : memref<64xf32, #tpu.memory_space<vmem>>, vector<16xf32>,
    %div3A_625 = arith.divf %add3A_617, %max3A_619 : vector<16xf32>
    %jit3A_626 = arith.constant 0.000000e+00 : f32
    %broadcast_in_dim3A_627 = vector.broadcast %jit3A_626 : f32 to vector<16xf32>
    %select_n3A_628 = arith.select %gt3A_621, %div3A_625, %broadcast_in_dim3A_627 : vector<16xi1>, vector<16xf32>
    %swap3A_629 = arith.constant 0 : index
    %swap3A_630 = tpu.vector_load %arg20[%swap3A_629] {strides = array<i32>} : memref<64xf32, #tpu.memory_space<vmem>>, vector<16xf32>,
    tpu.vector_store %arg20[%swap3A_629], %select_n3A_628 {strides = array<i32>} : memref<64xf32, #tpu.memory_space<vmem>>, vector<16xf32>,
    %get3A_631 = arith.constant 16 : index
    %get3A_632 = tpu.vector_load %arg18[%get3A_631] {strides = array<i32>} : memref<1024xf32, #tpu.memory_space<vmem>>, vector<16xf32>,
    %add3A_633 = arith.addf %broadcast_in_dim3A_1, %get3A_632 : vector<16xf32>
    %get3A_634 = arith.constant 80 : index
    %get3A_635 = tpu.vector_load %arg18[%get3A_634] {strides = array<i32>} : memref<1024xf32, #tpu.memory_space<vmem>>, vector<16xf32>,
    %add3A_636 = arith.addf %add3A_633, %get3A_635 : vector<16xf32>
    %get3A_637 = arith.constant 144 : index
    %get3A_638 = tpu.vector_load %arg18[%get3A_637] {strides = array<i32>} : memref<1024xf32, #tpu.memory_space<vmem>>, vector<16xf32>,
    %add3A_639 = arith.addf %add3A_636, %get3A_638 : vector<16xf32>
    %get3A_640 = arith.constant 208 : index
    %get3A_641 = tpu.vector_load %arg18[%get3A_640] {strides = array<i32>} : memref<1024xf32, #tpu.memory_space<vmem>>, vector<16xf32>,
    %add3A_642 = arith.addf %add3A_639, %get3A_641 : vector<16xf32>
    %get3A_643 = arith.constant 272 : index
    %get3A_644 = tpu.vector_load %arg18[%get3A_643] {strides = array<i32>} : memref<1024xf32, #tpu.memory_space<vmem>>, vector<16xf32>,
    %add3A_645 = arith.addf %add3A_642, %get3A_644 : vector<16xf32>
    %get3A_646 = arith.constant 336 : index
    %get3A_647 = tpu.vector_load %arg18[%get3A_646] {strides = array<i32>} : memref<1024xf32, #tpu.memory_space<vmem>>, vector<16xf32>,
    %add3A_648 = arith.addf %add3A_645, %get3A_647 : vector<16xf32>
    %get3A_649 = arith.constant 400 : index
    %get3A_650 = tpu.vector_load %arg18[%get3A_649] {strides = array<i32>} : memref<1024xf32, #tpu.memory_space<vmem>>, vector<16xf32>,
    %add3A_651 = arith.addf %add3A_648, %get3A_650 : vector<16xf32>
    %get3A_652 = arith.constant 464 : index
    %get3A_653 = tpu.vector_load %arg18[%get3A_652] {strides = array<i32>} : memref<1024xf32, #tpu.memory_space<vmem>>, vector<16xf32>,
    %add3A_654 = arith.addf %add3A_651, %get3A_653 : vector<16xf32>
    %get3A_655 = arith.constant 528 : index
    %get3A_656 = tpu.vector_load %arg18[%get3A_655] {strides = array<i32>} : memref<1024xf32, #tpu.memory_space<vmem>>, vector<16xf32>,
    %add3A_657 = arith.addf %add3A_654, %get3A_656 : vector<16xf32>
    %get3A_658 = arith.constant 592 : index
    %get3A_659 = tpu.vector_load %arg18[%get3A_658] {strides = array<i32>} : memref<1024xf32, #tpu.memory_space<vmem>>, vector<16xf32>,
    %add3A_660 = arith.addf %add3A_657, %get3A_659 : vector<16xf32>
    %get3A_661 = arith.constant 656 : index
    %get3A_662 = tpu.vector_load %arg18[%get3A_661] {strides = array<i32>} : memref<1024xf32, #tpu.memory_space<vmem>>, vector<16xf32>,
    %add3A_663 = arith.addf %add3A_660, %get3A_662 : vector<16xf32>
    %get3A_664 = arith.constant 720 : index
    %get3A_665 = tpu.vector_load %arg18[%get3A_664] {strides = array<i32>} : memref<1024xf32, #tpu.memory_space<vmem>>, vector<16xf32>,
    %add3A_666 = arith.addf %add3A_663, %get3A_665 : vector<16xf32>
    %get3A_667 = arith.constant 784 : index
    %get3A_668 = tpu.vector_load %arg18[%get3A_667] {strides = array<i32>} : memref<1024xf32, #tpu.memory_space<vmem>>, vector<16xf32>,
    %add3A_669 = arith.addf %add3A_666, %get3A_668 : vector<16xf32>
    %get3A_670 = arith.constant 848 : index
    %get3A_671 = tpu.vector_load %arg18[%get3A_670] {strides = array<i32>} : memref<1024xf32, #tpu.memory_space<vmem>>, vector<16xf32>,
    %add3A_672 = arith.addf %add3A_669, %get3A_671 : vector<16xf32>
    %get3A_673 = arith.constant 912 : index
    %get3A_674 = tpu.vector_load %arg18[%get3A_673] {strides = array<i32>} : memref<1024xf32, #tpu.memory_space<vmem>>, vector<16xf32>,
    %add3A_675 = arith.addf %add3A_672, %get3A_674 : vector<16xf32>
    %get3A_676 = arith.constant 976 : index
    %get3A_677 = tpu.vector_load %arg18[%get3A_676] {strides = array<i32>} : memref<1024xf32, #tpu.memory_space<vmem>>, vector<16xf32>,
    %add3A_678 = arith.addf %add3A_675, %get3A_677 : vector<16xf32>
    %add3A_679 = arith.constant 16 : i32
    %add3A_680 = vector.broadcast %add3A_679 : i32 to vector<16xi32>
    %add3A_681 = arith.addi %add3A_680, %iota3A : vector<16xi32>
    %mul3A_682 = arith.constant 16 : i32
    %mul3A_683 = vector.broadcast %mul3A_682 : i32 to vector<16xi32>
    %mul3A_684 = arith.muli %add3A_681, %mul3A_683 : vector<16xi32>
    %add3A_685 = arith.constant 0 : i32
    %add3A_686 = vector.broadcast %add3A_685 : i32 to vector<16xi32>
    %add3A_687 = arith.addi %mul3A_684, %add3A_686 : vector<16xi32>
    %gather3A_688 = tpu.vector_load_idx %arg16[%add3A_687] : memref<1024xf32, #tpu.memory_space<vmem>>[vector<16xi32>], vector<16xf32>,
    %add3A_689 = arith.addf %broadcast_in_dim3A_1, %gather3A_688 : vector<16xf32>
    %add3A_690 = arith.constant 0 : i32
    %add3A_691 = vector.broadcast %add3A_690 : i32 to vector<16xi32>
    %add3A_692 = arith.addi %mul3A_684, %add3A_691 : vector<16xi32>
    %gather3A_693 = tpu.vector_load_idx %arg17[%add3A_692] : memref<1024xf32, #tpu.memory_space<vmem>>[vector<16xi32>], vector<16xf32>,
    %add3A_694 = arith.addf %broadcast_in_dim3A_1, %gather3A_693 : vector<16xf32>
    %add3A_695 = arith.constant 1 : i32
    %add3A_696 = vector.broadcast %add3A_695 : i32 to vector<16xi32>
    %add3A_697 = arith.addi %mul3A_684, %add3A_696 : vector<16xi32>
    %gather3A_698 = tpu.vector_load_idx %arg16[%add3A_697] : memref<1024xf32, #tpu.memory_space<vmem>>[vector<16xi32>], vector<16xf32>,
    %add3A_699 = arith.addf %add3A_689, %gather3A_698 : vector<16xf32>
    %add3A_700 = arith.constant 1 : i32
    %add3A_701 = vector.broadcast %add3A_700 : i32 to vector<16xi32>
    %add3A_702 = arith.addi %mul3A_684, %add3A_701 : vector<16xi32>
    %gather3A_703 = tpu.vector_load_idx %arg17[%add3A_702] : memref<1024xf32, #tpu.memory_space<vmem>>[vector<16xi32>], vector<16xf32>,
    %add3A_704 = arith.addf %add3A_694, %gather3A_703 : vector<16xf32>
    %add3A_705 = arith.constant 2 : i32
    %add3A_706 = vector.broadcast %add3A_705 : i32 to vector<16xi32>
    %add3A_707 = arith.addi %mul3A_684, %add3A_706 : vector<16xi32>
    %gather3A_708 = tpu.vector_load_idx %arg16[%add3A_707] : memref<1024xf32, #tpu.memory_space<vmem>>[vector<16xi32>], vector<16xf32>,
    %add3A_709 = arith.addf %add3A_699, %gather3A_708 : vector<16xf32>
    %add3A_710 = arith.constant 2 : i32
    %add3A_711 = vector.broadcast %add3A_710 : i32 to vector<16xi32>
    %add3A_712 = arith.addi %mul3A_684, %add3A_711 : vector<16xi32>
    %gather3A_713 = tpu.vector_load_idx %arg17[%add3A_712] : memref<1024xf32, #tpu.memory_space<vmem>>[vector<16xi32>], vector<16xf32>,
    %add3A_714 = arith.addf %add3A_704, %gather3A_713 : vector<16xf32>
    %add3A_715 = arith.constant 3 : i32
    %add3A_716 = vector.broadcast %add3A_715 : i32 to vector<16xi32>
    %add3A_717 = arith.addi %mul3A_684, %add3A_716 : vector<16xi32>
    %gather3A_718 = tpu.vector_load_idx %arg16[%add3A_717] : memref<1024xf32, #tpu.memory_space<vmem>>[vector<16xi32>], vector<16xf32>,
    %add3A_719 = arith.addf %add3A_709, %gather3A_718 : vector<16xf32>
    %add3A_720 = arith.constant 3 : i32
    %add3A_721 = vector.broadcast %add3A_720 : i32 to vector<16xi32>
    %add3A_722 = arith.addi %mul3A_684, %add3A_721 : vector<16xi32>
    %gather3A_723 = tpu.vector_load_idx %arg17[%add3A_722] : memref<1024xf32, #tpu.memory_space<vmem>>[vector<16xi32>], vector<16xf32>,
    %add3A_724 = arith.addf %add3A_714, %gather3A_723 : vector<16xf32>
    %add3A_725 = arith.constant 4 : i32
    %add3A_726 = vector.broadcast %add3A_725 : i32 to vector<16xi32>
    %add3A_727 = arith.addi %mul3A_684, %add3A_726 : vector<16xi32>
    %gather3A_728 = tpu.vector_load_idx %arg16[%add3A_727] : memref<1024xf32, #tpu.memory_space<vmem>>[vector<16xi32>], vector<16xf32>,
    %add3A_729 = arith.addf %add3A_719, %gather3A_728 : vector<16xf32>
    %add3A_730 = arith.constant 4 : i32
    %add3A_731 = vector.broadcast %add3A_730 : i32 to vector<16xi32>
    %add3A_732 = arith.addi %mul3A_684, %add3A_731 : vector<16xi32>
    %gather3A_733 = tpu.vector_load_idx %arg17[%add3A_732] : memref<1024xf32, #tpu.memory_space<vmem>>[vector<16xi32>], vector<16xf32>,
    %add3A_734 = arith.addf %add3A_724, %gather3A_733 : vector<16xf32>
    %add3A_735 = arith.constant 5 : i32
    %add3A_736 = vector.broadcast %add3A_735 : i32 to vector<16xi32>
    %add3A_737 = arith.addi %mul3A_684, %add3A_736 : vector<16xi32>
    %gather3A_738 = tpu.vector_load_idx %arg16[%add3A_737] : memref<1024xf32, #tpu.memory_space<vmem>>[vector<16xi32>], vector<16xf32>,
    %add3A_739 = arith.addf %add3A_729, %gather3A_738 : vector<16xf32>
    %add3A_740 = arith.constant 5 : i32
    %add3A_741 = vector.broadcast %add3A_740 : i32 to vector<16xi32>
    %add3A_742 = arith.addi %mul3A_684, %add3A_741 : vector<16xi32>
    %gather3A_743 = tpu.vector_load_idx %arg17[%add3A_742] : memref<1024xf32, #tpu.memory_space<vmem>>[vector<16xi32>], vector<16xf32>,
    %add3A_744 = arith.addf %add3A_734, %gather3A_743 : vector<16xf32>
    %add3A_745 = arith.constant 6 : i32
    %add3A_746 = vector.broadcast %add3A_745 : i32 to vector<16xi32>
    %add3A_747 = arith.addi %mul3A_684, %add3A_746 : vector<16xi32>
    %gather3A_748 = tpu.vector_load_idx %arg16[%add3A_747] : memref<1024xf32, #tpu.memory_space<vmem>>[vector<16xi32>], vector<16xf32>,
    %add3A_749 = arith.addf %add3A_739, %gather3A_748 : vector<16xf32>
    %add3A_750 = arith.constant 6 : i32
    %add3A_751 = vector.broadcast %add3A_750 : i32 to vector<16xi32>
    %add3A_752 = arith.addi %mul3A_684, %add3A_751 : vector<16xi32>
    %gather3A_753 = tpu.vector_load_idx %arg17[%add3A_752] : memref<1024xf32, #tpu.memory_space<vmem>>[vector<16xi32>], vector<16xf32>,
    %add3A_754 = arith.addf %add3A_744, %gather3A_753 : vector<16xf32>
    %add3A_755 = arith.constant 7 : i32
    %add3A_756 = vector.broadcast %add3A_755 : i32 to vector<16xi32>
    %add3A_757 = arith.addi %mul3A_684, %add3A_756 : vector<16xi32>
    %gather3A_758 = tpu.vector_load_idx %arg16[%add3A_757] : memref<1024xf32, #tpu.memory_space<vmem>>[vector<16xi32>], vector<16xf32>,
    %add3A_759 = arith.addf %add3A_749, %gather3A_758 : vector<16xf32>
    %add3A_760 = arith.constant 7 : i32
    %add3A_761 = vector.broadcast %add3A_760 : i32 to vector<16xi32>
    %add3A_762 = arith.addi %mul3A_684, %add3A_761 : vector<16xi32>
    %gather3A_763 = tpu.vector_load_idx %arg17[%add3A_762] : memref<1024xf32, #tpu.memory_space<vmem>>[vector<16xi32>], vector<16xf32>,
    %add3A_764 = arith.addf %add3A_754, %gather3A_763 : vector<16xf32>
    %add3A_765 = arith.constant 8 : i32
    %add3A_766 = vector.broadcast %add3A_765 : i32 to vector<16xi32>
    %add3A_767 = arith.addi %mul3A_684, %add3A_766 : vector<16xi32>
    %gather3A_768 = tpu.vector_load_idx %arg16[%add3A_767] : memref<1024xf32, #tpu.memory_space<vmem>>[vector<16xi32>], vector<16xf32>,
    %add3A_769 = arith.addf %add3A_759, %gather3A_768 : vector<16xf32>
    %add3A_770 = arith.constant 8 : i32
    %add3A_771 = vector.broadcast %add3A_770 : i32 to vector<16xi32>
    %add3A_772 = arith.addi %mul3A_684, %add3A_771 : vector<16xi32>
    %gather3A_773 = tpu.vector_load_idx %arg17[%add3A_772] : memref<1024xf32, #tpu.memory_space<vmem>>[vector<16xi32>], vector<16xf32>,
    %add3A_774 = arith.addf %add3A_764, %gather3A_773 : vector<16xf32>
    %add3A_775 = arith.constant 9 : i32
    %add3A_776 = vector.broadcast %add3A_775 : i32 to vector<16xi32>
    %add3A_777 = arith.addi %mul3A_684, %add3A_776 : vector<16xi32>
    %gather3A_778 = tpu.vector_load_idx %arg16[%add3A_777] : memref<1024xf32, #tpu.memory_space<vmem>>[vector<16xi32>], vector<16xf32>,
    %add3A_779 = arith.addf %add3A_769, %gather3A_778 : vector<16xf32>
    %add3A_780 = arith.constant 9 : i32
    %add3A_781 = vector.broadcast %add3A_780 : i32 to vector<16xi32>
    %add3A_782 = arith.addi %mul3A_684, %add3A_781 : vector<16xi32>
    %gather3A_783 = tpu.vector_load_idx %arg17[%add3A_782] : memref<1024xf32, #tpu.memory_space<vmem>>[vector<16xi32>], vector<16xf32>,
    %add3A_784 = arith.addf %add3A_774, %gather3A_783 : vector<16xf32>
    %add3A_785 = arith.constant 10 : i32
    %add3A_786 = vector.broadcast %add3A_785 : i32 to vector<16xi32>
    %add3A_787 = arith.addi %mul3A_684, %add3A_786 : vector<16xi32>
    %gather3A_788 = tpu.vector_load_idx %arg16[%add3A_787] : memref<1024xf32, #tpu.memory_space<vmem>>[vector<16xi32>], vector<16xf32>,
    %add3A_789 = arith.addf %add3A_779, %gather3A_788 : vector<16xf32>
    %add3A_790 = arith.constant 10 : i32
    %add3A_791 = vector.broadcast %add3A_790 : i32 to vector<16xi32>
    %add3A_792 = arith.addi %mul3A_684, %add3A_791 : vector<16xi32>
    %gather3A_793 = tpu.vector_load_idx %arg17[%add3A_792] : memref<1024xf32, #tpu.memory_space<vmem>>[vector<16xi32>], vector<16xf32>,
    %add3A_794 = arith.addf %add3A_784, %gather3A_793 : vector<16xf32>
    %add3A_795 = arith.constant 11 : i32
    %add3A_796 = vector.broadcast %add3A_795 : i32 to vector<16xi32>
    %add3A_797 = arith.addi %mul3A_684, %add3A_796 : vector<16xi32>
    %gather3A_798 = tpu.vector_load_idx %arg16[%add3A_797] : memref<1024xf32, #tpu.memory_space<vmem>>[vector<16xi32>], vector<16xf32>,
    %add3A_799 = arith.addf %add3A_789, %gather3A_798 : vector<16xf32>
    %add3A_800 = arith.constant 11 : i32
    %add3A_801 = vector.broadcast %add3A_800 : i32 to vector<16xi32>
    %add3A_802 = arith.addi %mul3A_684, %add3A_801 : vector<16xi32>
    %gather3A_803 = tpu.vector_load_idx %arg17[%add3A_802] : memref<1024xf32, #tpu.memory_space<vmem>>[vector<16xi32>], vector<16xf32>,
    %add3A_804 = arith.addf %add3A_794, %gather3A_803 : vector<16xf32>
    %add3A_805 = arith.constant 12 : i32
    %add3A_806 = vector.broadcast %add3A_805 : i32 to vector<16xi32>
    %add3A_807 = arith.addi %mul3A_684, %add3A_806 : vector<16xi32>
    %gather3A_808 = tpu.vector_load_idx %arg16[%add3A_807] : memref<1024xf32, #tpu.memory_space<vmem>>[vector<16xi32>], vector<16xf32>,
    %add3A_809 = arith.addf %add3A_799, %gather3A_808 : vector<16xf32>
    %add3A_810 = arith.constant 12 : i32
    %add3A_811 = vector.broadcast %add3A_810 : i32 to vector<16xi32>
    %add3A_812 = arith.addi %mul3A_684, %add3A_811 : vector<16xi32>
    %gather3A_813 = tpu.vector_load_idx %arg17[%add3A_812] : memref<1024xf32, #tpu.memory_space<vmem>>[vector<16xi32>], vector<16xf32>,
    %add3A_814 = arith.addf %add3A_804, %gather3A_813 : vector<16xf32>
    %add3A_815 = arith.constant 13 : i32
    %add3A_816 = vector.broadcast %add3A_815 : i32 to vector<16xi32>
    %add3A_817 = arith.addi %mul3A_684, %add3A_816 : vector<16xi32>
    %gather3A_818 = tpu.vector_load_idx %arg16[%add3A_817] : memref<1024xf32, #tpu.memory_space<vmem>>[vector<16xi32>], vector<16xf32>,
    %add3A_819 = arith.addf %add3A_809, %gather3A_818 : vector<16xf32>
    %add3A_820 = arith.constant 13 : i32
    %add3A_821 = vector.broadcast %add3A_820 : i32 to vector<16xi32>
    %add3A_822 = arith.addi %mul3A_684, %add3A_821 : vector<16xi32>
    %gather3A_823 = tpu.vector_load_idx %arg17[%add3A_822] : memref<1024xf32, #tpu.memory_space<vmem>>[vector<16xi32>], vector<16xf32>,
    %add3A_824 = arith.addf %add3A_814, %gather3A_823 : vector<16xf32>
    %add3A_825 = arith.constant 14 : i32
    %add3A_826 = vector.broadcast %add3A_825 : i32 to vector<16xi32>
    %add3A_827 = arith.addi %mul3A_684, %add3A_826 : vector<16xi32>
    %gather3A_828 = tpu.vector_load_idx %arg16[%add3A_827] : memref<1024xf32, #tpu.memory_space<vmem>>[vector<16xi32>], vector<16xf32>,
    %add3A_829 = arith.addf %add3A_819, %gather3A_828 : vector<16xf32>
    %add3A_830 = arith.constant 14 : i32
    %add3A_831 = vector.broadcast %add3A_830 : i32 to vector<16xi32>
    %add3A_832 = arith.addi %mul3A_684, %add3A_831 : vector<16xi32>
    %gather3A_833 = tpu.vector_load_idx %arg17[%add3A_832] : memref<1024xf32, #tpu.memory_space<vmem>>[vector<16xi32>], vector<16xf32>,
    %add3A_834 = arith.addf %add3A_824, %gather3A_833 : vector<16xf32>
    %add3A_835 = arith.constant 15 : i32
    %add3A_836 = vector.broadcast %add3A_835 : i32 to vector<16xi32>
    %add3A_837 = arith.addi %mul3A_684, %add3A_836 : vector<16xi32>
    %gather3A_838 = tpu.vector_load_idx %arg16[%add3A_837] : memref<1024xf32, #tpu.memory_space<vmem>>[vector<16xi32>], vector<16xf32>,
    %add3A_839 = arith.addf %add3A_829, %gather3A_838 : vector<16xf32>
    %add3A_840 = arith.constant 15 : i32
    %add3A_841 = vector.broadcast %add3A_840 : i32 to vector<16xi32>
    %add3A_842 = arith.addi %mul3A_684, %add3A_841 : vector<16xi32>
    %gather3A_843 = tpu.vector_load_idx %arg17[%add3A_842] : memref<1024xf32, #tpu.memory_space<vmem>>[vector<16xi32>], vector<16xf32>,
    %add3A_844 = arith.addf %add3A_834, %gather3A_843 : vector<16xf32>
    %max3A_845 = arith.constant 1.000000e+00 : f32
    %max3A_846 = vector.broadcast %max3A_845 : f32 to vector<16xf32>
    %max3A_847 = arith.maximumf %add3A_678, %max3A_846 : vector<16xf32>
    %gt3A_848 = arith.constant 0.000000e+00 : f32
    %gt3A_849 = vector.broadcast %gt3A_848 : f32 to vector<16xf32>
    %gt3A_850 = arith.cmpf ogt, %add3A_678, %gt3A_849 : vector<16xf32>
    %div3A_851 = arith.divf %add3A_839, %max3A_847 : vector<16xf32>
    %jit3A_852 = arith.constant 0.000000e+00 : f32
    %broadcast_in_dim3A_853 = vector.broadcast %jit3A_852 : f32 to vector<16xf32>
    %select_n3A_854 = arith.select %gt3A_850, %div3A_851, %broadcast_in_dim3A_853 : vector<16xi1>, vector<16xf32>
    %swap3A_855 = arith.constant 16 : index
    %swap3A_856 = tpu.vector_load %arg19[%swap3A_855] {strides = array<i32>} : memref<64xf32, #tpu.memory_space<vmem>>, vector<16xf32>,
    tpu.vector_store %arg19[%swap3A_855], %select_n3A_854 {strides = array<i32>} : memref<64xf32, #tpu.memory_space<vmem>>, vector<16xf32>,
    %div3A_857 = arith.divf %add3A_844, %max3A_847 : vector<16xf32>
    %jit3A_858 = arith.constant 0.000000e+00 : f32
    %broadcast_in_dim3A_859 = vector.broadcast %jit3A_858 : f32 to vector<16xf32>
    %select_n3A_860 = arith.select %gt3A_850, %div3A_857, %broadcast_in_dim3A_859 : vector<16xi1>, vector<16xf32>
    %swap3A_861 = arith.constant 16 : index
    %swap3A_862 = tpu.vector_load %arg20[%swap3A_861] {strides = array<i32>} : memref<64xf32, #tpu.memory_space<vmem>>, vector<16xf32>,
    tpu.vector_store %arg20[%swap3A_861], %select_n3A_860 {strides = array<i32>} : memref<64xf32, #tpu.memory_space<vmem>>, vector<16xf32>,
    %get3A_863 = arith.constant 32 : index
    %get3A_864 = tpu.vector_load %arg18[%get3A_863] {strides = array<i32>} : memref<1024xf32, #tpu.memory_space<vmem>>, vector<16xf32>,
    %add3A_865 = arith.addf %broadcast_in_dim3A_1, %get3A_864 : vector<16xf32>
    %get3A_866 = arith.constant 96 : index
    %get3A_867 = tpu.vector_load %arg18[%get3A_866] {strides = array<i32>} : memref<1024xf32, #tpu.memory_space<vmem>>, vector<16xf32>,
    %add3A_868 = arith.addf %add3A_865, %get3A_867 : vector<16xf32>
    %get3A_869 = arith.constant 160 : index
    %get3A_870 = tpu.vector_load %arg18[%get3A_869] {strides = array<i32>} : memref<1024xf32, #tpu.memory_space<vmem>>, vector<16xf32>,
    %add3A_871 = arith.addf %add3A_868, %get3A_870 : vector<16xf32>
    %get3A_872 = arith.constant 224 : index
    %get3A_873 = tpu.vector_load %arg18[%get3A_872] {strides = array<i32>} : memref<1024xf32, #tpu.memory_space<vmem>>, vector<16xf32>,
    %add3A_874 = arith.addf %add3A_871, %get3A_873 : vector<16xf32>
    %get3A_875 = arith.constant 288 : index
    %get3A_876 = tpu.vector_load %arg18[%get3A_875] {strides = array<i32>} : memref<1024xf32, #tpu.memory_space<vmem>>, vector<16xf32>,
    %add3A_877 = arith.addf %add3A_874, %get3A_876 : vector<16xf32>
    %get3A_878 = arith.constant 352 : index
    %get3A_879 = tpu.vector_load %arg18[%get3A_878] {strides = array<i32>} : memref<1024xf32, #tpu.memory_space<vmem>>, vector<16xf32>,
    %add3A_880 = arith.addf %add3A_877, %get3A_879 : vector<16xf32>
    %get3A_881 = arith.constant 416 : index
    %get3A_882 = tpu.vector_load %arg18[%get3A_881] {strides = array<i32>} : memref<1024xf32, #tpu.memory_space<vmem>>, vector<16xf32>,
    %add3A_883 = arith.addf %add3A_880, %get3A_882 : vector<16xf32>
    %get3A_884 = arith.constant 480 : index
    %get3A_885 = tpu.vector_load %arg18[%get3A_884] {strides = array<i32>} : memref<1024xf32, #tpu.memory_space<vmem>>, vector<16xf32>,
    %add3A_886 = arith.addf %add3A_883, %get3A_885 : vector<16xf32>
    %get3A_887 = arith.constant 544 : index
    %get3A_888 = tpu.vector_load %arg18[%get3A_887] {strides = array<i32>} : memref<1024xf32, #tpu.memory_space<vmem>>, vector<16xf32>,
    %add3A_889 = arith.addf %add3A_886, %get3A_888 : vector<16xf32>
    %get3A_890 = arith.constant 608 : index
    %get3A_891 = tpu.vector_load %arg18[%get3A_890] {strides = array<i32>} : memref<1024xf32, #tpu.memory_space<vmem>>, vector<16xf32>,
    %add3A_892 = arith.addf %add3A_889, %get3A_891 : vector<16xf32>
    %get3A_893 = arith.constant 672 : index
    %get3A_894 = tpu.vector_load %arg18[%get3A_893] {strides = array<i32>} : memref<1024xf32, #tpu.memory_space<vmem>>, vector<16xf32>,
    %add3A_895 = arith.addf %add3A_892, %get3A_894 : vector<16xf32>
    %get3A_896 = arith.constant 736 : index
    %get3A_897 = tpu.vector_load %arg18[%get3A_896] {strides = array<i32>} : memref<1024xf32, #tpu.memory_space<vmem>>, vector<16xf32>,
    %add3A_898 = arith.addf %add3A_895, %get3A_897 : vector<16xf32>
    %get3A_899 = arith.constant 800 : index
    %get3A_900 = tpu.vector_load %arg18[%get3A_899] {strides = array<i32>} : memref<1024xf32, #tpu.memory_space<vmem>>, vector<16xf32>,
    %add3A_901 = arith.addf %add3A_898, %get3A_900 : vector<16xf32>
    %get3A_902 = arith.constant 864 : index
    %get3A_903 = tpu.vector_load %arg18[%get3A_902] {strides = array<i32>} : memref<1024xf32, #tpu.memory_space<vmem>>, vector<16xf32>,
    %add3A_904 = arith.addf %add3A_901, %get3A_903 : vector<16xf32>
    %get3A_905 = arith.constant 928 : index
    %get3A_906 = tpu.vector_load %arg18[%get3A_905] {strides = array<i32>} : memref<1024xf32, #tpu.memory_space<vmem>>, vector<16xf32>,
    %add3A_907 = arith.addf %add3A_904, %get3A_906 : vector<16xf32>
    %get3A_908 = arith.constant 992 : index
    %get3A_909 = tpu.vector_load %arg18[%get3A_908] {strides = array<i32>} : memref<1024xf32, #tpu.memory_space<vmem>>, vector<16xf32>,
    %add3A_910 = arith.addf %add3A_907, %get3A_909 : vector<16xf32>
    %add3A_911 = arith.constant 32 : i32
    %add3A_912 = vector.broadcast %add3A_911 : i32 to vector<16xi32>
    %add3A_913 = arith.addi %add3A_912, %iota3A : vector<16xi32>
    %mul3A_914 = arith.constant 16 : i32
    %mul3A_915 = vector.broadcast %mul3A_914 : i32 to vector<16xi32>
    %mul3A_916 = arith.muli %add3A_913, %mul3A_915 : vector<16xi32>
    %add3A_917 = arith.constant 0 : i32
    %add3A_918 = vector.broadcast %add3A_917 : i32 to vector<16xi32>
    %add3A_919 = arith.addi %mul3A_916, %add3A_918 : vector<16xi32>
    %gather3A_920 = tpu.vector_load_idx %arg16[%add3A_919] : memref<1024xf32, #tpu.memory_space<vmem>>[vector<16xi32>], vector<16xf32>,
    %add3A_921 = arith.addf %broadcast_in_dim3A_1, %gather3A_920 : vector<16xf32>
    %add3A_922 = arith.constant 0 : i32
    %add3A_923 = vector.broadcast %add3A_922 : i32 to vector<16xi32>
    %add3A_924 = arith.addi %mul3A_916, %add3A_923 : vector<16xi32>
    %gather3A_925 = tpu.vector_load_idx %arg17[%add3A_924] : memref<1024xf32, #tpu.memory_space<vmem>>[vector<16xi32>], vector<16xf32>,
    %add3A_926 = arith.addf %broadcast_in_dim3A_1, %gather3A_925 : vector<16xf32>
    %add3A_927 = arith.constant 1 : i32
    %add3A_928 = vector.broadcast %add3A_927 : i32 to vector<16xi32>
    %add3A_929 = arith.addi %mul3A_916, %add3A_928 : vector<16xi32>
    %gather3A_930 = tpu.vector_load_idx %arg16[%add3A_929] : memref<1024xf32, #tpu.memory_space<vmem>>[vector<16xi32>], vector<16xf32>,
    %add3A_931 = arith.addf %add3A_921, %gather3A_930 : vector<16xf32>
    %add3A_932 = arith.constant 1 : i32
    %add3A_933 = vector.broadcast %add3A_932 : i32 to vector<16xi32>
    %add3A_934 = arith.addi %mul3A_916, %add3A_933 : vector<16xi32>
    %gather3A_935 = tpu.vector_load_idx %arg17[%add3A_934] : memref<1024xf32, #tpu.memory_space<vmem>>[vector<16xi32>], vector<16xf32>,
    %add3A_936 = arith.addf %add3A_926, %gather3A_935 : vector<16xf32>
    %add3A_937 = arith.constant 2 : i32
    %add3A_938 = vector.broadcast %add3A_937 : i32 to vector<16xi32>
    %add3A_939 = arith.addi %mul3A_916, %add3A_938 : vector<16xi32>
    %gather3A_940 = tpu.vector_load_idx %arg16[%add3A_939] : memref<1024xf32, #tpu.memory_space<vmem>>[vector<16xi32>], vector<16xf32>,
    %add3A_941 = arith.addf %add3A_931, %gather3A_940 : vector<16xf32>
    %add3A_942 = arith.constant 2 : i32
    %add3A_943 = vector.broadcast %add3A_942 : i32 to vector<16xi32>
    %add3A_944 = arith.addi %mul3A_916, %add3A_943 : vector<16xi32>
    %gather3A_945 = tpu.vector_load_idx %arg17[%add3A_944] : memref<1024xf32, #tpu.memory_space<vmem>>[vector<16xi32>], vector<16xf32>,
    %add3A_946 = arith.addf %add3A_936, %gather3A_945 : vector<16xf32>
    %add3A_947 = arith.constant 3 : i32
    %add3A_948 = vector.broadcast %add3A_947 : i32 to vector<16xi32>
    %add3A_949 = arith.addi %mul3A_916, %add3A_948 : vector<16xi32>
    %gather3A_950 = tpu.vector_load_idx %arg16[%add3A_949] : memref<1024xf32, #tpu.memory_space<vmem>>[vector<16xi32>], vector<16xf32>,
    %add3A_951 = arith.addf %add3A_941, %gather3A_950 : vector<16xf32>
    %add3A_952 = arith.constant 3 : i32
    %add3A_953 = vector.broadcast %add3A_952 : i32 to vector<16xi32>
    %add3A_954 = arith.addi %mul3A_916, %add3A_953 : vector<16xi32>
    %gather3A_955 = tpu.vector_load_idx %arg17[%add3A_954] : memref<1024xf32, #tpu.memory_space<vmem>>[vector<16xi32>], vector<16xf32>,
    %add3A_956 = arith.addf %add3A_946, %gather3A_955 : vector<16xf32>
    %add3A_957 = arith.constant 4 : i32
    %add3A_958 = vector.broadcast %add3A_957 : i32 to vector<16xi32>
    %add3A_959 = arith.addi %mul3A_916, %add3A_958 : vector<16xi32>
    %gather3A_960 = tpu.vector_load_idx %arg16[%add3A_959] : memref<1024xf32, #tpu.memory_space<vmem>>[vector<16xi32>], vector<16xf32>,
    %add3A_961 = arith.addf %add3A_951, %gather3A_960 : vector<16xf32>
    %add3A_962 = arith.constant 4 : i32
    %add3A_963 = vector.broadcast %add3A_962 : i32 to vector<16xi32>
    %add3A_964 = arith.addi %mul3A_916, %add3A_963 : vector<16xi32>
    %gather3A_965 = tpu.vector_load_idx %arg17[%add3A_964] : memref<1024xf32, #tpu.memory_space<vmem>>[vector<16xi32>], vector<16xf32>,
    %add3A_966 = arith.addf %add3A_956, %gather3A_965 : vector<16xf32>
    %add3A_967 = arith.constant 5 : i32
    %add3A_968 = vector.broadcast %add3A_967 : i32 to vector<16xi32>
    %add3A_969 = arith.addi %mul3A_916, %add3A_968 : vector<16xi32>
    %gather3A_970 = tpu.vector_load_idx %arg16[%add3A_969] : memref<1024xf32, #tpu.memory_space<vmem>>[vector<16xi32>], vector<16xf32>,
    %add3A_971 = arith.addf %add3A_961, %gather3A_970 : vector<16xf32>
    %add3A_972 = arith.constant 5 : i32
    %add3A_973 = vector.broadcast %add3A_972 : i32 to vector<16xi32>
    %add3A_974 = arith.addi %mul3A_916, %add3A_973 : vector<16xi32>
    %gather3A_975 = tpu.vector_load_idx %arg17[%add3A_974] : memref<1024xf32, #tpu.memory_space<vmem>>[vector<16xi32>], vector<16xf32>,
    %add3A_976 = arith.addf %add3A_966, %gather3A_975 : vector<16xf32>
    %add3A_977 = arith.constant 6 : i32
    %add3A_978 = vector.broadcast %add3A_977 : i32 to vector<16xi32>
    %add3A_979 = arith.addi %mul3A_916, %add3A_978 : vector<16xi32>
    %gather3A_980 = tpu.vector_load_idx %arg16[%add3A_979] : memref<1024xf32, #tpu.memory_space<vmem>>[vector<16xi32>], vector<16xf32>,
    %add3A_981 = arith.addf %add3A_971, %gather3A_980 : vector<16xf32>
    %add3A_982 = arith.constant 6 : i32
    %add3A_983 = vector.broadcast %add3A_982 : i32 to vector<16xi32>
    %add3A_984 = arith.addi %mul3A_916, %add3A_983 : vector<16xi32>
    %gather3A_985 = tpu.vector_load_idx %arg17[%add3A_984] : memref<1024xf32, #tpu.memory_space<vmem>>[vector<16xi32>], vector<16xf32>,
    %add3A_986 = arith.addf %add3A_976, %gather3A_985 : vector<16xf32>
    %add3A_987 = arith.constant 7 : i32
    %add3A_988 = vector.broadcast %add3A_987 : i32 to vector<16xi32>
    %add3A_989 = arith.addi %mul3A_916, %add3A_988 : vector<16xi32>
    %gather3A_990 = tpu.vector_load_idx %arg16[%add3A_989] : memref<1024xf32, #tpu.memory_space<vmem>>[vector<16xi32>], vector<16xf32>,
    %add3A_991 = arith.addf %add3A_981, %gather3A_990 : vector<16xf32>
    %add3A_992 = arith.constant 7 : i32
    %add3A_993 = vector.broadcast %add3A_992 : i32 to vector<16xi32>
    %add3A_994 = arith.addi %mul3A_916, %add3A_993 : vector<16xi32>
    %gather3A_995 = tpu.vector_load_idx %arg17[%add3A_994] : memref<1024xf32, #tpu.memory_space<vmem>>[vector<16xi32>], vector<16xf32>,
    %add3A_996 = arith.addf %add3A_986, %gather3A_995 : vector<16xf32>
    %add3A_997 = arith.constant 8 : i32
    %add3A_998 = vector.broadcast %add3A_997 : i32 to vector<16xi32>
    %add3A_999 = arith.addi %mul3A_916, %add3A_998 : vector<16xi32>
    %gather3A_1000 = tpu.vector_load_idx %arg16[%add3A_999] : memref<1024xf32, #tpu.memory_space<vmem>>[vector<16xi32>], vector<16xf32>,
    %add3A_1001 = arith.addf %add3A_991, %gather3A_1000 : vector<16xf32>
    %add3A_1002 = arith.constant 8 : i32
    %add3A_1003 = vector.broadcast %add3A_1002 : i32 to vector<16xi32>
    %add3A_1004 = arith.addi %mul3A_916, %add3A_1003 : vector<16xi32>
    %gather3A_1005 = tpu.vector_load_idx %arg17[%add3A_1004] : memref<1024xf32, #tpu.memory_space<vmem>>[vector<16xi32>], vector<16xf32>,
    %add3A_1006 = arith.addf %add3A_996, %gather3A_1005 : vector<16xf32>
    %add3A_1007 = arith.constant 9 : i32
    %add3A_1008 = vector.broadcast %add3A_1007 : i32 to vector<16xi32>
    %add3A_1009 = arith.addi %mul3A_916, %add3A_1008 : vector<16xi32>
    %gather3A_1010 = tpu.vector_load_idx %arg16[%add3A_1009] : memref<1024xf32, #tpu.memory_space<vmem>>[vector<16xi32>], vector<16xf32>,
    %add3A_1011 = arith.addf %add3A_1001, %gather3A_1010 : vector<16xf32>
    %add3A_1012 = arith.constant 9 : i32
    %add3A_1013 = vector.broadcast %add3A_1012 : i32 to vector<16xi32>
    %add3A_1014 = arith.addi %mul3A_916, %add3A_1013 : vector<16xi32>
    %gather3A_1015 = tpu.vector_load_idx %arg17[%add3A_1014] : memref<1024xf32, #tpu.memory_space<vmem>>[vector<16xi32>], vector<16xf32>,
    %add3A_1016 = arith.addf %add3A_1006, %gather3A_1015 : vector<16xf32>
    %add3A_1017 = arith.constant 10 : i32
    %add3A_1018 = vector.broadcast %add3A_1017 : i32 to vector<16xi32>
    %add3A_1019 = arith.addi %mul3A_916, %add3A_1018 : vector<16xi32>
    %gather3A_1020 = tpu.vector_load_idx %arg16[%add3A_1019] : memref<1024xf32, #tpu.memory_space<vmem>>[vector<16xi32>], vector<16xf32>,
    %add3A_1021 = arith.addf %add3A_1011, %gather3A_1020 : vector<16xf32>
    %add3A_1022 = arith.constant 10 : i32
    %add3A_1023 = vector.broadcast %add3A_1022 : i32 to vector<16xi32>
    %add3A_1024 = arith.addi %mul3A_916, %add3A_1023 : vector<16xi32>
    %gather3A_1025 = tpu.vector_load_idx %arg17[%add3A_1024] : memref<1024xf32, #tpu.memory_space<vmem>>[vector<16xi32>], vector<16xf32>,
    %add3A_1026 = arith.addf %add3A_1016, %gather3A_1025 : vector<16xf32>
    %add3A_1027 = arith.constant 11 : i32
    %add3A_1028 = vector.broadcast %add3A_1027 : i32 to vector<16xi32>
    %add3A_1029 = arith.addi %mul3A_916, %add3A_1028 : vector<16xi32>
    %gather3A_1030 = tpu.vector_load_idx %arg16[%add3A_1029] : memref<1024xf32, #tpu.memory_space<vmem>>[vector<16xi32>], vector<16xf32>,
    %add3A_1031 = arith.addf %add3A_1021, %gather3A_1030 : vector<16xf32>
    %add3A_1032 = arith.constant 11 : i32
    %add3A_1033 = vector.broadcast %add3A_1032 : i32 to vector<16xi32>
    %add3A_1034 = arith.addi %mul3A_916, %add3A_1033 : vector<16xi32>
    %gather3A_1035 = tpu.vector_load_idx %arg17[%add3A_1034] : memref<1024xf32, #tpu.memory_space<vmem>>[vector<16xi32>], vector<16xf32>,
    %add3A_1036 = arith.addf %add3A_1026, %gather3A_1035 : vector<16xf32>
    %add3A_1037 = arith.constant 12 : i32
    %add3A_1038 = vector.broadcast %add3A_1037 : i32 to vector<16xi32>
    %add3A_1039 = arith.addi %mul3A_916, %add3A_1038 : vector<16xi32>
    %gather3A_1040 = tpu.vector_load_idx %arg16[%add3A_1039] : memref<1024xf32, #tpu.memory_space<vmem>>[vector<16xi32>], vector<16xf32>,
    %add3A_1041 = arith.addf %add3A_1031, %gather3A_1040 : vector<16xf32>
    %add3A_1042 = arith.constant 12 : i32
    %add3A_1043 = vector.broadcast %add3A_1042 : i32 to vector<16xi32>
    %add3A_1044 = arith.addi %mul3A_916, %add3A_1043 : vector<16xi32>
    %gather3A_1045 = tpu.vector_load_idx %arg17[%add3A_1044] : memref<1024xf32, #tpu.memory_space<vmem>>[vector<16xi32>], vector<16xf32>,
    %add3A_1046 = arith.addf %add3A_1036, %gather3A_1045 : vector<16xf32>
    %add3A_1047 = arith.constant 13 : i32
    %add3A_1048 = vector.broadcast %add3A_1047 : i32 to vector<16xi32>
    %add3A_1049 = arith.addi %mul3A_916, %add3A_1048 : vector<16xi32>
    %gather3A_1050 = tpu.vector_load_idx %arg16[%add3A_1049] : memref<1024xf32, #tpu.memory_space<vmem>>[vector<16xi32>], vector<16xf32>,
    %add3A_1051 = arith.addf %add3A_1041, %gather3A_1050 : vector<16xf32>
    %add3A_1052 = arith.constant 13 : i32
    %add3A_1053 = vector.broadcast %add3A_1052 : i32 to vector<16xi32>
    %add3A_1054 = arith.addi %mul3A_916, %add3A_1053 : vector<16xi32>
    %gather3A_1055 = tpu.vector_load_idx %arg17[%add3A_1054] : memref<1024xf32, #tpu.memory_space<vmem>>[vector<16xi32>], vector<16xf32>,
    %add3A_1056 = arith.addf %add3A_1046, %gather3A_1055 : vector<16xf32>
    %add3A_1057 = arith.constant 14 : i32
    %add3A_1058 = vector.broadcast %add3A_1057 : i32 to vector<16xi32>
    %add3A_1059 = arith.addi %mul3A_916, %add3A_1058 : vector<16xi32>
    %gather3A_1060 = tpu.vector_load_idx %arg16[%add3A_1059] : memref<1024xf32, #tpu.memory_space<vmem>>[vector<16xi32>], vector<16xf32>,
    %add3A_1061 = arith.addf %add3A_1051, %gather3A_1060 : vector<16xf32>
    %add3A_1062 = arith.constant 14 : i32
    %add3A_1063 = vector.broadcast %add3A_1062 : i32 to vector<16xi32>
    %add3A_1064 = arith.addi %mul3A_916, %add3A_1063 : vector<16xi32>
    %gather3A_1065 = tpu.vector_load_idx %arg17[%add3A_1064] : memref<1024xf32, #tpu.memory_space<vmem>>[vector<16xi32>], vector<16xf32>,
    %add3A_1066 = arith.addf %add3A_1056, %gather3A_1065 : vector<16xf32>
    %add3A_1067 = arith.constant 15 : i32
    %add3A_1068 = vector.broadcast %add3A_1067 : i32 to vector<16xi32>
    %add3A_1069 = arith.addi %mul3A_916, %add3A_1068 : vector<16xi32>
    %gather3A_1070 = tpu.vector_load_idx %arg16[%add3A_1069] : memref<1024xf32, #tpu.memory_space<vmem>>[vector<16xi32>], vector<16xf32>,
    %add3A_1071 = arith.addf %add3A_1061, %gather3A_1070 : vector<16xf32>
    %add3A_1072 = arith.constant 15 : i32
    %add3A_1073 = vector.broadcast %add3A_1072 : i32 to vector<16xi32>
    %add3A_1074 = arith.addi %mul3A_916, %add3A_1073 : vector<16xi32>
    %gather3A_1075 = tpu.vector_load_idx %arg17[%add3A_1074] : memref<1024xf32, #tpu.memory_space<vmem>>[vector<16xi32>], vector<16xf32>,
    %add3A_1076 = arith.addf %add3A_1066, %gather3A_1075 : vector<16xf32>
    %max3A_1077 = arith.constant 1.000000e+00 : f32
    %max3A_1078 = vector.broadcast %max3A_1077 : f32 to vector<16xf32>
    %max3A_1079 = arith.maximumf %add3A_910, %max3A_1078 : vector<16xf32>
    %gt3A_1080 = arith.constant 0.000000e+00 : f32
    %gt3A_1081 = vector.broadcast %gt3A_1080 : f32 to vector<16xf32>
    %gt3A_1082 = arith.cmpf ogt, %add3A_910, %gt3A_1081 : vector<16xf32>
    %div3A_1083 = arith.divf %add3A_1071, %max3A_1079 : vector<16xf32>
    %jit3A_1084 = arith.constant 0.000000e+00 : f32
    %broadcast_in_dim3A_1085 = vector.broadcast %jit3A_1084 : f32 to vector<16xf32>
    %select_n3A_1086 = arith.select %gt3A_1082, %div3A_1083, %broadcast_in_dim3A_1085 : vector<16xi1>, vector<16xf32>
    %swap3A_1087 = arith.constant 32 : index
    %swap3A_1088 = tpu.vector_load %arg19[%swap3A_1087] {strides = array<i32>} : memref<64xf32, #tpu.memory_space<vmem>>, vector<16xf32>,
    tpu.vector_store %arg19[%swap3A_1087], %select_n3A_1086 {strides = array<i32>} : memref<64xf32, #tpu.memory_space<vmem>>, vector<16xf32>,
    %div3A_1089 = arith.divf %add3A_1076, %max3A_1079 : vector<16xf32>
    %jit3A_1090 = arith.constant 0.000000e+00 : f32
    %broadcast_in_dim3A_1091 = vector.broadcast %jit3A_1090 : f32 to vector<16xf32>
    %select_n3A_1092 = arith.select %gt3A_1082, %div3A_1089, %broadcast_in_dim3A_1091 : vector<16xi1>, vector<16xf32>
    %swap3A_1093 = arith.constant 32 : index
    %swap3A_1094 = tpu.vector_load %arg20[%swap3A_1093] {strides = array<i32>} : memref<64xf32, #tpu.memory_space<vmem>>, vector<16xf32>,
    tpu.vector_store %arg20[%swap3A_1093], %select_n3A_1092 {strides = array<i32>} : memref<64xf32, #tpu.memory_space<vmem>>, vector<16xf32>,
    %get3A_1095 = arith.constant 48 : index
    %get3A_1096 = tpu.vector_load %arg18[%get3A_1095] {strides = array<i32>} : memref<1024xf32, #tpu.memory_space<vmem>>, vector<16xf32>,
    %add3A_1097 = arith.addf %broadcast_in_dim3A_1, %get3A_1096 : vector<16xf32>
    %get3A_1098 = arith.constant 112 : index
    %get3A_1099 = tpu.vector_load %arg18[%get3A_1098] {strides = array<i32>} : memref<1024xf32, #tpu.memory_space<vmem>>, vector<16xf32>,
    %add3A_1100 = arith.addf %add3A_1097, %get3A_1099 : vector<16xf32>
    %get3A_1101 = arith.constant 176 : index
    %get3A_1102 = tpu.vector_load %arg18[%get3A_1101] {strides = array<i32>} : memref<1024xf32, #tpu.memory_space<vmem>>, vector<16xf32>,
    %add3A_1103 = arith.addf %add3A_1100, %get3A_1102 : vector<16xf32>
    %get3A_1104 = arith.constant 240 : index
    %get3A_1105 = tpu.vector_load %arg18[%get3A_1104] {strides = array<i32>} : memref<1024xf32, #tpu.memory_space<vmem>>, vector<16xf32>,
    %add3A_1106 = arith.addf %add3A_1103, %get3A_1105 : vector<16xf32>
    %get3A_1107 = arith.constant 304 : index
    %get3A_1108 = tpu.vector_load %arg18[%get3A_1107] {strides = array<i32>} : memref<1024xf32, #tpu.memory_space<vmem>>, vector<16xf32>,
    %add3A_1109 = arith.addf %add3A_1106, %get3A_1108 : vector<16xf32>
    %get3A_1110 = arith.constant 368 : index
    %get3A_1111 = tpu.vector_load %arg18[%get3A_1110] {strides = array<i32>} : memref<1024xf32, #tpu.memory_space<vmem>>, vector<16xf32>,
    %add3A_1112 = arith.addf %add3A_1109, %get3A_1111 : vector<16xf32>
    %get3A_1113 = arith.constant 432 : index
    %get3A_1114 = tpu.vector_load %arg18[%get3A_1113] {strides = array<i32>} : memref<1024xf32, #tpu.memory_space<vmem>>, vector<16xf32>,
    %add3A_1115 = arith.addf %add3A_1112, %get3A_1114 : vector<16xf32>
    %get3A_1116 = arith.constant 496 : index
    %get3A_1117 = tpu.vector_load %arg18[%get3A_1116] {strides = array<i32>} : memref<1024xf32, #tpu.memory_space<vmem>>, vector<16xf32>,
    %add3A_1118 = arith.addf %add3A_1115, %get3A_1117 : vector<16xf32>
    %get3A_1119 = arith.constant 560 : index
    %get3A_1120 = tpu.vector_load %arg18[%get3A_1119] {strides = array<i32>} : memref<1024xf32, #tpu.memory_space<vmem>>, vector<16xf32>,
    %add3A_1121 = arith.addf %add3A_1118, %get3A_1120 : vector<16xf32>
    %get3A_1122 = arith.constant 624 : index
    %get3A_1123 = tpu.vector_load %arg18[%get3A_1122] {strides = array<i32>} : memref<1024xf32, #tpu.memory_space<vmem>>, vector<16xf32>,
    %add3A_1124 = arith.addf %add3A_1121, %get3A_1123 : vector<16xf32>
    %get3A_1125 = arith.constant 688 : index
    %get3A_1126 = tpu.vector_load %arg18[%get3A_1125] {strides = array<i32>} : memref<1024xf32, #tpu.memory_space<vmem>>, vector<16xf32>,
    %add3A_1127 = arith.addf %add3A_1124, %get3A_1126 : vector<16xf32>
    %get3A_1128 = arith.constant 752 : index
    %get3A_1129 = tpu.vector_load %arg18[%get3A_1128] {strides = array<i32>} : memref<1024xf32, #tpu.memory_space<vmem>>, vector<16xf32>,
    %add3A_1130 = arith.addf %add3A_1127, %get3A_1129 : vector<16xf32>
    %get3A_1131 = arith.constant 816 : index
    %get3A_1132 = tpu.vector_load %arg18[%get3A_1131] {strides = array<i32>} : memref<1024xf32, #tpu.memory_space<vmem>>, vector<16xf32>,
    %add3A_1133 = arith.addf %add3A_1130, %get3A_1132 : vector<16xf32>
    %get3A_1134 = arith.constant 880 : index
    %get3A_1135 = tpu.vector_load %arg18[%get3A_1134] {strides = array<i32>} : memref<1024xf32, #tpu.memory_space<vmem>>, vector<16xf32>,
    %add3A_1136 = arith.addf %add3A_1133, %get3A_1135 : vector<16xf32>
    %get3A_1137 = arith.constant 944 : index
    %get3A_1138 = tpu.vector_load %arg18[%get3A_1137] {strides = array<i32>} : memref<1024xf32, #tpu.memory_space<vmem>>, vector<16xf32>,
    %add3A_1139 = arith.addf %add3A_1136, %get3A_1138 : vector<16xf32>
    %get3A_1140 = arith.constant 1008 : index
    %get3A_1141 = tpu.vector_load %arg18[%get3A_1140] {strides = array<i32>} : memref<1024xf32, #tpu.memory_space<vmem>>, vector<16xf32>,
    %add3A_1142 = arith.addf %add3A_1139, %get3A_1141 : vector<16xf32>
    %add3A_1143 = arith.constant 48 : i32
    %add3A_1144 = vector.broadcast %add3A_1143 : i32 to vector<16xi32>
    %add3A_1145 = arith.addi %add3A_1144, %iota3A : vector<16xi32>
    %mul3A_1146 = arith.constant 16 : i32
    %mul3A_1147 = vector.broadcast %mul3A_1146 : i32 to vector<16xi32>
    %mul3A_1148 = arith.muli %add3A_1145, %mul3A_1147 : vector<16xi32>
    %add3A_1149 = arith.constant 0 : i32
    %add3A_1150 = vector.broadcast %add3A_1149 : i32 to vector<16xi32>
    %add3A_1151 = arith.addi %mul3A_1148, %add3A_1150 : vector<16xi32>
    %gather3A_1152 = tpu.vector_load_idx %arg16[%add3A_1151] : memref<1024xf32, #tpu.memory_space<vmem>>[vector<16xi32>], vector<16xf32>,
    %add3A_1153 = arith.addf %broadcast_in_dim3A_1, %gather3A_1152 : vector<16xf32>
    %add3A_1154 = arith.constant 0 : i32
    %add3A_1155 = vector.broadcast %add3A_1154 : i32 to vector<16xi32>
    %add3A_1156 = arith.addi %mul3A_1148, %add3A_1155 : vector<16xi32>
    %gather3A_1157 = tpu.vector_load_idx %arg17[%add3A_1156] : memref<1024xf32, #tpu.memory_space<vmem>>[vector<16xi32>], vector<16xf32>,
    %add3A_1158 = arith.addf %broadcast_in_dim3A_1, %gather3A_1157 : vector<16xf32>
    %add3A_1159 = arith.constant 1 : i32
    %add3A_1160 = vector.broadcast %add3A_1159 : i32 to vector<16xi32>
    %add3A_1161 = arith.addi %mul3A_1148, %add3A_1160 : vector<16xi32>
    %gather3A_1162 = tpu.vector_load_idx %arg16[%add3A_1161] : memref<1024xf32, #tpu.memory_space<vmem>>[vector<16xi32>], vector<16xf32>,
    %add3A_1163 = arith.addf %add3A_1153, %gather3A_1162 : vector<16xf32>
    %add3A_1164 = arith.constant 1 : i32
    %add3A_1165 = vector.broadcast %add3A_1164 : i32 to vector<16xi32>
    %add3A_1166 = arith.addi %mul3A_1148, %add3A_1165 : vector<16xi32>
    %gather3A_1167 = tpu.vector_load_idx %arg17[%add3A_1166] : memref<1024xf32, #tpu.memory_space<vmem>>[vector<16xi32>], vector<16xf32>,
    %add3A_1168 = arith.addf %add3A_1158, %gather3A_1167 : vector<16xf32>
    %add3A_1169 = arith.constant 2 : i32
    %add3A_1170 = vector.broadcast %add3A_1169 : i32 to vector<16xi32>
    %add3A_1171 = arith.addi %mul3A_1148, %add3A_1170 : vector<16xi32>
    %gather3A_1172 = tpu.vector_load_idx %arg16[%add3A_1171] : memref<1024xf32, #tpu.memory_space<vmem>>[vector<16xi32>], vector<16xf32>,
    %add3A_1173 = arith.addf %add3A_1163, %gather3A_1172 : vector<16xf32>
    %add3A_1174 = arith.constant 2 : i32
    %add3A_1175 = vector.broadcast %add3A_1174 : i32 to vector<16xi32>
    %add3A_1176 = arith.addi %mul3A_1148, %add3A_1175 : vector<16xi32>
    %gather3A_1177 = tpu.vector_load_idx %arg17[%add3A_1176] : memref<1024xf32, #tpu.memory_space<vmem>>[vector<16xi32>], vector<16xf32>,
    %add3A_1178 = arith.addf %add3A_1168, %gather3A_1177 : vector<16xf32>
    %add3A_1179 = arith.constant 3 : i32
    %add3A_1180 = vector.broadcast %add3A_1179 : i32 to vector<16xi32>
    %add3A_1181 = arith.addi %mul3A_1148, %add3A_1180 : vector<16xi32>
    %gather3A_1182 = tpu.vector_load_idx %arg16[%add3A_1181] : memref<1024xf32, #tpu.memory_space<vmem>>[vector<16xi32>], vector<16xf32>,
    %add3A_1183 = arith.addf %add3A_1173, %gather3A_1182 : vector<16xf32>
    %add3A_1184 = arith.constant 3 : i32
    %add3A_1185 = vector.broadcast %add3A_1184 : i32 to vector<16xi32>
    %add3A_1186 = arith.addi %mul3A_1148, %add3A_1185 : vector<16xi32>
    %gather3A_1187 = tpu.vector_load_idx %arg17[%add3A_1186] : memref<1024xf32, #tpu.memory_space<vmem>>[vector<16xi32>], vector<16xf32>,
    %add3A_1188 = arith.addf %add3A_1178, %gather3A_1187 : vector<16xf32>
    %add3A_1189 = arith.constant 4 : i32
    %add3A_1190 = vector.broadcast %add3A_1189 : i32 to vector<16xi32>
    %add3A_1191 = arith.addi %mul3A_1148, %add3A_1190 : vector<16xi32>
    %gather3A_1192 = tpu.vector_load_idx %arg16[%add3A_1191] : memref<1024xf32, #tpu.memory_space<vmem>>[vector<16xi32>], vector<16xf32>,
    %add3A_1193 = arith.addf %add3A_1183, %gather3A_1192 : vector<16xf32>
    %add3A_1194 = arith.constant 4 : i32
    %add3A_1195 = vector.broadcast %add3A_1194 : i32 to vector<16xi32>
    %add3A_1196 = arith.addi %mul3A_1148, %add3A_1195 : vector<16xi32>
    %gather3A_1197 = tpu.vector_load_idx %arg17[%add3A_1196] : memref<1024xf32, #tpu.memory_space<vmem>>[vector<16xi32>], vector<16xf32>,
    %add3A_1198 = arith.addf %add3A_1188, %gather3A_1197 : vector<16xf32>
    %add3A_1199 = arith.constant 5 : i32
    %add3A_1200 = vector.broadcast %add3A_1199 : i32 to vector<16xi32>
    %add3A_1201 = arith.addi %mul3A_1148, %add3A_1200 : vector<16xi32>
    %gather3A_1202 = tpu.vector_load_idx %arg16[%add3A_1201] : memref<1024xf32, #tpu.memory_space<vmem>>[vector<16xi32>], vector<16xf32>,
    %add3A_1203 = arith.addf %add3A_1193, %gather3A_1202 : vector<16xf32>
    %add3A_1204 = arith.constant 5 : i32
    %add3A_1205 = vector.broadcast %add3A_1204 : i32 to vector<16xi32>
    %add3A_1206 = arith.addi %mul3A_1148, %add3A_1205 : vector<16xi32>
    %gather3A_1207 = tpu.vector_load_idx %arg17[%add3A_1206] : memref<1024xf32, #tpu.memory_space<vmem>>[vector<16xi32>], vector<16xf32>,
    %add3A_1208 = arith.addf %add3A_1198, %gather3A_1207 : vector<16xf32>
    %add3A_1209 = arith.constant 6 : i32
    %add3A_1210 = vector.broadcast %add3A_1209 : i32 to vector<16xi32>
    %add3A_1211 = arith.addi %mul3A_1148, %add3A_1210 : vector<16xi32>
    %gather3A_1212 = tpu.vector_load_idx %arg16[%add3A_1211] : memref<1024xf32, #tpu.memory_space<vmem>>[vector<16xi32>], vector<16xf32>,
    %add3A_1213 = arith.addf %add3A_1203, %gather3A_1212 : vector<16xf32>
    %add3A_1214 = arith.constant 6 : i32
    %add3A_1215 = vector.broadcast %add3A_1214 : i32 to vector<16xi32>
    %add3A_1216 = arith.addi %mul3A_1148, %add3A_1215 : vector<16xi32>
    %gather3A_1217 = tpu.vector_load_idx %arg17[%add3A_1216] : memref<1024xf32, #tpu.memory_space<vmem>>[vector<16xi32>], vector<16xf32>,
    %add3A_1218 = arith.addf %add3A_1208, %gather3A_1217 : vector<16xf32>
    %add3A_1219 = arith.constant 7 : i32
    %add3A_1220 = vector.broadcast %add3A_1219 : i32 to vector<16xi32>
    %add3A_1221 = arith.addi %mul3A_1148, %add3A_1220 : vector<16xi32>
    %gather3A_1222 = tpu.vector_load_idx %arg16[%add3A_1221] : memref<1024xf32, #tpu.memory_space<vmem>>[vector<16xi32>], vector<16xf32>,
    %add3A_1223 = arith.addf %add3A_1213, %gather3A_1222 : vector<16xf32>
    %add3A_1224 = arith.constant 7 : i32
    %add3A_1225 = vector.broadcast %add3A_1224 : i32 to vector<16xi32>
    %add3A_1226 = arith.addi %mul3A_1148, %add3A_1225 : vector<16xi32>
    %gather3A_1227 = tpu.vector_load_idx %arg17[%add3A_1226] : memref<1024xf32, #tpu.memory_space<vmem>>[vector<16xi32>], vector<16xf32>,
    %add3A_1228 = arith.addf %add3A_1218, %gather3A_1227 : vector<16xf32>
    %add3A_1229 = arith.constant 8 : i32
    %add3A_1230 = vector.broadcast %add3A_1229 : i32 to vector<16xi32>
    %add3A_1231 = arith.addi %mul3A_1148, %add3A_1230 : vector<16xi32>
    %gather3A_1232 = tpu.vector_load_idx %arg16[%add3A_1231] : memref<1024xf32, #tpu.memory_space<vmem>>[vector<16xi32>], vector<16xf32>,
    %add3A_1233 = arith.addf %add3A_1223, %gather3A_1232 : vector<16xf32>
    %add3A_1234 = arith.constant 8 : i32
    %add3A_1235 = vector.broadcast %add3A_1234 : i32 to vector<16xi32>
    %add3A_1236 = arith.addi %mul3A_1148, %add3A_1235 : vector<16xi32>
    %gather3A_1237 = tpu.vector_load_idx %arg17[%add3A_1236] : memref<1024xf32, #tpu.memory_space<vmem>>[vector<16xi32>], vector<16xf32>,
    %add3A_1238 = arith.addf %add3A_1228, %gather3A_1237 : vector<16xf32>
    %add3A_1239 = arith.constant 9 : i32
    %add3A_1240 = vector.broadcast %add3A_1239 : i32 to vector<16xi32>
    %add3A_1241 = arith.addi %mul3A_1148, %add3A_1240 : vector<16xi32>
    %gather3A_1242 = tpu.vector_load_idx %arg16[%add3A_1241] : memref<1024xf32, #tpu.memory_space<vmem>>[vector<16xi32>], vector<16xf32>,
    %add3A_1243 = arith.addf %add3A_1233, %gather3A_1242 : vector<16xf32>
    %add3A_1244 = arith.constant 9 : i32
    %add3A_1245 = vector.broadcast %add3A_1244 : i32 to vector<16xi32>
    %add3A_1246 = arith.addi %mul3A_1148, %add3A_1245 : vector<16xi32>
    %gather3A_1247 = tpu.vector_load_idx %arg17[%add3A_1246] : memref<1024xf32, #tpu.memory_space<vmem>>[vector<16xi32>], vector<16xf32>,
    %add3A_1248 = arith.addf %add3A_1238, %gather3A_1247 : vector<16xf32>
    %add3A_1249 = arith.constant 10 : i32
    %add3A_1250 = vector.broadcast %add3A_1249 : i32 to vector<16xi32>
    %add3A_1251 = arith.addi %mul3A_1148, %add3A_1250 : vector<16xi32>
    %gather3A_1252 = tpu.vector_load_idx %arg16[%add3A_1251] : memref<1024xf32, #tpu.memory_space<vmem>>[vector<16xi32>], vector<16xf32>,
    %add3A_1253 = arith.addf %add3A_1243, %gather3A_1252 : vector<16xf32>
    %add3A_1254 = arith.constant 10 : i32
    %add3A_1255 = vector.broadcast %add3A_1254 : i32 to vector<16xi32>
    %add3A_1256 = arith.addi %mul3A_1148, %add3A_1255 : vector<16xi32>
    %gather3A_1257 = tpu.vector_load_idx %arg17[%add3A_1256] : memref<1024xf32, #tpu.memory_space<vmem>>[vector<16xi32>], vector<16xf32>,
    %add3A_1258 = arith.addf %add3A_1248, %gather3A_1257 : vector<16xf32>
    %add3A_1259 = arith.constant 11 : i32
    %add3A_1260 = vector.broadcast %add3A_1259 : i32 to vector<16xi32>
    %add3A_1261 = arith.addi %mul3A_1148, %add3A_1260 : vector<16xi32>
    %gather3A_1262 = tpu.vector_load_idx %arg16[%add3A_1261] : memref<1024xf32, #tpu.memory_space<vmem>>[vector<16xi32>], vector<16xf32>,
    %add3A_1263 = arith.addf %add3A_1253, %gather3A_1262 : vector<16xf32>
    %add3A_1264 = arith.constant 11 : i32
    %add3A_1265 = vector.broadcast %add3A_1264 : i32 to vector<16xi32>
    %add3A_1266 = arith.addi %mul3A_1148, %add3A_1265 : vector<16xi32>
    %gather3A_1267 = tpu.vector_load_idx %arg17[%add3A_1266] : memref<1024xf32, #tpu.memory_space<vmem>>[vector<16xi32>], vector<16xf32>,
    %add3A_1268 = arith.addf %add3A_1258, %gather3A_1267 : vector<16xf32>
    %add3A_1269 = arith.constant 12 : i32
    %add3A_1270 = vector.broadcast %add3A_1269 : i32 to vector<16xi32>
    %add3A_1271 = arith.addi %mul3A_1148, %add3A_1270 : vector<16xi32>
    %gather3A_1272 = tpu.vector_load_idx %arg16[%add3A_1271] : memref<1024xf32, #tpu.memory_space<vmem>>[vector<16xi32>], vector<16xf32>,
    %add3A_1273 = arith.addf %add3A_1263, %gather3A_1272 : vector<16xf32>
    %add3A_1274 = arith.constant 12 : i32
    %add3A_1275 = vector.broadcast %add3A_1274 : i32 to vector<16xi32>
    %add3A_1276 = arith.addi %mul3A_1148, %add3A_1275 : vector<16xi32>
    %gather3A_1277 = tpu.vector_load_idx %arg17[%add3A_1276] : memref<1024xf32, #tpu.memory_space<vmem>>[vector<16xi32>], vector<16xf32>,
    %add3A_1278 = arith.addf %add3A_1268, %gather3A_1277 : vector<16xf32>
    %add3A_1279 = arith.constant 13 : i32
    %add3A_1280 = vector.broadcast %add3A_1279 : i32 to vector<16xi32>
    %add3A_1281 = arith.addi %mul3A_1148, %add3A_1280 : vector<16xi32>
    %gather3A_1282 = tpu.vector_load_idx %arg16[%add3A_1281] : memref<1024xf32, #tpu.memory_space<vmem>>[vector<16xi32>], vector<16xf32>,
    %add3A_1283 = arith.addf %add3A_1273, %gather3A_1282 : vector<16xf32>
    %add3A_1284 = arith.constant 13 : i32
    %add3A_1285 = vector.broadcast %add3A_1284 : i32 to vector<16xi32>
    %add3A_1286 = arith.addi %mul3A_1148, %add3A_1285 : vector<16xi32>
    %gather3A_1287 = tpu.vector_load_idx %arg17[%add3A_1286] : memref<1024xf32, #tpu.memory_space<vmem>>[vector<16xi32>], vector<16xf32>,
    %add3A_1288 = arith.addf %add3A_1278, %gather3A_1287 : vector<16xf32>
    %add3A_1289 = arith.constant 14 : i32
    %add3A_1290 = vector.broadcast %add3A_1289 : i32 to vector<16xi32>
    %add3A_1291 = arith.addi %mul3A_1148, %add3A_1290 : vector<16xi32>
    %gather3A_1292 = tpu.vector_load_idx %arg16[%add3A_1291] : memref<1024xf32, #tpu.memory_space<vmem>>[vector<16xi32>], vector<16xf32>,
    %add3A_1293 = arith.addf %add3A_1283, %gather3A_1292 : vector<16xf32>
    %add3A_1294 = arith.constant 14 : i32
    %add3A_1295 = vector.broadcast %add3A_1294 : i32 to vector<16xi32>
    %add3A_1296 = arith.addi %mul3A_1148, %add3A_1295 : vector<16xi32>
    %gather3A_1297 = tpu.vector_load_idx %arg17[%add3A_1296] : memref<1024xf32, #tpu.memory_space<vmem>>[vector<16xi32>], vector<16xf32>,
    %add3A_1298 = arith.addf %add3A_1288, %gather3A_1297 : vector<16xf32>
    %add3A_1299 = arith.constant 15 : i32
    %add3A_1300 = vector.broadcast %add3A_1299 : i32 to vector<16xi32>
    %add3A_1301 = arith.addi %mul3A_1148, %add3A_1300 : vector<16xi32>
    %gather3A_1302 = tpu.vector_load_idx %arg16[%add3A_1301] : memref<1024xf32, #tpu.memory_space<vmem>>[vector<16xi32>], vector<16xf32>,
    %add3A_1303 = arith.addf %add3A_1293, %gather3A_1302 : vector<16xf32>
    %add3A_1304 = arith.constant 15 : i32
    %add3A_1305 = vector.broadcast %add3A_1304 : i32 to vector<16xi32>
    %add3A_1306 = arith.addi %mul3A_1148, %add3A_1305 : vector<16xi32>
    %gather3A_1307 = tpu.vector_load_idx %arg17[%add3A_1306] : memref<1024xf32, #tpu.memory_space<vmem>>[vector<16xi32>], vector<16xf32>,
    %add3A_1308 = arith.addf %add3A_1298, %gather3A_1307 : vector<16xf32>
    %max3A_1309 = arith.constant 1.000000e+00 : f32
    %max3A_1310 = vector.broadcast %max3A_1309 : f32 to vector<16xf32>
    %max3A_1311 = arith.maximumf %add3A_1142, %max3A_1310 : vector<16xf32>
    %gt3A_1312 = arith.constant 0.000000e+00 : f32
    %gt3A_1313 = vector.broadcast %gt3A_1312 : f32 to vector<16xf32>
    %gt3A_1314 = arith.cmpf ogt, %add3A_1142, %gt3A_1313 : vector<16xf32>
    %div3A_1315 = arith.divf %add3A_1303, %max3A_1311 : vector<16xf32>
    %jit3A_1316 = arith.constant 0.000000e+00 : f32
    %broadcast_in_dim3A_1317 = vector.broadcast %jit3A_1316 : f32 to vector<16xf32>
    %select_n3A_1318 = arith.select %gt3A_1314, %div3A_1315, %broadcast_in_dim3A_1317 : vector<16xi1>, vector<16xf32>
    %swap3A_1319 = arith.constant 48 : index
    %swap3A_1320 = tpu.vector_load %arg19[%swap3A_1319] {strides = array<i32>} : memref<64xf32, #tpu.memory_space<vmem>>, vector<16xf32>,
    tpu.vector_store %arg19[%swap3A_1319], %select_n3A_1318 {strides = array<i32>} : memref<64xf32, #tpu.memory_space<vmem>>, vector<16xf32>,
    %div3A_1321 = arith.divf %add3A_1308, %max3A_1311 : vector<16xf32>
    %jit3A_1322 = arith.constant 0.000000e+00 : f32
    %broadcast_in_dim3A_1323 = vector.broadcast %jit3A_1322 : f32 to vector<16xf32>
    %select_n3A_1324 = arith.select %gt3A_1314, %div3A_1321, %broadcast_in_dim3A_1323 : vector<16xi1>, vector<16xf32>
    %swap3A_1325 = arith.constant 48 : index
    %swap3A_1326 = tpu.vector_load %arg20[%swap3A_1325] {strides = array<i32>} : memref<64xf32, #tpu.memory_space<vmem>>, vector<16xf32>,
    tpu.vector_store %arg20[%swap3A_1325], %select_n3A_1324 {strides = array<i32>} : memref<64xf32, #tpu.memory_space<vmem>>, vector<16xf32>,
    "tpu.region"() ({
      %run_scoped3A = tpu.sem_alloc : memref<!tpu.dma_semaphore, #tpu.memory_space<semaphore_mem>>
      %dma_start3A_1327 = arith.constant 0 : i32
      %dma_start3A_1328 = tpu.memref_slice %arg6[%mul3A_5, %dma_start3A_1327] : memref<64x64xf32, #tpu.memory_space<hbm>> -> memref<1x64xf32, #tpu.memory_space<hbm>>
      %dma_start3A_1329 = tpu.memref_squeeze %dma_start3A_1328 : memref<1x64xf32, #tpu.memory_space<hbm>> -> memref<64xf32, #tpu.memory_space<hbm>>
      %dma_start3A_1330 = arith.constant 0 : i32
      %dma_start3A_1331 = tpu.memref_slice %arg6[%mul3A_5, %dma_start3A_1330] : memref<64x64xf32, #tpu.memory_space<hbm>> -> memref<1x64xf32, #tpu.memory_space<hbm>>
      %dma_start3A_1332 = tpu.memref_squeeze %dma_start3A_1331 : memref<1x64xf32, #tpu.memory_space<hbm>> -> memref<64xf32, #tpu.memory_space<hbm>>
      tpu.enqueue_dma source(%arg19 : memref<64xf32, #tpu.memory_space<vmem>>) target(%dma_start3A_1332 : memref<64xf32, #tpu.memory_space<hbm>>) target_semaphore(%run_scoped3A : memref<!tpu.dma_semaphore, #tpu.memory_space<semaphore_mem>>)
      %dma_wait3A_1333 = arith.constant 0 : i32
      %dma_wait3A_1334 = tpu.memref_slice %arg6[%mul3A_5, %dma_wait3A_1333] : memref<64x64xf32, #tpu.memory_space<hbm>> -> memref<1x64xf32, #tpu.memory_space<hbm>>
      %dma_wait3A_1335 = tpu.memref_squeeze %dma_wait3A_1334 : memref<1x64xf32, #tpu.memory_space<hbm>> -> memref<64xf32, #tpu.memory_space<hbm>>
      %dma_wait3A_1336 = arith.constant 0 : i32
      %dma_wait3A_1337 = tpu.memref_slice %arg6[%mul3A_5, %dma_wait3A_1336] : memref<64x64xf32, #tpu.memory_space<hbm>> -> memref<1x64xf32, #tpu.memory_space<hbm>>
      %dma_wait3A_1338 = tpu.memref_squeeze %dma_wait3A_1337 : memref<1x64xf32, #tpu.memory_space<hbm>> -> memref<64xf32, #tpu.memory_space<hbm>>
      tpu.wait_dma2 semaphore(%run_scoped3A : memref<!tpu.dma_semaphore, #tpu.memory_space<semaphore_mem>>) src(%arg19 : memref<64xf32, #tpu.memory_space<vmem>>) dst(%dma_wait3A_1338 : memref<64xf32, #tpu.memory_space<hbm>>)
      tpu.yield
    }) : () -> ()
    "tpu.region"() ({
      %run_scoped3A = tpu.sem_alloc : memref<!tpu.dma_semaphore, #tpu.memory_space<semaphore_mem>>
      %dma_start3A_1327 = arith.constant 0 : i32
      %dma_start3A_1328 = tpu.memref_slice %arg6[%add3A_7, %dma_start3A_1327] : memref<64x64xf32, #tpu.memory_space<hbm>> -> memref<1x64xf32, #tpu.memory_space<hbm>>
      %dma_start3A_1329 = tpu.memref_squeeze %dma_start3A_1328 : memref<1x64xf32, #tpu.memory_space<hbm>> -> memref<64xf32, #tpu.memory_space<hbm>>
      %dma_start3A_1330 = arith.constant 0 : i32
      %dma_start3A_1331 = tpu.memref_slice %arg6[%add3A_7, %dma_start3A_1330] : memref<64x64xf32, #tpu.memory_space<hbm>> -> memref<1x64xf32, #tpu.memory_space<hbm>>
      %dma_start3A_1332 = tpu.memref_squeeze %dma_start3A_1331 : memref<1x64xf32, #tpu.memory_space<hbm>> -> memref<64xf32, #tpu.memory_space<hbm>>
      tpu.enqueue_dma source(%arg20 : memref<64xf32, #tpu.memory_space<vmem>>) target(%dma_start3A_1332 : memref<64xf32, #tpu.memory_space<hbm>>) target_semaphore(%run_scoped3A : memref<!tpu.dma_semaphore, #tpu.memory_space<semaphore_mem>>)
      %dma_wait3A_1333 = arith.constant 0 : i32
      %dma_wait3A_1334 = tpu.memref_slice %arg6[%add3A_7, %dma_wait3A_1333] : memref<64x64xf32, #tpu.memory_space<hbm>> -> memref<1x64xf32, #tpu.memory_space<hbm>>
      %dma_wait3A_1335 = tpu.memref_squeeze %dma_wait3A_1334 : memref<1x64xf32, #tpu.memory_space<hbm>> -> memref<64xf32, #tpu.memory_space<hbm>>
      %dma_wait3A_1336 = arith.constant 0 : i32
      %dma_wait3A_1337 = tpu.memref_slice %arg6[%add3A_7, %dma_wait3A_1336] : memref<64x64xf32, #tpu.memory_space<hbm>> -> memref<1x64xf32, #tpu.memory_space<hbm>>
      %dma_wait3A_1338 = tpu.memref_squeeze %dma_wait3A_1337 : memref<1x64xf32, #tpu.memory_space<hbm>> -> memref<64xf32, #tpu.memory_space<hbm>>
      tpu.wait_dma2 semaphore(%run_scoped3A : memref<!tpu.dma_semaphore, #tpu.memory_space<semaphore_mem>>) src(%arg20 : memref<64xf32, #tpu.memory_space<vmem>>) dst(%dma_wait3A_1338 : memref<64xf32, #tpu.memory_space<hbm>>)
      tpu.yield
    }) : () -> ()
    return
  }
}

</mosaic_0001>

<sc_bundles>
// kernel: kernel.3.cloned.1.call-start
scs
__scs_entry_jumppad:
0x0: {  	(pc) =	sbr.rel $0x88, $3  }
0x1: {  	(tag) =	ssettag $0x0;
	lr =	simm.s32 $0x1  }
0x2: {  	[smem:$0x3F9F] =	sst lr;
	_ =	strace $0xD0000000  }
0x3: {  	_ = 	snop  }
0x4: {  	_ = 	snop  }
0x5: {  	_ = 	snop  }
0x6: {  	_ = 	snop  }
0x7: {  	_ = 	snop  }
__scs_overlays_trampoline_lowered:
0x8: {  	[smem:$0x3FAE] =	sst s0  }
0x9: {  	[smem:$0x3FAF] =	sst s1  }
0xa: {  	[smem:$0x3FB0] =	sst s2  }
0xb: {  	[smem:$0x3FB1] =	sst s3  }
0xc: {  	[smem:$0x3FB2] =	sst s4  }
0xd: {  	[smem:$0x3FB3] =	sst s5  }
0xe: {  	[smem:$0x3FB4] =	sst s6  }
0xf: {  	[smem:$0x3FB5] =	sst s7  }
0x10: {  	[smem:$0x3FB6] =	sst s8  }
0x11: {  	[smem:$0x3FB7] =	sst s9;
	s0 =	simm.s32 @!p0 $0x0  }
0x12: {  	s1 =	sld [smem:$0x3F9D];
	s0 =	simm.s32 @p0 $0x1  }
0x13: {  	[smem:$0x3FB8] =	sst s0;
	s0 =	simm.s32 @!p1 $0x0  }
0x14: {  	s2 =	sld [smem:$0x3F9C];
	s0 =	simm.s32 @p1 $0x1  }
0x15: {  	[smem:$0x3FB9] =	sst s0;
	s0 =	simm.s32 @!p2 $0x0  }
0x16: {  	s3 =	sld [smem:$0x3FDB];
	s0 =	simm.s32 @p2 $0x1  }
0x17: {  	s4 =	simm.s32 $0x1BF5;
	[smem:$0x3FBB] =	sst s0  }
0x18: {  	s0 =	sld [smem:$0x3F9E];
	_ =	swait.ge [sflag:s4], $0x0  }
0x19: {  	s7 =	sld [smem:$0x3F9F]  }
0x1a: {  	s8 =	sadd.s32 $0xFFFFE003, lr  }
0x1b: {  	s9 =	sadd.s32 $0xFFFFFEF7, lr;
	s5 =	simm.s32 $0xFFFFFFFF;
	p2 =	slt.u32 s8, $0xFFFFF086  }
0x1c: {  	p1 =	slt.u32 s9, $0xF7A;
	s5 =	simm.s32 @!p2 $0x0  }
0x1d: {  	s5 =	simm.s32 @p1 $0x1;
	p0 =	seq.s32 s7, s2  }
0x1e: {  	s7 =	smul.u32 @!p0 $0xF7A, s2;
	p2 =	seq.s32 @!p0 s5, $0x0  }
0x1f: {  	s9 =	smul.u32 $0xF7A, s1;
	s8 =	simm.s32 @!p0 $0x1BF5;
	p2 =	por !p2, p0  }
0x20: {  	[sflag:s8] =	ssyncset.s32 @!p0 $0xFFFFF086;
	s6 =	sadd.s32 @!p0 s3, s7;
	s7 =	simm.s32 @!p0 $0x108  }
0x21: {  	s3 =	sadd.s32 s3, s9;
	s6 =	sadd.s32 @!p0 $0x88, s6;
	s7 =	simm.s32 @p2 $0x1082  }
0x22: {  	[simem:s7], [sflag:s8] =	dma.local @!p0 [hbm:s6], $0xF7A  }
0x23: {  	s9 =	sor.u32 $0xD0000000, s2;
	s6 =	simm.s32 $0x108;
	_ =	swait.ge @!p0 [sflag:s8], $0x0  }
0x24: {  	s3 =	sadd.s32 $0x88, s3;
	s6 =	simm.s32 @!p1 $0x1082;
	[sflag:s4] =	ssyncset.s32 $0xFFFFF086  }
0x25: {  	[simem:s6], [sflag:s4] =	dma.local [hbm:s3], $0xF7A  }
0x26: {  	[smem:$0x3F9F] =	sst s1;
	(tag) =	ssettag s2;
	_ =	strace s9  }
0x27: {  	s1 =	sld [smem:$0x3FAF]  }
0x28: {  	s2 =	sld [smem:$0x3FB0]  }
0x29: {  	s4 =	sld [smem:$0x3FB2]  }
0x2a: {  	p0 =	seq.s32 s5, $0x0;
	s5 =	sld [smem:$0x3FB3]  }
0x2b: {  	s6 =	sld [smem:$0x3FB4]  }
0x2c: {  	s7 =	sld [smem:$0x3FB5]  }
0x2d: {  	s3 =	simm.s32 $0x108;
	s8 =	sld [smem:$0x3FB6]  }
0x2e: {  	s3 =	simm.s32 @!p0 $0x1082;
	s9 =	sld [smem:$0x3FB7]  }
0x2f: {  	lr =	sadd.s32 s0, s3;
	s0 =	sld [smem:$0x3FAE]  }
0x30: {  	s3 =	sld [smem:$0x3FB1]  }
0x31: {  	[smem:$0x3FBA] =	sst s10  }
0x32: {  	s10 =	sld [smem:$0x3FB8];
	_ =	sdelay $0x3  }
0x33: {  	p0 =	seq.s32 s10, $0x1;
	s10 =	sld [smem:$0x3FBA];
	_ =	sdelay $0x3  }
0x34: {  	[smem:$0x3FBA] =	sst s10  }
0x35: {  	s10 =	sld [smem:$0x3FB9];
	_ =	sdelay $0x3  }
0x36: {  	p1 =	seq.s32 s10, $0x1;
	s10 =	sld [smem:$0x3FBA];
	_ =	sdelay $0x3  }
0x37: {  	[smem:$0x3FBA] =	sst s10  }
0x38: {  	s10 =	sld [smem:$0x3FBB]  }
0x39: {  	_ = 	snop;
	(pc) =	sbr.ind lr, $3  }
0x3a: {  	_ = 	snop  }
0x3b: {  	_ = 	snop  }
0x3c: {  	p2 =	seq.s32 s10, $0x1;
	s10 =	sld [smem:$0x3FBA]  }
0x3d: {  	_ =	shalt  }
0x3e: {  	_ =	shalt  }
0x3f: {  	_ =	shalt  }
0x40: {  	_ =	shalt  }
0x41: {  	_ =	shalt  }
0x42: {  	_ =	shalt  }
0x43: {  	_ =	shalt  }
0x44: {  	_ =	shalt  }
0x45: {  	_ =	shalt  }
0x46: {  	_ =	shalt  }
0x47: {  	_ =	shalt  }
0x48: {  	_ =	shalt  }
0x49: {  	_ =	shalt  }
0x4a: {  	_ =	shalt  }
0x4b: {  	_ =	shalt  }
0x4c: {  	_ =	shalt  }
0x4d: {  	_ =	shalt  }
0x4e: {  	_ =	shalt  }
0x4f: {  	_ =	shalt  }
0x50: {  	_ =	shalt  }
0x51: {  	_ =	shalt  }
0x52: {  	_ =	shalt  }
0x53: {  	_ =	shalt  }
0x54: {  	_ =	shalt  }
0x55: {  	_ =	shalt  }
0x56: {  	_ =	shalt  }
0x57: {  	_ =	shalt  }
0x58: {  	_ =	shalt  }
0x59: {  	_ =	shalt  }
0x5a: {  	_ =	shalt  }
0x5b: {  	_ =	shalt  }
0x5c: {  	_ =	shalt  }
0x5d: {  	_ =	shalt  }
0x5e: {  	_ =	shalt  }
0x5f: {  	_ =	shalt  }
0x60: {  	_ =	shalt  }
0x61: {  	_ =	shalt  }
0x62: {  	_ =	shalt  }
0x63: {  	_ =	shalt  }
0x64: {  	_ =	shalt  }
0x65: {  	_ =	shalt  }
0x66: {  	_ =	shalt  }
0x67: {  	_ =	shalt  }
0x68: {  	_ =	shalt  }
0x69: {  	_ =	shalt  }
0x6a: {  	_ =	shalt  }
0x6b: {  	_ =	shalt  }
0x6c: {  	_ =	shalt  }
0x6d: {  	_ =	shalt  }
0x6e: {  	_ =	shalt  }
0x6f: {  	_ =	shalt  }
0x70: {  	_ =	shalt  }
0x71: {  	_ =	shalt  }
0x72: {  	_ =	shalt  }
0x73: {  	_ =	shalt  }
0x74: {  	_ =	shalt  }
0x75: {  	_ =	shalt  }
0x76: {  	_ =	shalt  }
0x77: {  	_ =	shalt  }
0x78: {  	_ =	shalt  }
0x79: {  	_ =	shalt  }
0x7a: {  	_ =	shalt  }
0x7b: {  	_ =	shalt  }
0x7c: {  	_ =	shalt  }
0x7d: {  	_ =	shalt  }
0x7e: {  	_ =	shalt  }
0x7f: {  	_ =	shalt  }
0x80: {  	_ =	shalt  }
0x81: {  	_ =	shalt  }
0x82: {  	_ =	shalt  }
0x83: {  	_ =	shalt  }
0x84: {  	_ =	shalt  }
0x85: {  	_ =	shalt  }
0x86: {  	_ =	shalt  }
0x87: {  	_ =	shalt  }
.Lfunc_end0:
.L_simem_size_0:
called_computation_lowered:
.L_overlay_start_0:
0x88: {  	s2 =	sld [smem:$0x3FD9]  }
0x89: {  	s3 =	sld [smem:$0x3FFE];
	_ =	sdelay $0x1  }
0x8a: {  	s1 =	srdreg.scid  }
0x8b: {  	s0 =	sand.u32 $0x1, s1  }
0x8c: {  	s14 =	sshll.u32 s0, $0xA;
	s2 =	sadd.s32 s3, s2  }
0x8d: {  	s2 =	sadd.s32 s2, s14  }
0x8e: {  	[smem:$0x3FC6] =	sst s2  }
0x8f: {  	_ = 	snop  }
0x90: {  	s2 =	sld [smem:$0x3FD0];
	_ =	sdelay $0x2  }
0x91: {  	s4 =	simm.s32 $0xA;
	s5 =	simm.s32 $0x10;
	s15 =	sld [smem:$0x3FC8]  }
0x92: {  	[smem:s5], [sflag:s4] =	dma.local [hbm:s2], $0x1  }
0x93: {  	_ =	swait.eq [sflag:s4], $0x1  }
0x94: {  	[sflag:s4] =	ssyncset.done $0x0  }
0x95: {  	s16 =	sld [smem:$0x10];
	[sflag:s4] =	ssyncadd.s32 $0xFFFFFFFF  }
0x96: {  	s17 =	sld [smem:$0x11];
	(tm) =	ssettm $0x1  }
0x97: {  	s18 =	sld [smem:$0x3FFB];
	_ =	sdelay $0x3  }
0x98: {  	_ =	strace s18  }
0x99: {  	s5 =	sld [smem:$0x3FFC];
	_ =	sdelay $0x3  }
0x9a: {  	_ =	strace s5  }
0x9b: {  	s5 =	sld [smem:$0x3FFD];
	_ =	sdelay $0x3  }
0x9c: {  	_ =	strace s5  }
0x9d: {  	_ =	strace $0x8FFFFFFF  }
0x9e: {  	s19 =	sld [smem:$0x3FDB];
	_ =	sdelay $0x1  }
0x9f: {  	s6 =	simm.s32 $_scs_section_size  }
0xa0: {  	s7 =	simm.s32 $_size__tile_overlayer_lowered;
	s8 =	simm.s32 $_tile_overlayer_lowered  }
0xa1: {  	s22 =	simm.s32 $0x1BFF;
	s21 =	sshll.u32 s8, $0x1;
	s5 =	sadd.s32 s6, s19  }
0xa2: {  	s9 =	simm.s32 $0x0;
	s20 =	sshll.u32 s7, $0x1;
	s7 =	sadd.s32 s21, s5  }
0xa3: {  	[timem:s9], [sflag:s22] =	dma.local [hbm:s7], s20  }
0xa4: {  	_ =	swait.ge [sflag:s22], s20  }
0xa5: {  	s6 =	ssub.s32 $0x0, s20;
	[sflag:s22] =	ssyncset.done $0x0  }
0xa6: {  	[sflag:s22] =	ssyncadd.s32 s6;
	_ =	sdelay $0x1  }
0xa7: {  	s23 =	simm.s32 $0x1B8B  }
0xa8: {  	_ =	swait.ge [sflag:s23], $0x1  }
0xa9: {  	[sflag:s23] =	ssyncset.done $0x0  }
0xaa: {  	s25 =	simm.s32 $0x1B8E;
	s24 =	sld [smem:$0x3FFE];
	[sflag:s23] =	ssyncadd.s32 $0xFFFFFFFF  }
0xab: {  	s26 =	simm.s32 $execute0_lowered;
	[smem:$0x3FD2] =	sst s25  }
0xac: {  	s7 =	sshll.u32 s26, $0x1;
	_ =	strace $0x80000046;
	[dreg:$0x1] =	wrdreg $0xFFFFFFFF  }
0xad: {  	s28 =	simm.s32 $_size_execute0_lowered;
	s5 =	sadd.s32 s5, s7;
	[dreg:$0x0] =	wrdreg $0x0  }
0xae: {  	s7 =	sshll.u32 s28, $0x1;
	[dreg:$0x2] =	wrdreg s5  }
0xaf: {  	[dreg:$0x3] =	wrdreg s7  }
0xb0: {  	[dreg:$0x4] =	wrdreg $0xC0  }
0xb1: {  	_ =	task [dreg:s9], $0x5FFFF  }
0xb2: {  	[dreg:$0x1] =	wrdreg $0xFFFFFFFF  }
0xb3: {  	[dreg:$0x0] =	wrdreg $0x60  }
0xb4: {  	[dreg:$0x2] =	wrdreg s24  }
0xb5: {  	[dreg:$0x3] =	wrdreg s15  }
0xb6: {  	[dreg:$0x4] =	wrdreg s16  }
0xb7: {  	[dreg:$0x5] =	wrdreg s17  }
0xb8: {  	[dreg:$0x6] =	wrdreg $0xE1800  }
0xb9: {  	[dreg:$0x7] =	wrdreg $0xE5800  }
0xba: {  	[dreg:$0x8] =	wrdreg $0x9  }
0xbb: {  	_ =	task.clear_ibuf [dreg:s9], $0x9FFFF;
	_ =	strace $0x90000046  }
0xbc: {  	s29 =	simm.s32 $0x9;
	_ =	strace $0x80000048  }
0xbd: {  	_ =	swait.ge [sflag:s29], $0x1  }
0xbe: {  	[sflag:s29] =	ssyncadd.s32 $0xFFFFFFFF  }
0xbf: {  	_ =	strace $0x90000048  }
0xc0: {  	_ =	sfence  }
0xc1: {  	s30 =	sld [smem:$0x0];
	_ =	sdelay $0x2  }
0xc2: {  	s31 =	sshll.u32 s1, $0xD;
	s1 =	sshrl.u32 s1, $0x2  }
0xc3: {  	s3 =	sand.u32 $0x4000, s31;
	s1 =	sadd.s32 s1, s30  }
0xc4: {  	s0 =	sor.u32 s3, s0;
	s1 =	sshll.u32 s1, $0x11  }
0xc5: {  	s0 =	sor.u32 s1, s0  }
0xc6: {  	s0 =	sadd.s32 $0x8F2B, s0  }
0xc7: {  	[sflag:s0] =	ssyncadd.remote.s32 $0x1  }
0xc8: {  	_ =	sfence.sel $0xFFFF  }
0xc9: {  	[dreg:$0x0] =	wrdreg $0xFFFFFFFF;
	(pc) =	sbr.abs _section_cstart, $3  }
0xca: {  	[dreg:$0x1] =	wrdreg $0xFFFFFFFF  }
0xcb: {  	_ =	task.clear_ibuf [dreg:s9], $0x2FFFF;
	_ =	strace $0x9FFFFFFF  }
0xcc: {  	(tm) =	ssettm $0x7FFFFFFF  }
0xcd: {  	_ =	shalt  }
tec
execute0_lowered:
.L_overlay_start_1:
0x0: {  	(tag) =	ssettag $0x1  }
0x1: {  	s0 =	rddreg [dreg:$0x0]  }
0x2: {  	s1 =	rddreg [dreg:$0x1]  }
0x3: {  	s2 =	rddreg [dreg:$0x2];
	v0 =	vlaneseq.u32  }
0x4: {  	s3 =	rddreg [dreg:$0x3];
	v1 =	vmul.u32 $0x10, v0  }
0x5: {  	s15 =	rddreg [dreg:$0x4];
	s4 =	simm.s32 $0x0  }
0x6: {  	[smem:$0x7FF] =	sst s4;
	v4 =	vor.u32 $0x1, v1  }
0x7: {  	s16 =	rddreg [dreg:$0x5];
	_ =	strace $0x80000047;
	[tilespmem:$0x1FEC0] =	vst v4;
	v4 =	vor.u32 $0x2, v1  }
0x8: {  	[tilespmem:$0x1FED0] =	vst v4;
	v4 =	vor.u32 $0x3, v1  }
0x9: {  	[tilespmem:$0x1FEE0] =	vst v4;
	v4 =	vor.u32 $0x4, v1  }
0xa: {  	s5 =	srdreg.scid;
	s18 =	stileid.u32;
	s28 =	simm.s32 $0x1;
	[tilespmem:$0x1FEF0] =	vst v4;
	v4 =	vor.u32 $0x5, v1  }
0xb: {  	s29 =	simm.s32 $0xD480;
	s30 =	simm.s32 $0xD880;
	s31 =	simm.s32 $0xE080;
	[tilespmem:$0x1FF00] =	vst v4;
	v4 =	vor.u32 $0x6, v1  }
0xc: {  	s17 =	sand.u32 $0x1, s5;
	s6 =	sshll.u32 s18, $0x1;
	s9 =	sshll.u32 s18, $0x7;
	[tilespmem:$0x1FF10] =	vst v4;
	v4 =	vor.u32 $0x7, v1  }
0xd: {  	s11 =	sshll.u32 s18, $0x8;
	s22 =	sshll.u32 s18, $0xA;
	s5 =	sshll.u32 s17, $0x5;
	[tilespmem:$0x1FF20] =	vst v4;
	v4 =	vor.u32 $0x8, v1  }
0xe: {  	s0 =	sadd.s32 s9, s0;
	s12 =	sand.u32 $0x300, s11;
	s19 =	ssub.s32 $0x2, s17;
	[tilespmem:$0x1FF30] =	vst v4;
	v4 =	vor.u32 $0x9, v1  }
0xf: {  	s9 =	sadd.s32 s2, s9;
	s25 =	sshrl.u32 s11, $0x2;
	p0 =	sne.s32 s17, $0x0;
	[tilespmem:$0x1FF40] =	vst v4;
	v4 =	vor.u32 $0xA, v1  }
0x10: {  	s5 =	sor.u32 s6, s5;
	s13 =	sor.u32 $0x80, s12;
	s7 =	sshrl.u32 s19, $0x1;
	[tilespmem:$0x1FF50] =	vst v4;
	v4 =	vor.u32 $0xB, v1  }
0x11: {  	s11 =	sadd.s32 s25, s16;
	s16 =	simm.s32 $0x400;
	s25 =	simm.s32 $0xDC80;
	[tilespmem:$0x1FF60] =	vst v4;
	v4 =	vor.u32 $0xC, v1  }
0x12: {  	s10 =	sshrl.u32 s5, $0x3;
	s14 =	ssub.s32 s19, s7;
	s7 =	sadd.s32 $0x1000, s0;
	[tilespmem:$0x1FF70] =	vst v4;
	v4 =	vor.u32 $0xD, v1  }
0x13: {  	s19 =	simm.s32 $0x2;
	s20 =	sshll.u32 s10, $0x11;
	s23 =	sshll.u32 s10, $0xA;
	[tilespmem:$0x1FF80] =	vst v4;
	v4 =	vor.u32 $0xE, v1  }
0x14: {  	s10 =	sadd.s32 s22, s15;
	s14 =	smax.u32 s14, $0x1;
	s15 =	simm.s32 $0x80;
	[tilespmem:$0x1FF90] =	vst v4;
	v4 =	vor.u32 $0xF, v1  }
0x15: {  	s22 =	simm.s32 $0x4;
	s8 =	sor.u32 s12, s20;
	s6 =	sor.u32 s13, s20;
	[tilespmem:$0x1FFA0] =	vst v4;
	v4 =	vor.u32 $0x100, v1  }
0x16: {  	s24 =	sor.u32 s12, s23;
	s20 =	simm.s32 $0x1000;
	s21 =	sshrl.u32 s8, $0x3;
	[tilespmem:$0x1FFB0] =	vst v4;
	v4 =	vor.u32 $0x101, v1  }
0x17: {  	s6 =	sshrl.u32 s6, $0x3;
	s8 =	sadd.s32 $0x800, s0;
	s0 =	sshrl.u32 s24, $0x3;
	[tilespmem:$0x1FFC0] =	vst v4;
	v4 =	vor.u32 $0x102, v1  }
0x18: {  	s5 =	sadd.s32 s1, s21;
	s6 =	sadd.s32 s1, s6;
	s1 =	sor.u32 s13, s23;
	[tilespmem:$0x1FFD0] =	vst v4;
	v4 =	vor.u32 $0x103, v1  }
0x19: {  	s12 =	sadd.s32 s3, s0;
	s0 =	simm.s32 $0xE100;
	s26 =	sshrl.u32 s1, $0x3;
	[tilespmem:$0x1FFE0] =	vst v4;
	v4 =	vor.u32 $0x104, v1  }
0x1a: {  	v2 =	vimm.f32 $0.0e+00;
	v3 =	vimm.f32 $1.000000000e+00;
	s13 =	sadd.s32 s3, s26;
	s26 =	simm.s32 $0x3;
	s3 =	simm.s32 $0x0;
	[tilespmem:$0x1FFF0] =	vst v4  }
.LBB2_1:
0x1b: {  	s1 =	simm.s32 $0x5480  }
0x1c: {  	[tilespmem:s1], [sflag:$0x1] =	stream.strided.gather [hbm4b:s5+s15], $0x4000, s16, s15, $0x38;
	[tilespmem:$0xE5C0] =	vst v63  }
0x1d: {  	s24 =	simm.s32 $0x9480  }
0x1e: {  	[tilespmem:s24], [sflag:$0x1] =	stream.strided.gather [hbm4b:s6+s15], $0x4000, s16, s15, $0x38;
	[tilespmem:$0xE5C0] =	vst v63  }
0x1f: {  	_ = 	snop  }
0x20: {  	[tilespmem:s4], [sflag:$0x2] =	stream.linear.gather [hbm4b:s7+s4], $0x400, $0x38;
	[tilespmem:$0xE5C0] =	vst v63  }
0x21: {  	s1 =	simm.s32 $0x1040  }
0x22: {  	[tilespmem:s16], [sflag:$0x2] =	stream.linear.gather [hbm4b:s8+s4], $0x400, $0x38;
	[tilespmem:$0xE5C0] =	vst v63  }
0x23: {  	[tilespmem:s1+$0xFFFFFFC0] =	vst v2  }
0x24: {  	[tilespmem:s1+$0x30] =	vst v2  }
0x25: {  	[tilespmem:s1+$0x20] =	vst v2  }
0x26: {  	[tilespmem:s1+$0x10] =	vst v2  }
0x27: {  	[tilespmem:s1+$0x0] =	vst v2  }
0x28: {  	[tilespmem:s1+$0xFFFFFFF0] =	vst v2  }
0x29: {  	s2 =	simm.s32 $0x0;
	[tilespmem:s1+$0xFFFFFFE0] =	vst v2  }
.LBB2_2:
0x2a: {  	s2 =	sadd.s32 $0x8, s2;
	[tilespmem:s1+$0xFFFFFFD0] =	vst v2;
	s1 =	sadd.s32 $0x80, s1  }
0x2b: {  	[tilespmem:s1+$0xFFFFFFC0] =	vst v2;
	p1 =	slt.u32 s2, $0x38  }
0x2c: {  	[tilespmem:s1+$0x30] =	vst v2  }
.Ltmp0:
0x2d: {  	[tilespmem:s1+$0x20] =	vst v2;
	(pc) =	sbr.rel @p1 .LBB2_2-.Ltmp0, $4  }
0x2e: {  	[tilespmem:s1+$0x10] =	vst v2  }
0x2f: {  	[tilespmem:s1+$0x0] =	vst v2  }
0x30: {  	[tilespmem:s1+$0xFFFFFFF0] =	vst v2  }
0x31: {  	[tilespmem:s1+$0xFFFFFFE0] =	vst v2  }
0x32: {  	[tilespmem:s1+$0xFFFFFFD0] =	vst v2  }
0x33: {  	_ =	swait.ge [sflag:s19], $0x400  }
0x34: {  	[sflag:s19] =	ssyncset.done $0x0  }
0x35: {  	[sflag:s19] =	ssyncadd.s32 $0xFFFFFC00  }
0x36: {  	_ =	swait.ge [sflag:s19], $0x400  }
0x37: {  	[sflag:s19] =	ssyncset.done $0x0  }
0x38: {  	s2 =	simm.s32 $0x40;
	[sflag:s19] =	ssyncadd.s32 $0xFFFFFC00  }
0x39: {  	v4 =	vld [tilespmem:s2+$0x10]  }
0x3a: {  	s24 =	simm.s32 $0x440;
	v5 =	vld [tilespmem:s2+$0xFFFFFFD0]  }
0x3b: {  	v6 =	vld [tilespmem:s24+$0xFFFFFFD0]  }
0x3c: {  	v24 =	vld [tilespmem:s24+$0x10]  }
0x3d: {  	v25 =	vld [tilespmem:s2+$0x20]  }
0x3e: {  	v27 =	vld [tilespmem:s24+$0x20]  }
0x3f: {  	v28 =	vld [tilespmem:s2+$0xFFFFFFE0]  }
0x40: {  	v31 =	vld [tilespmem:s2+$0xFFFFFFF0]  }
0x41: {  	v32 =	vld [tilespmem:s24+$0x30]  }
0x42: {  	v36 =	vld [tilespmem:s24+$0xFFFFFFC0]  }
0x43: {  	v4 =	vmul.f32 $8.000000000e+00, v4;
	v5 =	vmul.f32 $8.000000000e+00, v5  }
0x44: {  	v6 =	vmul.f32 $8.000000000e+00, v6;
	v24 =	vmul.f32 $8.000000000e+00, v24  }
0x45: {  	v28 =	vmul.f32 $8.000000000e+00, v28;
	v27 =	vmul.f32 $8.000000000e+00, v27  }
0x46: {  	v31 =	vmul.f32 $8.000000000e+00, v31;
	v25 =	vmul.f32 $8.000000000e+00, v25  }
0x47: {  	v32 =	vmul.f32 $8.000000000e+00, v32;
	v36 =	vmul.f32 $8.000000000e+00, v36  }
0x48: {  	v4 =	vtrunc.f32 v4;
	v5 =	vtrunc.f32 v5  }
0x49: {  	v27 =	vtrunc.f32 v27;
	v25 =	vtrunc.f32 v25  }
0x4a: {  	v24 =	vtrunc.f32 v24;
	v28 =	vtrunc.f32 v28  }
0x4b: {  	v32 =	vtrunc.f32 v32;
	v31 =	vtrunc.f32 v31  }
0x4c: {  	v36 =	vtrunc.f32 v36;
	v4 =	vcvt.f32.s32 v4  }
0x4d: {  	v30 =	vcvt.f32.s32 v5;
	v5 =	vtrunc.f32 v6  }
0x4e: {  	v27 =	vcvt.f32.s32 v27;
	v28 =	vcvt.f32.s32 v28  }
0x4f: {  	v25 =	vcvt.f32.s32 v25;
	v32 =	vcvt.f32.s32 v32  }
0x50: {  	v26 =	vld [tilespmem:s2+$0x0];
	v38 =	vcvt.f32.s32 v24;
	v31 =	vcvt.f32.s32 v31  }
0x51: {  	v36 =	vcvt.f32.s32 v36;
	v5 =	vcvt.f32.s32 v5;
	vm0 =	vgt.s32 v4, $0x0  }
0x52: {  	vm1 =	vgt.s32 v30, $0x0;
	vm6 =	vgt.s32 v27, $0x0;
	vm7 =	vgt.s32 v28, $0x0  }
0x53: {  	v29 =	vld [tilespmem:s24+$0x0];
	vm8 =	vgt.s32 v25, $0x0;
	vm2 =	vgt.s32 v32, $0x0;
	vm9 =	vgt.s32 v31, $0x0  }
0x54: {  	v54 =	vld [tilespmem:s2+$0x30];
	vm12 =	vgt.s32 v36, $0x0;
	vm15 =	vgt.s32 v38, $0x0;
	v33 =	vnsel vm0, $0x0, v4  }
0x55: {  	v4 =	vmul.f32 $8.000000000e+00, v26;
	vm5 =	vgt.s32 v5, $0x0;
	v30 =	vnsel vm1, $0x0, v30  }
0x56: {  	v6 =	vld [tilespmem:s24+$0xFFFFFFE0];
	v27 =	vnsel vm6, $0x0, v27;
	v25 =	vnsel vm8, $0x0, v25;
	v32 =	vnsel vm2, $0x0, v32  }
0x57: {  	v28 =	vnsel vm7, $0x0, v28;
	v58 =	vnsel vm12, $0x0, v36;
	v31 =	vnsel vm9, $0x0, v31  }
0x58: {  	v62 =	vnsel vm15, $0x0, v38;
	v26 =	vmin.u32 v33, $0x7;
	v34 =	vnsel vm5, $0x0, v5  }
0x59: {  	v55 =	vld [tilespmem:s2+$0xFFFFFFC0];
	v5 =	vmul.f32 $8.000000000e+00, v29;
	v30 =	vmin.u32 v30, $0x7;
	v33 =	vmul.f32 $8.000000000e+00, v54  }
0x5a: {  	v27 =	vmin.u32 v27, $0x7;
	v25 =	vmin.u32 v25, $0x7;
	v32 =	vmin.u32 v32, $0x7  }
0x5b: {  	v31 =	vmin.u32 v31, $0x7;
	v29 =	vmin.u32 v34, $0x7;
	v6 =	vmul.f32 $8.000000000e+00, v6  }
0x5c: {  	v37 =	vshll.u32 v27, $0x7;
	v24 =	vshll.u32 v27, $0x3;
	v34 =	vshll.u32 v29, $0x3  }
0x5d: {  	v27 =	vld [tilespmem:s24+$0xFFFFFFF0];
	v25 =	vor.u32 v25, v24;
	v24 =	vshll.u32 v29, $0x7;
	v29 =	vtrunc.f32 v33  }
0x5e: {  	v30 =	vor.u32 v30, v34;
	v6 =	vtrunc.f32 v6;
	v34 =	vmul.f32 $8.000000000e+00, v55  }
0x5f: {  	s2 =	simm.s32 $0x840;
	v56 =	vshll.u32 v25, $0x4;
	v29 =	vcvt.f32.s32 v29;
	v35 =	vshll.u32 v30, $0x4  }
0x60: {  	v6 =	vcvt.f32.s32 v6;
	v33 =	vor.u32 v0, v56;
	[tilespmem:s2+$0xFFFFFFD0] =	vst v30;
	v30 =	vshll.u32 v32, $0x3  }
0x61: {  	v39 =	vand.u32 $0x7F, v33;
	v35 =	vor.u32 v0, v35;
	v34 =	vtrunc.f32 v34  }
0x62: {  	vm11 =	vgt.s32 v29, $0x0;
	v27 =	vmul.f32 $8.000000000e+00, v27;
	vm10 =	vgt.s32 v6, $0x0  }
0x63: {  	v37 =	vor.u32 v37, v39;
	v57 =	vand.u32 $0x7F, v35;
	v34 =	vcvt.f32.s32 v34  }
0x64: {  	[tilespmem:s2+$0x20] =	vst v25;
	v25 =	vnsel vm11, $0x0, v29;
	v29 =	vmin.u32 v58, $0x7;
	v27 =	vtrunc.f32 v27  }
0x65: {  	v6 =	vnsel vm10, $0x0, v6;
	v39 =	vor.u32 v24, v57;
	v27 =	vcvt.f32.s32 v27  }
0x66: {  	s1 =	simm.s32 $0xC40;
	v24 =	vmin.u32 v28, $0x7;
	v59 =	vmin.u32 v25, $0x7;
	v60 =	vshll.u32 v29, $0x3  }
0x67: {  	[tilespmem:s1+$0x20] =	vst v33;
	v29 =	vshll.u32 v29, $0x7;
	v6 =	vmin.u32 v6, $0x7;
	vm14 =	vgt.s32 v27, $0x0  }
0x68: {  	[tilespmem:s1+$0xFFFFFFD0] =	vst v35;
	vm13 =	vgt.s32 v34, $0x0;
	v28 =	vshll.u32 v6, $0x3;
	v27 =	vnsel vm14, $0x0, v27  }
0x69: {  	v28 =	vor.u32 v24, v28;
	[tilespmem:v37+s20+$0x0] =	vst.idx.add.f32.msk $0xffff, v3;
	v25 =	vmin.u32 v27, $0x7;
	v27 =	vnsel vm13, $0x0, v34  }
0x6a: {  	v24 =	vshll.u32 v32, $0x7;
	v32 =	vor.u32 v59, v30;
	[tilespmem:s2+$0xFFFFFFE0] =	vst v28;
	v27 =	vmin.u32 v27, $0x7  }
0x6b: {  	v61 =	vshll.u32 v28, $0x4;
	[tilespmem:s2+$0x30] =	vst v32;
	v28 =	vshll.u32 v25, $0x3;
	v27 =	vor.u32 v27, v60  }
0x6c: {  	v30 =	vmin.u32 v62, $0x7;
	[tilespmem:v39+s20+$0x0] =	vst.idx.add.f32.msk $0xffff, v3;
	v28 =	vor.u32 v31, v28;
	v31 =	vshll.u32 v27, $0x4  }
0x6d: {  	v63 =	vshll.u32 v30, $0x3;
	v32 =	vshll.u32 v32, $0x4;
	[tilespmem:s2+$0xFFFFFFC0] =	vst v27;
	v27 =	vor.u32 v0, v31  }
0x6e: {  	v26 =	vor.u32 v26, v63;
	[tilespmem:s2+$0xFFFFFFF0] =	vst v28;
	v28 =	vshll.u32 v28, $0x4;
	v31 =	vand.u32 $0x7F, v27  }
0x6f: {  	s18 =	simm.s32 $0x0;
	s21 =	simm.s32 $0xC0;
	[tilespmem:s2+$0x10] =	vst v26;
	v28 =	vor.u32 v0, v28;
	v29 =	vor.u32 v29, v31;
	v31 =	vor.u32 v0, v32  }
0x70: {  	s23 =	simm.s32 $0x4C0;
	s17 =	simm.s32 $0x840;
	s24 =	simm.s32 $0xC40;
	[tilespmem:s1+$0xFFFFFFC0] =	vst v27;
	v27 =	vor.u32 v0, v61;
	v32 =	vshll.u32 v26, $0x4;
	v26 =	vand.u32 $0x7F, v31  }
.LBB2_4:
0x71: {  	v33 =	vld [tilespmem:s21+$0xFFFFFFD0];
	s18 =	sadd.s32 $0x8, s18;
	v4 =	vtrunc.f32 v4;
	v5 =	vtrunc.f32 v5;
	v32 =	vor.u32 v0, v32;
	[tilespmem:s1+$0x30] =	vst v31;
	s2 =	sadd.s32 $0x80, s2;
	s24 =	sadd.s32 $0x80, s24  }
0x72: {  	v30 =	vshll.u32 v30, $0x7;
	v31 =	vld [tilespmem:s21+$0x10];
	p1 =	slt.u32 s18, $0x38;
	v5 =	vcvt.f32.s32 v5;
	[tilespmem:s1+$0x10] =	vst v32;
	v32 =	vand.u32 $0x7F, v32  }
0x73: {  	v4 =	vcvt.f32.s32 v4;
	v34 =	vld [tilespmem:s23+$0x10];
	[tilespmem:s1+$0xFFFFFFF0] =	vst v28;
	v30 =	vor.u32 v30, v32  }
0x74: {  	v35 =	vand.u32 $0x7F, v27;
	v24 =	vor.u32 v24, v26;
	v32 =	vld [tilespmem:s21+$0x20];
	vm0 =	vgt.s32 v5, $0x0  }
0x75: {  	v28 =	vand.u32 $0x7F, v28;
	vm1 =	vgt.s32 v4, $0x0;
	v26 =	vld [tilespmem:s23+$0xFFFFFFD0];
	v5 =	vnsel vm0, $0x0, v5  }
0x76: {  	v4 =	vnsel vm1, $0x0, v4;
	v33 =	vmul.f32 $8.000000000e+00, v33;
	v36 =	vld [tilespmem:s23+$0x30];
	v5 =	vmin.u32 v5, $0x7  }
0x77: {  	v31 =	vmul.f32 $8.000000000e+00, v31;
	[tilespmem:v29+s20+$0x0] =	vst.idx.add.f32.msk $0xffff, v3;
	v29 =	vshll.u32 v5, $0x3;
	v5 =	vshll.u32 v5, $0x7  }
0x78: {  	v6 =	vshll.u32 v6, $0x7;
	v4 =	vmin.u32 v4, $0x7;
	v33 =	vtrunc.f32 v33;
	v37 =	vld [tilespmem:s21+$0x0]  }
0x79: {  	v4 =	vor.u32 v4, v29;
	v33 =	vcvt.f32.s32 v33;
	v31 =	vtrunc.f32 v31;
	v38 =	vld [tilespmem:s23+$0x20]  }
0x7a: {  	v39 =	vshll.u32 v4, $0x4;
	v26 =	vmul.f32 $8.000000000e+00, v26;
	v29 =	vld [tilespmem:s21+$0xFFFFFFE0];
	v31 =	vcvt.f32.s32 v31  }
0x7b: {  	v25 =	vshll.u32 v25, $0x7;
	vm0 =	vgt.s32 v33, $0x0;
	v40 =	vld [tilespmem:s23+$0x0];
	[tilespmem:s17+$0x0] =	vst v4;
	v4 =	vor.u32 v0, v39;
	s17 =	smov.u32 s2  }
0x7c: {  	v26 =	vtrunc.f32 v26;
	v39 =	vld [tilespmem:s23+$0xFFFFFFE0];
	vm1 =	vgt.s32 v31, $0x0;
	[tilespmem:s1+$0x0] =	vst v4;
	v41 =	vand.u32 $0x7F, v4  }
0x7d: {  	v6 =	vor.u32 v6, v35;
	v42 =	vcvt.f32.s32 v26;
	v43 =	vld [tilespmem:s21+$0xFFFFFFF0];
	v26 =	vnsel vm1, $0x0, v31  }
0x7e: {  	v4 =	vmul.f32 $8.000000000e+00, v37;
	v35 =	vor.u32 v5, v41;
	v26 =	vmin.u32 v26, $0x7;
	v31 =	vld [tilespmem:s21+$0x30]  }
0x7f: {  	v25 =	vor.u32 v25, v28;
	v34 =	vmul.f32 $8.000000000e+00, v34;
	vm1 =	vgt.s32 v42, $0x0;
	[tilespmem:s1+$0xFFFFFFE0] =	vst v27;
	s1 =	smov.u32 s24  }
0x80: {  	v28 =	vmul.f32 $8.000000000e+00, v29;
	v27 =	vnsel vm1, $0x0, v42;
	v5 =	vmul.f32 $8.000000000e+00, v40;
	[tilespmem:v30+s20+$0x0] =	vst.idx.add.f32.msk $0xffff, v3  }
0x81: {  	v30 =	vmul.f32 $8.000000000e+00, v38;
	v27 =	vmin.u32 v27, $0x7;
	v29 =	vmul.f32 $8.000000000e+00, v39  }
0x82: {  	v32 =	vmul.f32 $8.000000000e+00, v32;
	v37 =	vshll.u32 v27, $0x3;
	v38 =	vmul.f32 $8.000000000e+00, v43;
	[tilespmem:v6+s20+$0x0] =	vst.idx.add.f32.msk $0xffff, v3  }
0x83: {  	v6 =	vnsel vm0, $0x0, v33;
	v30 =	vtrunc.f32 v30;
	v33 =	vmul.f32 $8.000000000e+00, v36;
	[tilespmem:v24+s20+$0x0] =	vst.idx.add.f32.msk $0xffff, v3  }
0x84: {  	v6 =	vmin.u32 v6, $0x7;
	v24 =	vcvt.f32.s32 v30;
	v30 =	vmul.f32 $8.000000000e+00, v31;
	[tilespmem:v35+s20+$0x0] =	vst.idx.add.f32.msk $0xffff, v3  }
0x85: {  	v29 =	vtrunc.f32 v29;
	v31 =	vtrunc.f32 v32;
	v6 =	vor.u32 v6, v37;
	[tilespmem:v25+s20+$0x0] =	vst.idx.add.f32.msk $0xffff, v3  }
0x86: {  	v32 =	vtrunc.f32 v34;
	vm0 =	vgt.s32 v24, $0x0;
	v25 =	vld [tilespmem:s21+$0xFFFFFFC0];
	[tilespmem:s2+$0xFFFFFFD0] =	vst v6;
	v6 =	vshll.u32 v6, $0x4  }
0x87: {  	v28 =	vtrunc.f32 v28;
	v33 =	vtrunc.f32 v33;
	v24 =	vnsel vm0, $0x0, v24;
	v34 =	vld [tilespmem:s23+$0xFFFFFFC0]  }
0x88: {  	v28 =	vcvt.f32.s32 v28;
	v31 =	vcvt.f32.s32 v31;
	v24 =	vmin.u32 v24, $0x7  }
0x89: {  	v35 =	vtrunc.f32 v38;
	v33 =	vcvt.f32.s32 v33;
	v36 =	vshll.u32 v24, $0x7  }
0x8a: {  	v32 =	vcvt.f32.s32 v32;
	vm0 =	vgt.s32 v28, $0x0;
	v24 =	vshll.u32 v24, $0x3;
	v37 =	vld [tilespmem:s23+$0xFFFFFFF0]  }
0x8b: {  	v29 =	vcvt.f32.s32 v29;
	vm1 =	vgt.s32 v31, $0x0;
	vm2 =	vgt.s32 v33, $0x0  }
0x8c: {  	v33 =	vnsel vm2, $0x0, v33;
	v25 =	vmul.f32 $8.000000000e+00, v25;
	v34 =	vmul.f32 $8.000000000e+00, v34  }
0x8d: {  	v35 =	vcvt.f32.s32 v35;
	v31 =	vnsel vm1, $0x0, v31;
	v33 =	vmin.u32 v33, $0x7  }
0x8e: {  	v27 =	vshll.u32 v27, $0x7;
	v30 =	vtrunc.f32 v30;
	v34 =	vtrunc.f32 v34  }
0x8f: {  	vm1 =	vgt.s32 v35, $0x0;
	v31 =	vmin.u32 v31, $0x7;
	v37 =	vmul.f32 $8.000000000e+00, v37  }
0x90: {  	v30 =	vcvt.f32.s32 v30;
	vm2 =	vgt.s32 v29, $0x0;
	v24 =	vor.u32 v31, v24  }
0x91: {  	v6 =	vor.u32 v0, v6;
	v31 =	vcvt.f32.s32 v34;
	[tilespmem:s2+$0x20] =	vst v24;
	v24 =	vshll.u32 v24, $0x4  }
0x92: {  	[tilespmem:s24+$0xFFFFFFD0] =	vst v6;
	v6 =	vand.u32 $0x7F, v6;
	v34 =	vor.u32 v0, v24;
	v24 =	vshll.u32 v33, $0x7  }
0x93: {  	vm3 =	vgt.s32 v30, $0x0;
	v25 =	vtrunc.f32 v25;
	[tilespmem:s24+$0x20] =	vst v34;
	v34 =	vand.u32 $0x7F, v34  }
0x94: {  	v28 =	vnsel vm0, $0x0, v28;
	v33 =	vshll.u32 v33, $0x3;
	v34 =	vor.u32 v36, v34  }
0x95: {  	v27 =	vor.u32 v27, v6;
	v6 =	vnsel vm2, $0x0, v29;
	v29 =	vtrunc.f32 v37  }
0x96: {  	v28 =	vmin.u32 v28, $0x7;
	v6 =	vmin.u32 v6, $0x7;
	v29 =	vcvt.f32.s32 v29  }
0x97: {  	vm0 =	vgt.s32 v31, $0x0;
	v36 =	vcvt.f32.s32 v25;
	v25 =	vshll.u32 v6, $0x3  }
0x98: {  	v31 =	vnsel vm0, $0x0, v31;
	v25 =	vor.u32 v28, v25;
	v28 =	vnsel vm1, $0x0, v35  }
0x99: {  	v30 =	vnsel vm3, $0x0, v30;
	vm0 =	vgt.s32 v36, $0x0;
	vm1 =	vgt.s32 v29, $0x0;
	[tilespmem:v34+s20+$0x0] =	vst.idx.add.f32.msk $0xffff, v3  }
0x9a: {  	v30 =	vmin.u32 v30, $0x7;
	v31 =	vmin.u32 v31, $0x7;
	v29 =	vnsel vm1, $0x0, v29;
	[tilespmem:s2+$0xFFFFFFE0] =	vst v25  }
0x9b: {  	v34 =	vshll.u32 v31, $0x3;
	[tilespmem:v27+s20+$0x0] =	vst.idx.add.f32.msk $0xffff, v3;
	v27 =	vshll.u32 v25, $0x4;
	v25 =	vmin.u32 v29, $0x7  }
0x9c: {  	v28 =	vmin.u32 v28, $0x7;
	v29 =	vnsel vm0, $0x0, v36;
	vm0 =	vgt.s32 v32, $0x0  }
0x9d: {  	v29 =	vmin.u32 v29, $0x7;
	v35 =	vshll.u32 v25, $0x3;
	v32 =	vnsel vm0, $0x0, v32  }
0x9e: {  	v31 =	vshll.u32 v31, $0x7;
	v29 =	vor.u32 v29, v34;
	v28 =	vor.u32 v28, v35  }
.Ltmp1:
0x9f: {  	v33 =	vor.u32 v30, v33;
	v34 =	vshll.u32 v29, $0x4;
	[tilespmem:s2+$0xFFFFFFF0] =	vst v28;
	v28 =	vshll.u32 v28, $0x4;
	(pc) =	sbr.rel @p1 .LBB2_4-.Ltmp1, $4  }
0xa0: {  	v30 =	vmin.u32 v32, $0x7;
	[tilespmem:s2+$0xFFFFFFC0] =	vst v29;
	v29 =	vor.u32 v0, v34;
	v28 =	vor.u32 v0, v28  }
0xa1: {  	v34 =	vshll.u32 v30, $0x3;
	v32 =	vand.u32 $0x7F, v29;
	[tilespmem:s2+$0x30] =	vst v33;
	v33 =	vshll.u32 v33, $0x4  }
0xa2: {  	v26 =	vor.u32 v26, v34;
	[tilespmem:s24+$0xFFFFFFC0] =	vst v29;
	v29 =	vor.u32 v31, v32;
	v31 =	vor.u32 v0, v33  }
0xa3: {  	s21 =	sadd.s32 $0x80, s21;
	s23 =	sadd.s32 $0x80, s23;
	v27 =	vor.u32 v0, v27;
	v32 =	vshll.u32 v26, $0x4;
	[tilespmem:s2+$0x10] =	vst v26;
	v26 =	vand.u32 $0x7F, v31  }
0xa4: {  	v5 =	vtrunc.f32 v5  }
0xa5: {  	v4 =	vtrunc.f32 v4;
	v5 =	vcvt.f32.s32 v5  }
0xa6: {  	v4 =	vcvt.f32.s32 v4  }
0xa7: {  	vm0 =	vgt.s32 v5, $0x0  }
0xa8: {  	vm1 =	vgt.s32 v4, $0x0;
	v5 =	vnsel vm0, $0x0, v5  }
0xa9: {  	v32 =	vor.u32 v0, v32;
	v4 =	vnsel vm1, $0x0, v4;
	v5 =	vmin.u32 v5, $0x7  }
0xaa: {  	[tilespmem:s1+$0x30] =	vst v31;
	v30 =	vshll.u32 v30, $0x7;
	v4 =	vmin.u32 v4, $0x7;
	v31 =	vshll.u32 v5, $0x3  }
0xab: {  	[tilespmem:s1+$0xFFFFFFF0] =	vst v28;
	v24 =	vor.u32 v24, v26;
	v33 =	vand.u32 $0x7F, v32;
	v4 =	vor.u32 v4, v31  }
0xac: {  	[tilespmem:v29+s20+$0x0] =	vst.idx.add.f32.msk $0xffff, v3;
	v30 =	vor.u32 v30, v33;
	v60 =	vshll.u32 v4, $0x4  }
0xad: {  	v6 =	vshll.u32 v6, $0x7;
	[tilespmem:s1+$0xFFFFFFE0] =	vst v27;
	v31 =	vand.u32 $0x7F, v27;
	v29 =	vor.u32 v0, v60  }
0xae: {  	v5 =	vshll.u32 v5, $0x7;
	v6 =	vor.u32 v6, v31;
	[tilespmem:s17+$0x0] =	vst v4;
	v4 =	vand.u32 $0x7F, v29  }
0xaf: {  	v61 =	vand.u32 $0x7F, v28;
	v25 =	vshll.u32 v25, $0x7;
	[tilespmem:s1+$0x10] =	vst v32;
	v4 =	vor.u32 v5, v4  }
0xb0: {  	[tilespmem:v24+s20+$0x0] =	vst.idx.add.f32.msk $0xffff, v3;
	v5 =	vor.u32 v25, v61  }
0xb1: {  	[tilespmem:v30+s20+$0x0] =	vst.idx.add.f32.msk $0xffff, v3  }
0xb2: {  	[tilespmem:s1+$0x0] =	vst v29  }
0xb3: {  	[tilespmem:v6+s20+$0x0] =	vst.idx.add.f32.msk $0xffff, v3  }
0xb4: {  	[tilespmem:v4+s20+$0x0] =	vst.idx.add.f32.msk $0xffff, v3  }
0xb5: {  	[tilespmem:v5+s20+$0x0] =	vst.idx.add.f32.msk $0xffff, v3  }
0xb6: {  	v5 =	vld [tilespmem:$0x1FEC0];
	_ =	sdelay $0x1  }
0xb7: {  	v6 =	vld [tilespmem:$0x1FED0];
	_ =	sdelay $0x3  }
0xb8: {  	v4 =	vld.idx.msk [tilespmem:v1+s20+$0x0], $0xffff;
	_ =	sdelay $0x1  }
0xb9: {  	v5 =	vld.idx.msk [tilespmem:v5+s20+$0x0], $0xffff;
	_ =	sdelay $0x1  }
0xba: {  	v6 =	vld.idx.msk [tilespmem:v6+s20+$0x0], $0xffff  }
0xbb: {  	v7 =	vld [tilespmem:$0x1FEE0];
	v4 =	vadd.f32 $0.0e+00, v4;
	_ =	sdelay $0x1  }
0xbc: {  	v4 =	vadd.f32 v5, v4;
	v5 =	vld [tilespmem:$0x1FEF0];
	_ =	sdelay $0x1  }
0xbd: {  	v4 =	vadd.f32 v6, v4;
	v6 =	vld [tilespmem:$0x1FF00];
	_ =	sdelay $0x3  }
0xbe: {  	v24 =	vld.idx.msk [tilespmem:v7+s20+$0x0], $0xffff;
	_ =	sdelay $0x1  }
0xbf: {  	v5 =	vld.idx.msk [tilespmem:v5+s20+$0x0], $0xffff;
	_ =	sdelay $0x1  }
0xc0: {  	v6 =	vld.idx.msk [tilespmem:v6+s20+$0x0], $0xffff  }
0xc1: {  	v7 =	vld [tilespmem:$0x1FF10];
	v4 =	vadd.f32 v24, v4;
	_ =	sdelay $0x1  }
0xc2: {  	v4 =	vadd.f32 v5, v4;
	v5 =	vld [tilespmem:$0x1FF20];
	_ =	sdelay $0x1  }
0xc3: {  	v4 =	vadd.f32 v6, v4;
	v6 =	vld [tilespmem:$0x1FF30];
	_ =	sdelay $0x3  }
0xc4: {  	v62 =	vld.idx.msk [tilespmem:v7+s20+$0x0], $0xffff;
	_ =	sdelay $0x1  }
0xc5: {  	v5 =	vld.idx.msk [tilespmem:v5+s20+$0x0], $0xffff;
	_ =	sdelay $0x1  }
0xc6: {  	v6 =	vld.idx.msk [tilespmem:v6+s20+$0x0], $0xffff  }
0xc7: {  	v7 =	vld [tilespmem:$0x1FF40];
	v4 =	vadd.f32 v62, v4;
	_ =	sdelay $0x1  }
0xc8: {  	v4 =	vadd.f32 v5, v4;
	v5 =	vld [tilespmem:$0x1FF50];
	_ =	sdelay $0x1  }
0xc9: {  	v4 =	vadd.f32 v6, v4;
	v6 =	vld [tilespmem:$0x1FF60];
	_ =	sdelay $0x3  }
0xca: {  	v63 =	vld.idx.msk [tilespmem:v7+s20+$0x0], $0xffff  }
0xcb: {  	v7 =	vld [tilespmem:$0x1FF70]  }
0xcc: {  	v5 =	vld.idx.msk [tilespmem:v5+s20+$0x0], $0xffff;
	_ =	sdelay $0x1  }
0xcd: {  	v6 =	vld.idx.msk [tilespmem:v6+s20+$0x0], $0xffff  }
0xce: {  	v4 =	vadd.f32 v63, v4;
	_ =	sdelay $0x1  }
0xcf: {  	v4 =	vadd.f32 v5, v4;
	v5 =	vld [tilespmem:$0x1FF80];
	_ =	sdelay $0x1  }
0xd0: {  	v4 =	vadd.f32 v6, v4;
	v6 =	vld [tilespmem:$0x1FF90]  }
0xd1: {  	v9 =	vld.idx.msk [tilespmem:v7+s20+$0x0], $0xffff  }
0xd2: {  	v7 =	vld [tilespmem:$0x1FFA0];
	_ =	sdelay $0x3  }
0xd3: {  	v5 =	vld.idx.msk [tilespmem:v5+s20+$0x0], $0xffff;
	_ =	sdelay $0x1  }
0xd4: {  	v6 =	vld.idx.msk [tilespmem:v6+s20+$0x0], $0xffff  }
0xd5: {  	v4 =	vadd.f32 v9, v4  }
0xd6: {  	v10 =	vld.idx.msk [tilespmem:v7+s20+$0x0], $0xffff  }
0xd7: {  	v4 =	vadd.f32 v5, v4;
	_ =	sdelay $0x1  }
0xd8: {  	v4 =	vadd.f32 v6, v4;
	_ =	sdelay $0x1  }
0xd9: {  	v7 =	vld [tilespmem:$0x1FFE0];
	v4 =	vadd.f32 v10, v4;
	_ =	sdelay $0x1  }
0xda: {  	[tilespmem:$0x1400] =	vst v4;
	v4 =	vld [tilespmem:$0x1FFB0];
	_ =	sdelay $0x1  }
0xdb: {  	v5 =	vld [tilespmem:$0x1FFC0];
	_ =	sdelay $0x1  }
0xdc: {  	v6 =	vld [tilespmem:$0x1FFD0];
	_ =	sdelay $0x1  }
0xdd: {  	v12 =	vld.idx.msk [tilespmem:v7+s20+$0x0], $0xffff  }
0xde: {  	v7 =	vld [tilespmem:$0x1FFF0]  }
0xdf: {  	v4 =	vld.idx.msk [tilespmem:v4+s20+$0x0], $0xffff;
	_ =	sdelay $0x1  }
0xe0: {  	v5 =	vld.idx.msk [tilespmem:v5+s20+$0x0], $0xffff;
	_ =	sdelay $0x1  }
0xe1: {  	v11 =	vld.idx.msk [tilespmem:v6+s20+$0x0], $0xffff  }
0xe2: {  	v6 =	vor.u32 $0x105, v1;
	v4 =	vadd.f32 $0.0e+00, v4;
	_ =	sdelay $0x1  }
0xe3: {  	v4 =	vadd.f32 v5, v4;
	v5 =	vor.u32 $0x106, v1  }
0xe4: {  	v13 =	vld.idx.msk [tilespmem:v7+s20+$0x0], $0xffff  }
0xe5: {  	v24 =	vadd.f32 v11, v4;
	v4 =	vor.u32 $0x107, v1  }
0xe6: {  	v27 =	vld.idx.msk [tilespmem:v6+s20+$0x0], $0xffff  }
0xe7: {  	v63 =	vor.u32 $0x108, v1;
	v24 =	vadd.f32 v12, v24  }
0xe8: {  	v14 =	vld.idx.msk [tilespmem:v5+s20+$0x0], $0xffff  }
0xe9: {  	v62 =	vor.u32 $0x109, v1;
	v24 =	vadd.f32 v13, v24  }
0xea: {  	v15 =	vld.idx.msk [tilespmem:v4+s20+$0x0], $0xffff  }
0xeb: {  	v61 =	vor.u32 $0x10A, v1;
	v24 =	vadd.f32 v27, v24  }
0xec: {  	v16 =	vld.idx.msk [tilespmem:v63+s20+$0x0], $0xffff  }
0xed: {  	v60 =	vor.u32 $0x10B, v1;
	v24 =	vadd.f32 v14, v24  }
0xee: {  	v17 =	vld.idx.msk [tilespmem:v62+s20+$0x0], $0xffff  }
0xef: {  	v59 =	vor.u32 $0x10C, v1;
	v24 =	vadd.f32 v15, v24  }
0xf0: {  	v18 =	vld.idx.msk [tilespmem:v61+s20+$0x0], $0xffff  }
0xf1: {  	v58 =	vor.u32 $0x10D, v1;
	v24 =	vadd.f32 v16, v24  }
0xf2: {  	v19 =	vld.idx.msk [tilespmem:v60+s20+$0x0], $0xffff  }
0xf3: {  	v57 =	vor.u32 $0x10E, v1;
	v24 =	vadd.f32 v17, v24  }
0xf4: {  	v20 =	vld.idx.msk [tilespmem:v59+s20+$0x0], $0xffff  }
0xf5: {  	v56 =	vor.u32 $0x10F, v1;
	v24 =	vadd.f32 v18, v24  }
0xf6: {  	v21 =	vld.idx.msk [tilespmem:v58+s20+$0x0], $0xffff  }
0xf7: {  	v24 =	vadd.f32 v19, v24  }
0xf8: {  	v22 =	vld.idx.msk [tilespmem:v57+s20+$0x0], $0xffff  }
0xf9: {  	v24 =	vadd.f32 v20, v24  }
0xfa: {  	v23 =	vld.idx.msk [tilespmem:v56+s20+$0x0], $0xffff  }
0xfb: {  	v24 =	vadd.f32 v21, v24;
	_ =	sdelay $0x1  }
0xfc: {  	v55 =	vor.u32 $0x200, v1;
	v24 =	vadd.f32 v22, v24;
	_ =	sdelay $0x1  }
0xfd: {  	v54 =	vor.u32 $0x201, v1;
	v24 =	vadd.f32 v23, v24;
	_ =	sdelay $0x1  }
0xfe: {  	v53 =	vor.u32 $0x202, v1;
	[tilespmem:$0x1410] =	vst v24  }
0xff: {  	v24 =	vld.idx.msk [tilespmem:v55+s20+$0x0], $0xffff  }
0x100: {  	v52 =	vor.u32 $0x203, v1  }
0x101: {  	v32 =	vld.idx.msk [tilespmem:v54+s20+$0x0], $0xffff  }
0x102: {  	v51 =	vor.u32 $0x204, v1  }
0x103: {  	v33 =	vld.idx.msk [tilespmem:v53+s20+$0x0], $0xffff  }
0x104: {  	v50 =	vor.u32 $0x205, v1;
	v24 =	vadd.f32 $0.0e+00, v24  }
0x105: {  	v34 =	vld.idx.msk [tilespmem:v52+s20+$0x0], $0xffff  }
0x106: {  	v49 =	vor.u32 $0x206, v1;
	v24 =	vadd.f32 v32, v24  }
0x107: {  	v35 =	vld.idx.msk [tilespmem:v51+s20+$0x0], $0xffff  }
0x108: {  	v48 =	vor.u32 $0x207, v1;
	v24 =	vadd.f32 v33, v24  }
0x109: {  	v36 =	vld.idx.msk [tilespmem:v50+s20+$0x0], $0xffff  }
0x10a: {  	v47 =	vor.u32 $0x208, v1;
	v24 =	vadd.f32 v34, v24  }
0x10b: {  	v37 =	vld.idx.msk [tilespmem:v49+s20+$0x0], $0xffff  }
0x10c: {  	v46 =	vor.u32 $0x209, v1;
	v24 =	vadd.f32 v35, v24  }
0x10d: {  	v38 =	vld.idx.msk [tilespmem:v48+s20+$0x0], $0xffff  }
0x10e: {  	v45 =	vor.u32 $0x20A, v1;
	v24 =	vadd.f32 v36, v24  }
0x10f: {  	v39 =	vld.idx.msk [tilespmem:v47+s20+$0x0], $0xffff  }
0x110: {  	v44 =	vor.u32 $0x20B, v1;
	v24 =	vadd.f32 v37, v24  }
0x111: {  	v9 =	vld.idx.msk [tilespmem:v46+s20+$0x0], $0xffff  }
0x112: {  	v43 =	vor.u32 $0x20C, v1;
	v24 =	vadd.f32 v38, v24  }
0x113: {  	v10 =	vld.idx.msk [tilespmem:v45+s20+$0x0], $0xffff  }
0x114: {  	v42 =	vor.u32 $0x20D, v1;
	v24 =	vadd.f32 v39, v24  }
0x115: {  	v11 =	vld.idx.msk [tilespmem:v44+s20+$0x0], $0xffff  }
0x116: {  	v41 =	vor.u32 $0x20E, v1;
	v24 =	vadd.f32 v9, v24  }
0x117: {  	v12 =	vld.idx.msk [tilespmem:v43+s20+$0x0], $0xffff  }
0x118: {  	v40 =	vor.u32 $0x20F, v1;
	v24 =	vadd.f32 v10, v24  }
0x119: {  	v13 =	vld.idx.msk [tilespmem:v42+s20+$0x0], $0xffff  }
0x11a: {  	v24 =	vadd.f32 v11, v24  }
0x11b: {  	v14 =	vld.idx.msk [tilespmem:v41+s20+$0x0], $0xffff  }
0x11c: {  	v24 =	vadd.f32 v12, v24  }
0x11d: {  	v15 =	vld.idx.msk [tilespmem:v40+s20+$0x0], $0xffff  }
0x11e: {  	v24 =	vadd.f32 v13, v24;
	_ =	sdelay $0x1  }
0x11f: {  	v39 =	vor.u32 $0x300, v1;
	v24 =	vadd.f32 v14, v24;
	_ =	sdelay $0x1  }
0x120: {  	v38 =	vor.u32 $0x301, v1;
	v24 =	vadd.f32 v15, v24;
	_ =	sdelay $0x1  }
0x121: {  	v37 =	vor.u32 $0x302, v1;
	[tilespmem:$0x1420] =	vst v24  }
0x122: {  	v24 =	vld.idx.msk [tilespmem:v39+s20+$0x0], $0xffff  }
0x123: {  	v36 =	vor.u32 $0x303, v1  }
0x124: {  	v16 =	vld.idx.msk [tilespmem:v38+s20+$0x0], $0xffff  }
0x125: {  	v35 =	vor.u32 $0x304, v1  }
0x126: {  	v17 =	vld.idx.msk [tilespmem:v37+s20+$0x0], $0xffff  }
0x127: {  	v34 =	vor.u32 $0x305, v1;
	v24 =	vadd.f32 $0.0e+00, v24  }
0x128: {  	v18 =	vld.idx.msk [tilespmem:v36+s20+$0x0], $0xffff  }
0x129: {  	v33 =	vor.u32 $0x306, v1;
	v24 =	vadd.f32 v16, v24  }
0x12a: {  	v19 =	vld.idx.msk [tilespmem:v35+s20+$0x0], $0xffff  }
0x12b: {  	v32 =	vor.u32 $0x307, v1;
	v24 =	vadd.f32 v17, v24  }
0x12c: {  	v20 =	vld.idx.msk [tilespmem:v34+s20+$0x0], $0xffff  }
0x12d: {  	v31 =	vor.u32 $0x308, v1;
	v24 =	vadd.f32 v18, v24  }
0x12e: {  	v21 =	vld.idx.msk [tilespmem:v33+s20+$0x0], $0xffff  }
0x12f: {  	v7 =	vor.u32 $0x309, v1;
	v24 =	vadd.f32 v19, v24  }
0x130: {  	v22 =	vld.idx.msk [tilespmem:v32+s20+$0x0], $0xffff  }
0x131: {  	v8 =	vor.u32 $0x30A, v1;
	v24 =	vadd.f32 v20, v24  }
0x132: {  	v23 =	vld.idx.msk [tilespmem:v31+s20+$0x0], $0xffff  }
0x133: {  	v9 =	vor.u32 $0x30B, v1;
	v24 =	vadd.f32 v21, v24  }
0x134: {  	[tilespmem:$0x1FE50] =	vst v7;
	v7 =	vld.idx.msk [tilespmem:v7+s20+$0x0], $0xffff  }
0x135: {  	v10 =	vor.u32 $0x30C, v1;
	v24 =	vadd.f32 v22, v24  }
0x136: {  	[tilespmem:$0x1FE60] =	vst v8;
	v8 =	vld.idx.msk [tilespmem:v8+s20+$0x0], $0xffff  }
0x137: {  	v13 =	vor.u32 $0x30D, v1;
	v24 =	vadd.f32 v23, v24  }
0x138: {  	[tilespmem:$0x1FE70] =	vst v9;
	v9 =	vld.idx.msk [tilespmem:v9+s20+$0x0], $0xffff  }
0x139: {  	v12 =	vor.u32 $0x30E, v1;
	v7 =	vadd.f32 v7, v24  }
0x13a: {  	[tilespmem:$0x1FE80] =	vst v10;
	v10 =	vld.idx.msk [tilespmem:v10+s20+$0x0], $0xffff  }
0x13b: {  	v11 =	vor.u32 $0x30F, v1;
	v7 =	vadd.f32 v8, v7  }
0x13c: {  	v8 =	vld.idx.msk [tilespmem:v13+s20+$0x0], $0xffff  }
0x13d: {  	v7 =	vadd.f32 v9, v7  }
0x13e: {  	v26 =	vld.idx.msk [tilespmem:v12+s20+$0x0], $0xffff  }
0x13f: {  	v7 =	vadd.f32 v10, v7  }
0x140: {  	v27 =	vld.idx.msk [tilespmem:v11+s20+$0x0], $0xffff  }
0x141: {  	v7 =	vadd.f32 v8, v7;
	_ =	sdelay $0x1  }
0x142: {  	v7 =	vadd.f32 v26, v7;
	_ =	sdelay $0x1  }
0x143: {  	[tilespmem:$0x1FEB0] =	vst v11;
	v7 =	vadd.f32 v27, v7  }
0x144: {  	[tilespmem:$0x1FEA0] =	vst v12  }
0x145: {  	s2 =	simm.s32 @!p0 $0x800;
	s1 =	simm.s32 @!p0 $0x0;
	[tilespmem:$0x1430] =	vst v7  }
0x146: {  	[hbm4b:s9+s1] =	stream.linear.scatter @!p0 [tilespmem:s2], [sflag:$0x4], $0x400, $0x38;
	[tilespmem:$0xE5C0] =	vst v63  }
0x147: {  	[tilespmem:$0x1FE90] =	vst v13;
	s1 =	simm.s32 @!p0 $0x4  }
0x148: {  	_ =	swait.ge @!p0 [sflag:s1], $0x400  }
0x149: {  	[sflag:s1] =	ssyncset.done @!p0 $0x0  }
0x14a: {  	s17 =	simm.s32 $0xC00;
	[sflag:s1] =	ssyncadd.s32 @!p0 $0xFFFFFC00  }
0x14b: {  	[spmem:s10] =	stream.linear.scatter [tilespmem:s17], [sflag:$0x4], $0x400, $0x38;
	[tilespmem:$0xE5C0] =	vst v63  }
0x14c: {  	_ =	swait.ge [sflag:s22], $0x400  }
0x14d: {  	[sflag:s22] =	ssyncset.done $0x0  }
0x14e: {  	s18 =	simm.s32 $0x1400;
	[sflag:s22] =	ssyncadd.s32 $0xFFFFFC00  }
0x14f: {  	[spmem:s11] =	stream.linear.scatter [tilespmem:s18], [sflag:$0x4], $0x40, $0x38;
	[tilespmem:$0xE5C0] =	vst v63  }
0x150: {  	_ =	swait.ge [sflag:s22], $0x40  }
0x151: {  	[sflag:s22] =	ssyncset.done $0x0  }
0x152: {  	[sflag:s22] =	ssyncadd.s32 $0xFFFFFFC0  }
0x153: {  	[bflag:$0x0] =	sbarrier.arrive $0xFFFF  }
0x154: {  	s23 =	simm.s32 $0x1480;
	s21 =	rddreg [dreg:$0x4]  }
0x155: {  	[tilespmem:s23], [sflag:$0x3] =	stream.linear.gather [spmem:s21], $0x4000, $0x38;
	[tilespmem:$0xE5C0] =	vst v63  }
0x156: {  	s1 =	simm.s32 $0xD4C0;
	s24 =	rddreg [dreg:$0x5]  }
0x157: {  	[tilespmem:s25], [sflag:$0x3] =	stream.linear.gather [spmem:s24], $0x400, $0x38;
	[tilespmem:$0xE5C0] =	vst v63  }
0x158: {  	[tilespmem:s1+$0x30] =	vst v2  }
0x159: {  	[tilespmem:s1+$0xFFFFFFF0] =	vst v2  }
0x15a: {  	[tilespmem:s1+$0xFFFFFFC0] =	vst v2  }
0x15b: {  	[tilespmem:s1+$0xFFFFFFE0] =	vst v2  }
0x15c: {  	[tilespmem:s1+$0x10] =	vst v2  }
0x15d: {  	[tilespmem:s1+$0x20] =	vst v2  }
0x15e: {  	[tilespmem:s1+$0x0] =	vst v2  }
0x15f: {  	s2 =	simm.s32 $0xD8C0;
	[tilespmem:s1+$0xFFFFFFD0] =	vst v2  }
0x160: {  	[tilespmem:s2+$0xFFFFFFC0] =	vst v2  }
0x161: {  	[tilespmem:s2+$0x30] =	vst v2  }
0x162: {  	[tilespmem:s2+$0x20] =	vst v2  }
0x163: {  	[tilespmem:s2+$0x10] =	vst v2  }
0x164: {  	[tilespmem:s2+$0xFFFFFFE0] =	vst v2  }
0x165: {  	[tilespmem:s2+$0x0] =	vst v2  }
0x166: {  	s17 =	simm.s32 $0x0;
	[tilespmem:s2+$0xFFFFFFF0] =	vst v2  }
.LBB2_6:
0x167: {  	s17 =	sadd.s32 $0x8, s17;
	[tilespmem:s2+$0xFFFFFFD0] =	vst v2;
	s1 =	sadd.s32 $0x80, s1;
	s2 =	sadd.s32 $0x80, s2  }
0x168: {  	[tilespmem:s1+$0x30] =	vst v2;
	p1 =	slt.u32 s17, $0x38  }
0x169: {  	[tilespmem:s1+$0xFFFFFFF0] =	vst v2  }
0x16a: {  	[tilespmem:s1+$0xFFFFFFC0] =	vst v2  }
0x16b: {  	[tilespmem:s2+$0xFFFFFFC0] =	vst v2  }
0x16c: {  	[tilespmem:s2+$0x30] =	vst v2  }
0x16d: {  	[tilespmem:s1+$0xFFFFFFE0] =	vst v2  }
0x16e: {  	[tilespmem:s1+$0x10] =	vst v2  }
0x16f: {  	[tilespmem:s1+$0x20] =	vst v2  }
0x170: {  	[tilespmem:s2+$0x20] =	vst v2  }
0x171: {  	[tilespmem:s2+$0x10] =	vst v2  }
.Ltmp2:
0x172: {  	[tilespmem:s2+$0xFFFFFFE0] =	vst v2;
	(pc) =	sbr.rel @p1 .LBB2_6-.Ltmp2, $4  }
0x173: {  	[tilespmem:s1+$0x0] =	vst v2  }
0x174: {  	[tilespmem:s2+$0x0] =	vst v2  }
0x175: {  	[tilespmem:s2+$0xFFFFFFF0] =	vst v2  }
0x176: {  	[tilespmem:s1+$0xFFFFFFD0] =	vst v2  }
0x177: {  	[tilespmem:s2+$0xFFFFFFD0] =	vst v2  }
0x178: {  	_ =	swait.ge [sflag:s26], $0x4000  }
0x179: {  	[sflag:s26] =	ssyncset.done $0x0  }
0x17a: {  	[sflag:s26] =	ssyncadd.s32 $0xFFFFC000  }
0x17b: {  	_ =	swait.ge [sflag:s26], $0x400  }
0x17c: {  	[sflag:s26] =	ssyncset.done $0x0  }
0x17d: {  	[sflag:s26] =	ssyncadd.s32 $0xFFFFFC00  }
0x17e: {  	_ =	swait.ge [sflag:s28], $0x4000  }
0x17f: {  	[sflag:s28] =	ssyncset.done $0x0  }
0x180: {  	[sflag:s28] =	ssyncadd.s32 $0xFFFFC000  }
0x181: {  	_ =	swait.ge [sflag:s28], $0x4000  }
0x182: {  	[sflag:s28] =	ssyncset.done $0x0  }
0x183: {  	s17 =	simm.s32 $0x14C0;
	[sflag:s28] =	ssyncadd.s32 $0xFFFFC000  }
0x184: {  	v7 =	vld [tilespmem:s17+$0x30]  }
0x185: {  	v8 =	vld [tilespmem:s17+$0xFFFFFFD0]  }
0x186: {  	s1 =	simm.s32 $0x54C0;
	v9 =	vld [tilespmem:s17+$0xFFFFFFE0]  }
0x187: {  	v10 =	vld [tilespmem:s1+$0x30]  }
0x188: {  	v11 =	vld [tilespmem:s17+$0xFFFFFFF0]  }
0x189: {  	v12 =	vld [tilespmem:s17+$0x0]  }
0x18a: {  	v13 =	vld [tilespmem:s17+$0x10]  }
0x18b: {  	v14 =	vld [tilespmem:s17+$0x20]  }
0x18c: {  	v15 =	vld [tilespmem:s17+$0xFFFFFFC0]  }
0x18d: {  	v16 =	vld [tilespmem:s1+$0xFFFFFFC0]  }
0x18e: {  	v17 =	vld [tilespmem:s1+$0xFFFFFFD0]  }
0x18f: {  	v18 =	vld [tilespmem:s1+$0xFFFFFFE0]  }
0x190: {  	v27 =	vld [tilespmem:s1+$0x0]  }
0x191: {  	v19 =	vld [tilespmem:s1+$0x10]  }
0x192: {  	v20 =	vld [tilespmem:s1+$0x20]  }
0x193: {  	[tilespmem:v7+s29+$0x0] =	vst.idx.add.f32.msk $0xffff, v10  }
0x194: {  	[tilespmem:v15+s29+$0x0] =	vst.idx.add.f32.msk $0xffff, v16  }
0x195: {  	[tilespmem:v8+s29+$0x0] =	vst.idx.add.f32.msk $0xffff, v17  }
0x196: {  	[tilespmem:v9+s29+$0x0] =	vst.idx.add.f32.msk $0xffff, v18  }
0x197: {  	[tilespmem:v12+s29+$0x0] =	vst.idx.add.f32.msk $0xffff, v27  }
0x198: {  	s2 =	simm.s32 $0x94C0;
	[tilespmem:v13+s29+$0x0] =	vst.idx.add.f32.msk $0xffff, v19  }
0x199: {  	v10 =	vld [tilespmem:s2+$0x30]  }
0x19a: {  	[tilespmem:v14+s29+$0x0] =	vst.idx.add.f32.msk $0xffff, v20  }
0x19b: {  	v24 =	vld [tilespmem:s2+$0xFFFFFFD0]  }
0x19c: {  	v25 =	vld [tilespmem:s2+$0xFFFFFFE0]  }
0x19d: {  	v27 =	vld [tilespmem:s2+$0x0]  }
0x19e: {  	[tilespmem:v7+s30+$0x0] =	vst.idx.add.f32.msk $0xffff, v10  }
0x19f: {  	v7 =	vld [tilespmem:s1+$0xFFFFFFF0]  }
0x1a0: {  	v19 =	vld [tilespmem:s2+$0x10]  }
0x1a1: {  	v20 =	vld [tilespmem:s2+$0x20]  }
0x1a2: {  	[tilespmem:v8+s30+$0x0] =	vst.idx.add.f32.msk $0xffff, v24  }
0x1a3: {  	[tilespmem:v9+s30+$0x0] =	vst.idx.add.f32.msk $0xffff, v25  }
0x1a4: {  	[tilespmem:v11+s29+$0x0] =	vst.idx.add.f32.msk $0xffff, v7  }
0x1a5: {  	v7 =	vld [tilespmem:s2+$0xFFFFFFC0]  }
0x1a6: {  	v26 =	vld [tilespmem:s2+$0xFFFFFFF0]  }
0x1a7: {  	[tilespmem:v12+s30+$0x0] =	vst.idx.add.f32.msk $0xffff, v27  }
0x1a8: {  	[tilespmem:v13+s30+$0x0] =	vst.idx.add.f32.msk $0xffff, v19  }
0x1a9: {  	[tilespmem:v14+s30+$0x0] =	vst.idx.add.f32.msk $0xffff, v20  }
0x1aa: {  	[tilespmem:v15+s30+$0x0] =	vst.idx.add.f32.msk $0xffff, v7  }
0x1ab: {  	s18 =	simm.s32 $0x1540;
	s17 =	simm.s32 $0x0;
	[tilespmem:v11+s30+$0x0] =	vst.idx.add.f32.msk $0xffff, v26  }
.LBB2_8:
0x1ac: {  	v7 =	vld [tilespmem:s18+$0x30];
	s17 =	sadd.s32 $0x8, s17  }
0x1ad: {  	v8 =	vld [tilespmem:s18+$0xFFFFFFD0];
	p1 =	slt.u32 s17, $0x3F8  }
0x1ae: {  	s1 =	sadd.s32 $0x80, s1;
	v9 =	vld [tilespmem:s18+$0xFFFFFFE0]  }
0x1af: {  	v10 =	vld [tilespmem:s1+$0x30]  }
0x1b0: {  	v11 =	vld [tilespmem:s18+$0xFFFFFFF0]  }
0x1b1: {  	v12 =	vld [tilespmem:s18+$0x0]  }
0x1b2: {  	v13 =	vld [tilespmem:s18+$0x10]  }
0x1b3: {  	v14 =	vld [tilespmem:s18+$0x20]  }
0x1b4: {  	s2 =	sadd.s32 $0x80, s2;
	[tilespmem:v7+s29+$0x0] =	vst.idx.add.f32.msk $0xffff, v10  }
0x1b5: {  	v10 =	vld [tilespmem:s2+$0x30]  }
0x1b6: {  	v15 =	vld [tilespmem:s18+$0xFFFFFFC0]  }
0x1b7: {  	v16 =	vld [tilespmem:s1+$0xFFFFFFC0]  }
0x1b8: {  	v17 =	vld [tilespmem:s1+$0xFFFFFFD0]  }
0x1b9: {  	v18 =	vld [tilespmem:s1+$0xFFFFFFE0]  }
0x1ba: {  	[tilespmem:v7+s30+$0x0] =	vst.idx.add.f32.msk $0xffff, v10  }
0x1bb: {  	v7 =	vld [tilespmem:s1+$0xFFFFFFF0]  }
0x1bc: {  	v10 =	vld [tilespmem:s1+$0x0]  }
0x1bd: {  	v19 =	vld [tilespmem:s1+$0x10]  }
0x1be: {  	v20 =	vld [tilespmem:s1+$0x20]  }
0x1bf: {  	[tilespmem:v15+s29+$0x0] =	vst.idx.add.f32.msk $0xffff, v16  }
0x1c0: {  	[tilespmem:v8+s29+$0x0] =	vst.idx.add.f32.msk $0xffff, v17  }
0x1c1: {  	[tilespmem:v9+s29+$0x0] =	vst.idx.add.f32.msk $0xffff, v18  }
0x1c2: {  	[tilespmem:v11+s29+$0x0] =	vst.idx.add.f32.msk $0xffff, v7  }
0x1c3: {  	[tilespmem:v12+s29+$0x0] =	vst.idx.add.f32.msk $0xffff, v10  }
0x1c4: {  	[tilespmem:v13+s29+$0x0] =	vst.idx.add.f32.msk $0xffff, v19  }
0x1c5: {  	[tilespmem:v14+s29+$0x0] =	vst.idx.add.f32.msk $0xffff, v20  }
0x1c6: {  	v7 =	vld [tilespmem:s2+$0xFFFFFFC0]  }
0x1c7: {  	v10 =	vld [tilespmem:s2+$0xFFFFFFD0]  }
0x1c8: {  	v16 =	vld [tilespmem:s2+$0xFFFFFFE0]  }
0x1c9: {  	v17 =	vld [tilespmem:s2+$0xFFFFFFF0]  }
0x1ca: {  	v18 =	vld [tilespmem:s2+$0x0]  }
0x1cb: {  	v19 =	vld [tilespmem:s2+$0x10]  }
0x1cc: {  	v20 =	vld [tilespmem:s2+$0x20]  }
0x1cd: {  	[tilespmem:v15+s30+$0x0] =	vst.idx.add.f32.msk $0xffff, v7  }
0x1ce: {  	[tilespmem:v8+s30+$0x0] =	vst.idx.add.f32.msk $0xffff, v10  }
.Ltmp3:
0x1cf: {  	[tilespmem:v9+s30+$0x0] =	vst.idx.add.f32.msk $0xffff, v16;
	(pc) =	sbr.rel @p1 .LBB2_8-.Ltmp3, $4  }
0x1d0: {  	[tilespmem:v11+s30+$0x0] =	vst.idx.add.f32.msk $0xffff, v17  }
0x1d1: {  	[tilespmem:v12+s30+$0x0] =	vst.idx.add.f32.msk $0xffff, v18  }
0x1d2: {  	[tilespmem:v13+s30+$0x0] =	vst.idx.add.f32.msk $0xffff, v19  }
0x1d3: {  	s18 =	sadd.s32 $0x80, s18;
	[tilespmem:v14+s30+$0x0] =	vst.idx.add.f32.msk $0xffff, v20  }
0x1d4: {  	v7 =	vld [tilespmem:$0xDC80]  }
0x1d5: {  	v8 =	vld [tilespmem:$0xDCC0]  }
0x1d6: {  	v9 =	vld [tilespmem:$0xDD00]  }
0x1d7: {  	v10 =	vld [tilespmem:$0xDD40]  }
0x1d8: {  	v11 =	vld [tilespmem:$0xDD80]  }
0x1d9: {  	v12 =	vld [tilespmem:$0xDDC0]  }
0x1da: {  	v13 =	vld [tilespmem:$0xDE00]  }
0x1db: {  	v14 =	vld [tilespmem:$0xDE40]  }
0x1dc: {  	v25 =	vld [tilespmem:$0x1FEC0]  }
0x1dd: {  	v15 =	vld [tilespmem:$0xDE80]  }
0x1de: {  	v16 =	vld [tilespmem:$0xDEC0];
	v7 =	vadd.f32 $0.0e+00, v7  }
0x1df: {  	v17 =	vld [tilespmem:$0xDF00]  }
0x1e0: {  	v18 =	vld [tilespmem:$0xDF40];
	v7 =	vadd.f32 v8, v7  }
0x1e1: {  	v30 =	vld [tilespmem:$0x1FF10]  }
0x1e2: {  	v23 =	vld.idx.msk [tilespmem:v1+s29+$0x0], $0xffff;
	v7 =	vadd.f32 v9, v7  }
0x1e3: {  	v19 =	vld [tilespmem:$0xDF80]  }
0x1e4: {  	v8 =	vld.idx.msk [tilespmem:v25+s29+$0x0], $0xffff;
	v7 =	vadd.f32 v10, v7  }
0x1e5: {  	v24 =	vld.idx.msk [tilespmem:v1+s30+$0x0], $0xffff  }
0x1e6: {  	v20 =	vld [tilespmem:$0xDFC0];
	v7 =	vadd.f32 v11, v7  }
0x1e7: {  	v26 =	vld [tilespmem:$0x1FED0];
	v23 =	vadd.f32 $0.0e+00, v23  }
0x1e8: {  	v27 =	vld [tilespmem:$0x1FEE0];
	v7 =	vadd.f32 v12, v7  }
0x1e9: {  	v8 =	vadd.f32 v8, v23;
	v23 =	vld.idx.msk [tilespmem:v30+s30+$0x0], $0xffff  }
0x1ea: {  	v7 =	vadd.f32 v13, v7;
	v13 =	vadd.f32 $0.0e+00, v24;
	v24 =	vld.idx.msk [tilespmem:v30+s29+$0x0], $0xffff  }
0x1eb: {  	v30 =	vld [tilespmem:$0x1FF20]  }
0x1ec: {  	v21 =	vld [tilespmem:$0xE000]  }
0x1ed: {  	v28 =	vld [tilespmem:$0x1FEF0]  }
0x1ee: {  	v29 =	vld [tilespmem:$0x1FF00]  }
0x1ef: {  	v9 =	vld.idx.msk [tilespmem:v26+s29+$0x0], $0xffff  }
0x1f0: {  	v25 =	vld.idx.msk [tilespmem:v25+s30+$0x0], $0xffff  }
0x1f1: {  	v26 =	vld.idx.msk [tilespmem:v26+s30+$0x0], $0xffff  }
0x1f2: {  	v10 =	vld.idx.msk [tilespmem:v27+s29+$0x0], $0xffff  }
0x1f3: {  	v7 =	vadd.f32 v14, v7;
	v14 =	vld.idx.msk [tilespmem:v30+s29+$0x0], $0xffff  }
0x1f4: {  	v8 =	vadd.f32 v9, v8;
	v9 =	vld.idx.msk [tilespmem:v30+s30+$0x0], $0xffff  }
0x1f5: {  	v30 =	vld [tilespmem:$0x1FF30]  }
0x1f6: {  	v27 =	vld.idx.msk [tilespmem:v27+s30+$0x0], $0xffff  }
0x1f7: {  	v11 =	vld.idx.msk [tilespmem:v28+s29+$0x0], $0xffff  }
0x1f8: {  	v28 =	vld.idx.msk [tilespmem:v28+s30+$0x0], $0xffff  }
0x1f9: {  	v12 =	vld.idx.msk [tilespmem:v29+s29+$0x0], $0xffff  }
0x1fa: {  	v29 =	vld.idx.msk [tilespmem:v29+s30+$0x0], $0xffff;
	v13 =	vadd.f32 v25, v13  }
0x1fb: {  	v25 =	vld [tilespmem:$0x1FF70]  }
0x1fc: {  	v7 =	vadd.f32 v15, v7;
	v13 =	vadd.f32 v26, v13;
	v26 =	vld [tilespmem:$0x1FF80]  }
0x1fd: {  	v8 =	vadd.f32 v10, v8;
	v15 =	vld.idx.msk [tilespmem:v30+s29+$0x0], $0xffff  }
0x1fe: {  	v7 =	vadd.f32 v16, v7;
	v13 =	vadd.f32 v27, v13;
	v10 =	vld.idx.msk [tilespmem:v30+s30+$0x0], $0xffff  }
0x1ff: {  	v8 =	vadd.f32 v11, v8;
	v30 =	vld [tilespmem:$0x1FF40]  }
0x200: {  	v22 =	vld [tilespmem:$0xE040];
	v7 =	vadd.f32 v17, v7;
	v13 =	vadd.f32 v28, v13  }
0x201: {  	v8 =	vadd.f32 v12, v8;
	v27 =	vld [tilespmem:$0x1FF90]  }
0x202: {  	v28 =	vld [tilespmem:$0x1FF50];
	v7 =	vadd.f32 v18, v7;
	v13 =	vadd.f32 v29, v13  }
0x203: {  	v8 =	vadd.f32 v24, v8;
	v29 =	vld [tilespmem:$0x1FFA0]  }
0x204: {  	v7 =	vadd.f32 v19, v7;
	v13 =	vadd.f32 v23, v13;
	v19 =	vld.idx.msk [tilespmem:v25+s29+$0x0], $0xffff  }
0x205: {  	v8 =	vadd.f32 v14, v8;
	v14 =	vld.idx.msk [tilespmem:v25+s30+$0x0], $0xffff  }
0x206: {  	v9 =	vadd.f32 v9, v13;
	v13 =	vld.idx.msk [tilespmem:v26+s29+$0x0], $0xffff  }
0x207: {  	v16 =	vld.idx.msk [tilespmem:v30+s29+$0x0], $0xffff  }
0x208: {  	v11 =	vld.idx.msk [tilespmem:v30+s30+$0x0], $0xffff  }
0x209: {  	v30 =	vld [tilespmem:$0x1FF60]  }
0x20a: {  	v17 =	vld.idx.msk [tilespmem:v28+s29+$0x0], $0xffff  }
0x20b: {  	v7 =	vadd.f32 v20, v7;
	v12 =	vld.idx.msk [tilespmem:v28+s30+$0x0], $0xffff  }
0x20c: {  	v28 =	vld.idx.msk [tilespmem:v27+s30+$0x0], $0xffff  }
0x20d: {  	v7 =	vadd.f32 v21, v7;
	v21 =	vld [tilespmem:$0xDF10]  }
0x20e: {  	v25 =	vld.idx.msk [tilespmem:v29+s30+$0x0], $0xffff  }
0x20f: {  	v7 =	vadd.f32 v22, v7;
	v22 =	vld [tilespmem:$0xDF50]  }
0x210: {  	v8 =	vadd.f32 v15, v8;
	v15 =	vld.idx.msk [tilespmem:v26+s30+$0x0], $0xffff  }
0x211: {  	v9 =	vadd.f32 v10, v9;
	v18 =	vld.idx.msk [tilespmem:v30+s29+$0x0], $0xffff  }
0x212: {  	v24 =	vld.idx.msk [tilespmem:v30+s30+$0x0], $0xffff  }
0x213: {  	v10 =	vld.idx.msk [tilespmem:v27+s29+$0x0], $0xffff;
	v8 =	vadd.f32 v16, v8;
	v9 =	vadd.f32 v11, v9  }
0x214: {  	v27 =	vld [tilespmem:$0xDC90]  }
0x215: {  	v16 =	vld [tilespmem:$0xDE90];
	v8 =	vadd.f32 v17, v8;
	v9 =	vadd.f32 v12, v9  }
0x216: {  	v26 =	vmax.f32 v7, $1.000000000e+00;
	v11 =	vld [tilespmem:$0xDED0]  }
0x217: {  	(erf) = vrcp.f32 v26;
	v12 =	vld [tilespmem:$0xDCD0];
	v8 =	vadd.f32 v18, v8;
	v9 =	vadd.f32 v24, v9  }
0x218: {  	v17 =	vld [tilespmem:$0xDFD0]  }
0x219: {  	v18 =	vld [tilespmem:$0xDD10];
	v8 =	vadd.f32 v19, v8;
	v9 =	vadd.f32 v14, v9  }
0x21a: {  	v20 =	vadd.f32 $0.0e+00, v27;
	v30 =	vld.idx.msk [tilespmem:v29+s29+$0x0], $0xffff  }
0x21b: {  	v19 =	vld [tilespmem:$0xDD50];
	v8 =	vadd.f32 v13, v8;
	v9 =	vadd.f32 v15, v9  }
0x21c: {  	v12 =	vadd.f32 v12, v20;
	v14 =	vld [tilespmem:$0xDD90]  }
0x21d: {  	v13 =	vld [tilespmem:$0xDDD0];
	v8 =	vadd.f32 v10, v8;
	v9 =	vadd.f32 v28, v9  }
0x21e: {  	v15 =	vld [tilespmem:$0xDE10];
	v12 =	vadd.f32 v18, v12  }
0x21f: {  	v8 =	vadd.f32 v30, v8;
	v9 =	vadd.f32 v25, v9;
	v30 =	vld [tilespmem:$0x1FFB0]  }
0x220: {  	v10 =	vld [tilespmem:$0xDE50];
	v28 =	vpop (erf);
	v12 =	vadd.f32 v19, v12  }
0x221: {  	v8 =	vmul.f32 v8, v28;
	v29 =	vmul.f32 v9, v28;
	v9 =	vld [tilespmem:$0xDF90]  }
0x222: {  	vm0 =	vgt.f32 v7, $0.0e+00;
	v12 =	vadd.f32 v14, v12;
	v28 =	vld [tilespmem:$0x1FFC0]  }
0x223: {  	v8 =	vnsel vm0, $0x0, v8;
	v7 =	vnsel vm0, $0x0, v29;
	v29 =	vld [tilespmem:$0x1FFD0]  }
0x224: {  	v12 =	vadd.f32 v13, v12;
	[tilespmem:$0xE080] =	vst v8;
	v8 =	vld [tilespmem:$0xE010]  }
0x225: {  	[tilespmem:$0xE100] =	vst v7;
	v7 =	vld [tilespmem:$0xE050]  }
0x226: {  	v12 =	vadd.f32 v15, v12;
	v15 =	vld [tilespmem:$0xDE20]  }
0x227: {  	v23 =	vld.idx.msk [tilespmem:v30+s29+$0x0], $0xffff  }
0x228: {  	v24 =	vld.idx.msk [tilespmem:v30+s30+$0x0], $0xffff  }
0x229: {  	v30 =	vld [tilespmem:$0x1FFE0]  }
0x22a: {  	v20 =	vld.idx.msk [tilespmem:v28+s29+$0x0], $0xffff  }
0x22b: {  	v25 =	vld.idx.msk [tilespmem:v28+s30+$0x0], $0xffff  }
0x22c: {  	v18 =	vld.idx.msk [tilespmem:v29+s29+$0x0], $0xffff  }
0x22d: {  	v26 =	vld.idx.msk [tilespmem:v29+s30+$0x0], $0xffff  }
0x22e: {  	v29 =	vld [tilespmem:$0x1FFF0]  }
0x22f: {  	v28 =	vld.idx.msk [tilespmem:v6+s29+$0x0], $0xffff  }
0x230: {  	v6 =	vld.idx.msk [tilespmem:v6+s30+$0x0], $0xffff  }
0x231: {  	v13 =	vadd.f32 $0.0e+00, v23;
	v19 =	vld.idx.msk [tilespmem:v30+s29+$0x0], $0xffff  }
0x232: {  	v27 =	vld.idx.msk [tilespmem:v30+s30+$0x0], $0xffff  }
0x233: {  	v13 =	vadd.f32 v20, v13;
	v30 =	vadd.f32 $0.0e+00, v24;
	v24 =	vld.idx.msk [tilespmem:v5+s29+$0x0], $0xffff  }
0x234: {  	v10 =	vadd.f32 v10, v12;
	v5 =	vld.idx.msk [tilespmem:v5+s30+$0x0], $0xffff  }
0x235: {  	v13 =	vadd.f32 v18, v13;
	v18 =	vld.idx.msk [tilespmem:v63+s30+$0x0], $0xffff  }
0x236: {  	v10 =	vadd.f32 v16, v10;
	v20 =	vadd.f32 v25, v30;
	v14 =	vld.idx.msk [tilespmem:v29+s29+$0x0], $0xffff  }
0x237: {  	v23 =	vld.idx.msk [tilespmem:v29+s30+$0x0], $0xffff  }
0x238: {  	v10 =	vadd.f32 v11, v10;
	v25 =	vld.idx.msk [tilespmem:v4+s29+$0x0], $0xffff;
	v12 =	vadd.f32 v26, v20  }
0x239: {  	v4 =	vld.idx.msk [tilespmem:v4+s30+$0x0], $0xffff;
	v13 =	vadd.f32 v19, v13  }
0x23a: {  	v10 =	vadd.f32 v21, v10;
	v30 =	vld.idx.msk [tilespmem:v62+s30+$0x0], $0xffff;
	v27 =	vadd.f32 v27, v12  }
0x23b: {  	v26 =	vld.idx.msk [tilespmem:v63+s29+$0x0], $0xffff;
	v13 =	vadd.f32 v14, v13  }
0x23c: {  	v10 =	vadd.f32 v22, v10;
	v29 =	vld.idx.msk [tilespmem:v62+s29+$0x0], $0xffff;
	v11 =	vadd.f32 v23, v27  }
0x23d: {  	v62 =	vld.idx.msk [tilespmem:v60+s29+$0x0], $0xffff;
	v13 =	vadd.f32 v28, v13  }
0x23e: {  	v9 =	vadd.f32 v9, v10;
	v63 =	vld.idx.msk [tilespmem:v60+s30+$0x0], $0xffff;
	v6 =	vadd.f32 v6, v11  }
0x23f: {  	v60 =	vld [tilespmem:$0xDCE0];
	v13 =	vadd.f32 v24, v13  }
0x240: {  	v9 =	vadd.f32 v17, v9;
	v19 =	vld.idx.msk [tilespmem:v61+s29+$0x0], $0xffff;
	v5 =	vadd.f32 v5, v6  }
0x241: {  	v61 =	vld.idx.msk [tilespmem:v61+s30+$0x0], $0xffff;
	v24 =	vadd.f32 v25, v13  }
0x242: {  	v8 =	vadd.f32 v8, v9;
	v9 =	vld [tilespmem:$0xDE60];
	v4 =	vadd.f32 v4, v5  }
0x243: {  	v12 =	vld [tilespmem:$0xDEA0];
	v10 =	vadd.f32 v26, v24  }
0x244: {  	v7 =	vadd.f32 v7, v8;
	v8 =	vld [tilespmem:$0xDEE0];
	v4 =	vadd.f32 v18, v4  }
0x245: {  	v23 =	vld.idx.msk [tilespmem:v59+s29+$0x0], $0xffff;
	v10 =	vadd.f32 v29, v10  }
0x246: {  	v25 =	vld.idx.msk [tilespmem:v59+s30+$0x0], $0xffff;
	v4 =	vadd.f32 v30, v4  }
0x247: {  	v5 =	vld.idx.msk [tilespmem:v58+s29+$0x0], $0xffff;
	v10 =	vadd.f32 v19, v10  }
0x248: {  	v26 =	vld.idx.msk [tilespmem:v58+s30+$0x0], $0xffff;
	v58 =	vmax.f32 v7, $1.000000000e+00;
	v4 =	vadd.f32 v61, v4  }
0x249: {  	v27 =	vld.idx.msk [tilespmem:v57+s29+$0x0], $0xffff;
	(erf) = vrcp.f32 v58;
	v10 =	vadd.f32 v62, v10  }
0x24a: {  	v14 =	vld [tilespmem:$0xDFE0];
	v4 =	vadd.f32 v63, v4  }
0x24b: {  	v29 =	vld.idx.msk [tilespmem:v57+s30+$0x0], $0xffff;
	v6 =	vadd.f32 v23, v10  }
0x24c: {  	v30 =	vld.idx.msk [tilespmem:v56+s29+$0x0], $0xffff;
	v4 =	vadd.f32 v25, v4  }
0x24d: {  	v57 =	vld.idx.msk [tilespmem:v56+s30+$0x0], $0xffff;
	v5 =	vadd.f32 v5, v6  }
0x24e: {  	v28 =	vld [tilespmem:$0xDDE0];
	v4 =	vadd.f32 v26, v4  }
0x24f: {  	v59 =	vld [tilespmem:$0xDCA0];
	v5 =	vadd.f32 v27, v5  }
0x250: {  	v18 =	vld [tilespmem:$0xDF20];
	v4 =	vadd.f32 v29, v4  }
0x251: {  	vm13 =	vgt.f32 v7, $0.0e+00;
	v7 =	vld [tilespmem:$0xDFA0];
	v5 =	vadd.f32 v30, v5  }
0x252: {  	v61 =	vld [tilespmem:$0xDD20];
	v29 =	vpop (erf);
	v4 =	vadd.f32 v57, v4  }
0x253: {  	v19 =	vld [tilespmem:$0xDF60];
	v5 =	vmul.f32 v5, v29  }
0x254: {  	v62 =	vld [tilespmem:$0xDD60];
	v4 =	vmul.f32 v4, v29  }
0x255: {  	v63 =	vld [tilespmem:$0xDDA0];
	v5 =	vnsel vm13, $0x0, v5  }
0x256: {  	v4 =	vnsel vm13, $0x0, v4;
	[tilespmem:$0xE090] =	vst v5;
	v5 =	vld [tilespmem:$0xE020]  }
0x257: {  	[tilespmem:$0xE110] =	vst v4;
	v4 =	vld [tilespmem:$0xE060]  }
0x258: {  	v17 =	vadd.f32 $0.0e+00, v59;
	v30 =	vld.idx.msk [tilespmem:v55+s29+$0x0], $0xffff  }
0x259: {  	v55 =	vld.idx.msk [tilespmem:v55+s30+$0x0], $0xffff  }
0x25a: {  	v11 =	vadd.f32 v60, v17;
	v56 =	vld.idx.msk [tilespmem:v54+s29+$0x0], $0xffff  }
0x25b: {  	v57 =	vld.idx.msk [tilespmem:v54+s30+$0x0], $0xffff  }
0x25c: {  	v11 =	vadd.f32 v61, v11;
	v58 =	vld.idx.msk [tilespmem:v53+s29+$0x0], $0xffff  }
0x25d: {  	v59 =	vld.idx.msk [tilespmem:v53+s30+$0x0], $0xffff  }
0x25e: {  	v10 =	vadd.f32 v62, v11;
	v60 =	vld.idx.msk [tilespmem:v52+s29+$0x0], $0xffff  }
0x25f: {  	v61 =	vld.idx.msk [tilespmem:v52+s30+$0x0], $0xffff  }
0x260: {  	v10 =	vadd.f32 v63, v10;
	v62 =	vld.idx.msk [tilespmem:v51+s29+$0x0], $0xffff  }
0x261: {  	v63 =	vld.idx.msk [tilespmem:v51+s30+$0x0], $0xffff  }
0x262: {  	v6 =	vadd.f32 v28, v10;
	v28 =	vld.idx.msk [tilespmem:v50+s29+$0x0], $0xffff  }
0x263: {  	v29 =	vld.idx.msk [tilespmem:v50+s30+$0x0], $0xffff  }
0x264: {  	v50 =	vld.idx.msk [tilespmem:v49+s29+$0x0], $0xffff;
	v20 =	vadd.f32 $0.0e+00, v30  }
0x265: {  	v6 =	vadd.f32 v15, v6;
	v51 =	vld.idx.msk [tilespmem:v49+s30+$0x0], $0xffff;
	v30 =	vadd.f32 $0.0e+00, v55  }
0x266: {  	v53 =	vld.idx.msk [tilespmem:v48+s29+$0x0], $0xffff;
	v17 =	vadd.f32 v56, v20  }
0x267: {  	v6 =	vadd.f32 v9, v6;
	v54 =	vld.idx.msk [tilespmem:v48+s30+$0x0], $0xffff;
	v52 =	vadd.f32 v57, v30  }
0x268: {  	v23 =	vld.idx.msk [tilespmem:v43+s29+$0x0], $0xffff;
	v16 =	vadd.f32 v58, v17  }
0x269: {  	v24 =	vld.idx.msk [tilespmem:v43+s30+$0x0], $0xffff;
	v6 =	vadd.f32 v12, v6;
	v9 =	vadd.f32 v59, v52  }
0x26a: {  	v25 =	vld.idx.msk [tilespmem:v42+s29+$0x0], $0xffff;
	v11 =	vadd.f32 v60, v16  }
0x26b: {  	v26 =	vld.idx.msk [tilespmem:v42+s30+$0x0], $0xffff;
	v6 =	vadd.f32 v8, v6;
	v57 =	vadd.f32 v61, v9  }
0x26c: {  	v42 =	vld [tilespmem:$0xDCB0];
	v11 =	vadd.f32 v62, v11  }
0x26d: {  	v43 =	vld [tilespmem:$0xDCF0];
	v6 =	vadd.f32 v18, v6;
	v8 =	vadd.f32 v63, v57  }
0x26e: {  	v48 =	vld [tilespmem:$0xDE30];
	v10 =	vadd.f32 v28, v11  }
0x26f: {  	v55 =	vld.idx.msk [tilespmem:v47+s29+$0x0], $0xffff;
	v6 =	vadd.f32 v19, v6;
	v8 =	vadd.f32 v29, v8  }
0x270: {  	v56 =	vld.idx.msk [tilespmem:v47+s30+$0x0], $0xffff;
	v10 =	vadd.f32 v50, v10  }
0x271: {  	v58 =	vld.idx.msk [tilespmem:v46+s29+$0x0], $0xffff;
	v6 =	vadd.f32 v7, v6;
	v22 =	vadd.f32 v51, v8  }
0x272: {  	v59 =	vld.idx.msk [tilespmem:v46+s30+$0x0], $0xffff;
	v10 =	vadd.f32 v53, v10  }
0x273: {  	v60 =	vld.idx.msk [tilespmem:v45+s29+$0x0], $0xffff;
	v6 =	vadd.f32 v14, v6;
	v7 =	vadd.f32 v54, v22  }
0x274: {  	v61 =	vld.idx.msk [tilespmem:v45+s30+$0x0], $0xffff;
	v10 =	vadd.f32 v55, v10  }
0x275: {  	v62 =	vld.idx.msk [tilespmem:v44+s29+$0x0], $0xffff;
	v5 =	vadd.f32 v5, v6;
	v27 =	vadd.f32 v56, v7  }
0x276: {  	v63 =	vld.idx.msk [tilespmem:v44+s30+$0x0], $0xffff;
	v9 =	vadd.f32 v58, v10  }
0x277: {  	v49 =	vld [tilespmem:$0xDE70];
	v4 =	vadd.f32 v4, v5;
	v5 =	vadd.f32 v59, v27  }
0x278: {  	v28 =	vld.idx.msk [tilespmem:v41+s29+$0x0], $0xffff;
	v9 =	vadd.f32 v60, v9  }
0x279: {  	v29 =	vld.idx.msk [tilespmem:v41+s30+$0x0], $0xffff;
	v41 =	vmax.f32 v4, $1.000000000e+00;
	v5 =	vadd.f32 v61, v5  }
0x27a: {  	v30 =	vld.idx.msk [tilespmem:v40+s29+$0x0], $0xffff;
	(erf) = vrcp.f32 v41;
	v9 =	vadd.f32 v62, v9  }
0x27b: {  	v40 =	vld.idx.msk [tilespmem:v40+s30+$0x0], $0xffff;
	v5 =	vadd.f32 v63, v5  }
0x27c: {  	v47 =	vld [tilespmem:$0xDDF0];
	v8 =	vadd.f32 v23, v9  }
0x27d: {  	v46 =	vld [tilespmem:$0xDDB0];
	v5 =	vadd.f32 v24, v5  }
0x27e: {  	v45 =	vld [tilespmem:$0xDD70];
	v8 =	vadd.f32 v25, v8  }
0x27f: {  	v44 =	vld [tilespmem:$0xDD30];
	v5 =	vadd.f32 v26, v5  }
0x280: {  	v57 =	vld [tilespmem:$0xE030];
	v7 =	vadd.f32 v28, v8  }
0x281: {  	v50 =	vld [tilespmem:$0xDEB0];
	v5 =	vadd.f32 v29, v5  }
0x282: {  	v51 =	vld [tilespmem:$0xDEF0];
	v6 =	vadd.f32 v30, v7  }
0x283: {  	v53 =	vld [tilespmem:$0xDF30];
	v52 =	vpop (erf);
	v5 =	vadd.f32 v40, v5  }
0x284: {  	v54 =	vld [tilespmem:$0xDF70];
	v6 =	vmul.f32 v6, v52  }
0x285: {  	v16 =	vadd.f32 $0.0e+00, v42;
	vm14 =	vgt.f32 v4, $0.0e+00;
	v55 =	vld [tilespmem:$0xDFB0];
	v4 =	vmul.f32 v5, v52  }
0x286: {  	v56 =	vld [tilespmem:$0xDFF0];
	v6 =	vnsel vm14, $0x0, v6  }
0x287: {  	v5 =	vadd.f32 v43, v16;
	v43 =	vld [tilespmem:$0x1FE50];
	v4 =	vnsel vm14, $0x0, v4;
	[tilespmem:$0xE0A0] =	vst v6  }
0x288: {  	[tilespmem:$0xE120] =	vst v4;
	v4 =	vld [tilespmem:$0xE070]  }
0x289: {  	v58 =	vld.idx.msk [tilespmem:v39+s29+$0x0], $0xffff  }
0x28a: {  	v59 =	vld.idx.msk [tilespmem:v39+s30+$0x0], $0xffff  }
0x28b: {  	v5 =	vadd.f32 v44, v5;
	v60 =	vld.idx.msk [tilespmem:v38+s29+$0x0], $0xffff  }
0x28c: {  	v61 =	vld.idx.msk [tilespmem:v38+s30+$0x0], $0xffff  }
0x28d: {  	v5 =	vadd.f32 v45, v5;
	v62 =	vld.idx.msk [tilespmem:v37+s29+$0x0], $0xffff  }
0x28e: {  	v63 =	vld.idx.msk [tilespmem:v37+s30+$0x0], $0xffff  }
0x28f: {  	v25 =	vld.idx.msk [tilespmem:v36+s29+$0x0], $0xffff;
	v5 =	vadd.f32 v46, v5  }
0x290: {  	v26 =	vld.idx.msk [tilespmem:v36+s30+$0x0], $0xffff  }
0x291: {  	v28 =	vld.idx.msk [tilespmem:v35+s29+$0x0], $0xffff;
	v5 =	vadd.f32 v47, v5  }
0x292: {  	v29 =	vld.idx.msk [tilespmem:v35+s30+$0x0], $0xffff  }
0x293: {  	v30 =	vld.idx.msk [tilespmem:v34+s29+$0x0], $0xffff;
	v5 =	vadd.f32 v48, v5  }
0x294: {  	v35 =	vld.idx.msk [tilespmem:v34+s30+$0x0], $0xffff;
	v9 =	vadd.f32 $0.0e+00, v58  }
0x295: {  	v37 =	vld.idx.msk [tilespmem:v33+s29+$0x0], $0xffff;
	v24 =	vadd.f32 $0.0e+00, v59;
	v5 =	vadd.f32 v49, v5  }
0x296: {  	v38 =	vld.idx.msk [tilespmem:v33+s30+$0x0], $0xffff;
	v9 =	vadd.f32 v60, v9  }
0x297: {  	v39 =	vld.idx.msk [tilespmem:v32+s29+$0x0], $0xffff;
	v27 =	vadd.f32 v61, v24;
	v5 =	vadd.f32 v50, v5  }
0x298: {  	v40 =	vld.idx.msk [tilespmem:v32+s30+$0x0], $0xffff;
	v9 =	vadd.f32 v62, v9  }
0x299: {  	v41 =	vld.idx.msk [tilespmem:v31+s29+$0x0], $0xffff;
	v8 =	vadd.f32 v63, v27;
	v5 =	vadd.f32 v51, v5  }
0x29a: {  	v45 =	vld [tilespmem:$0x1FE60];
	v9 =	vadd.f32 v25, v9  }
0x29b: {  	v42 =	vld.idx.msk [tilespmem:v31+s30+$0x0], $0xffff;
	v36 =	vadd.f32 v26, v8;
	v5 =	vadd.f32 v53, v5  }
0x29c: {  	v44 =	vld.idx.msk [tilespmem:v43+s29+$0x0], $0xffff;
	v9 =	vadd.f32 v28, v9  }
0x29d: {  	v48 =	vld [tilespmem:$0x1FE70];
	v7 =	vadd.f32 v29, v36;
	v5 =	vadd.f32 v54, v5  }
0x29e: {  	v12 =	vld.idx.msk [tilespmem:v43+s30+$0x0], $0xffff;
	v9 =	vadd.f32 v30, v9  }
0x29f: {  	v50 =	vld [tilespmem:$0x1FE80];
	v7 =	vadd.f32 v35, v7;
	v5 =	vadd.f32 v55, v5  }
0x2a0: {  	v60 =	vld [tilespmem:$0x1FEB0];
	v8 =	vadd.f32 v37, v9  }
0x2a1: {  	v53 =	vld [tilespmem:$0x1FE90];
	v7 =	vadd.f32 v38, v7;
	v5 =	vadd.f32 v56, v5  }
0x2a2: {  	v46 =	vld.idx.msk [tilespmem:v45+s29+$0x0], $0xffff;
	v8 =	vadd.f32 v39, v8  }
0x2a3: {  	v7 =	vadd.f32 v40, v7;
	v5 =	vadd.f32 v57, v5;
	v57 =	vld [tilespmem:$0x1FEA0]  }
0x2a4: {  	v13 =	vld.idx.msk [tilespmem:v45+s30+$0x0], $0xffff;
	v8 =	vadd.f32 v41, v8  }
0x2a5: {  	v49 =	vld.idx.msk [tilespmem:v48+s29+$0x0], $0xffff;
	v47 =	vadd.f32 v42, v7  }
0x2a6: {  	v9 =	vld.idx.msk [tilespmem:v48+s30+$0x0], $0xffff;
	v8 =	vadd.f32 v44, v8  }
0x2a7: {  	v51 =	vld.idx.msk [tilespmem:v50+s29+$0x0], $0xffff;
	v4 =	vadd.f32 v4, v5;
	v5 =	vadd.f32 v12, v47  }
0x2a8: {  	v52 =	vld.idx.msk [tilespmem:v50+s30+$0x0], $0xffff;
	v8 =	vadd.f32 v46, v8  }
0x2a9: {  	v54 =	vld.idx.msk [tilespmem:v53+s29+$0x0], $0xffff;
	v5 =	vadd.f32 v13, v5;
	v55 =	vmax.f32 v4, $1.000000000e+00  }
0x2aa: {  	v56 =	vld.idx.msk [tilespmem:v53+s30+$0x0], $0xffff;
	v7 =	vadd.f32 v49, v8;
	(erf) = vrcp.f32 v55  }
0x2ab: {  	v5 =	vadd.f32 v9, v5;
	v58 =	vld.idx.msk [tilespmem:v57+s29+$0x0], $0xffff  }
0x2ac: {  	v6 =	vadd.f32 v51, v7;
	v59 =	vld.idx.msk [tilespmem:v57+s30+$0x0], $0xffff  }
0x2ad: {  	v61 =	vld.idx.msk [tilespmem:v60+s29+$0x0], $0xffff;
	v5 =	vadd.f32 v52, v5  }
0x2ae: {  	v62 =	vld.idx.msk [tilespmem:v60+s30+$0x0], $0xffff;
	v6 =	vadd.f32 v54, v6  }
0x2af: {  	v5 =	vadd.f32 v56, v5  }
0x2b0: {  	v6 =	vadd.f32 v58, v6  }
0x2b1: {  	v5 =	vadd.f32 v59, v5  }
0x2b2: {  	v6 =	vadd.f32 v61, v6  }
0x2b3: {  	v63 =	vpop (erf);
	v5 =	vadd.f32 v62, v5  }
0x2b4: {  	v6 =	vmul.f32 v6, v63  }
0x2b5: {  	vm15 =	vgt.f32 v4, $0.0e+00;
	v4 =	vmul.f32 v5, v63  }
0x2b6: {  	v5 =	vnsel vm15, $0x0, v6  }
0x2b7: {  	v4 =	vnsel vm15, $0x0, v4;
	[tilespmem:$0xE0B0] =	vst v5  }
0x2b8: {  	[tilespmem:$0xE130] =	vst v4  }
0x2b9: {  	[hbm4b:s12+s4] =	stream.linear.scatter [tilespmem:s31], [sflag:$0x4], $0x80, $0x38;
	[tilespmem:$0xE5C0] =	vst v63  }
0x2ba: {  	s3 =	sadd.s32 $0x1, s3;
	_ =	swait.ge [sflag:s22], $0x80  }
0x2bb: {  	p1 =	sne.s32 s3, s14;
	[sflag:s22] =	ssyncset.done $0x0  }
.Ltmp4:
0x2bc: {  	[sflag:s22] =	ssyncadd.s32 $0xFFFFFF80;
	(pc) =	sbr.rel @p1 .LBB2_1-.Ltmp4, $4  }
0x2bd: {  	[hbm4b:s13+s4] =	stream.linear.scatter [tilespmem:s0], [sflag:$0x4], $0x80, $0x38;
	[tilespmem:$0xE5C0] =	vst v63  }
0x2be: {  	_ =	swait.ge [sflag:s22], $0x80  }
0x2bf: {  	[sflag:s22] =	ssyncset.done $0x0  }
0x2c0: {  	[sflag:s22] =	ssyncadd.s32 $0xFFFFFF80  }
0x2c1: {  	_ =	sfence.sel $0x180000  }
0x2c2: {  	[bflag:$0x0] =	sbarrier.arrive $0xFFFF  }
0x2c3: {  	_ =	strace $0x90000047  }
0x2c4: {  	s0 =	stileid.u32;
	[bflag:$0x2] =	sbarrier.arrive $0xFFFF  }
0x2c5: {  	p0 =	sne.s32 s0, $0x0;
	s0 =	rddreg [dreg:$0x6]  }
0x2c6: {  	s0 =	sadd.s32 @!p0 $0x100000, s0  }
0x2c7: {  	[sflag:s0] =	ssyncadd.tile.s32 @!p0 $0x1;
	_ =	shalt  }
.Lfunc_end2:
_tile_overlayer_lowered:
.L_overlay_start_2:
0x2c8: {  	(tag) =	ssettag $0x2  }
0x2c9: {  	s0 =	rddreg [dreg:$0x0];
	s2 =	stileid.u32  }
0x2ca: {  	s1 =	rddreg [dreg:$0x1];
	p0 =	sne.s32 s2, $0x0  }
0x2cb: {  	s3 =	rddreg [dreg:$0x2];
	[bflag:$0x3] =	sbarrier.arrive $0xFFFF;
	s2 =	simm.s32 @!p0 $0x1C04  }
0x2cc: {  	[timem:s3], [sflag:s2] =	dma.local @!p0 [hbm:s0], s1  }
0x2cd: {  	s0 =	simm.s32 @!p0 $0x4  }
0x2ce: {  	_ =	swait.ge @!p0 [sflag:s0], s1  }
0x2cf: {  	s1 =	ssub.s32 @!p0 $0x0, s1;
	[sflag:s0] =	ssyncset.done @!p0 $0x0  }
0x2d0: {  	[sflag:s0] =	ssyncadd.s32 @!p0 s1  }
0x2d1: {  	[bflag:$0x3] =	sbarrier.arrive $0xFFFF  }
0x2d2: {  	_ =	shalt  }

</sc_bundles>
